<compile_context>
chip_gen: v7x
topology: tpu7x:2x2x1
jax: 0.10.2.dev20260603
libtpu: 0.0.44.dev20260713+nightly
codegen_flags: <defaults>
</compile_context>

<pallas_src>
import functools

import jax
import jax.numpy as jnp
from jax import lax
from jax.experimental import pallas as pl
from jax.experimental.pallas import tpu as pltpu
from jax.experimental.pallas import tpu_sc as plsc

V = 6
HP = 32
WP = 32
N = HP * WP
CD = 768
C = 256
NH = 8
NP = 4
HD = C // NH
Q = 2500
QPAD = 2560
QH = 1280
EPS = 1e-6
_PREC = lax.Precision.HIGHEST


def _dot(a, b, dims):
    return lax.dot_general(a, b, (dims, ((), ())),
                           preferred_element_type=jnp.float32,
                           precision=_PREC)


def _val_body(tok_ref, pw_ref, vw_ref, vb_ref, out_ref):
    x = tok_ref[0]
    v1 = _dot(x, pw_ref[...], ((1,), (1,)))
    v2 = _dot(v1, vw_ref[...], ((1,), (1,))) + vb_ref[...]
    for h in range(NH):
        out_ref[h] = v2[:, h * HD:(h + 1) * HD]


def _value_maps(tokens, proj_w, vp_w, vp_b):
    return pl.pallas_call(
        _val_body,
        grid=(V,),
        in_specs=[
            pl.BlockSpec((1, N, CD), lambda v: (v, 0, 0)),
            pl.BlockSpec((C, CD), lambda v: (0, 0)),
            pl.BlockSpec((C, C), lambda v: (0, 0)),
            pl.BlockSpec((1, C), lambda v: (0, 0)),
        ],
        out_specs=pl.BlockSpec((NH, N, HD), lambda v: (v, 0, 0)),
        out_shape=jax.ShapeDtypeStruct((V * NH, N, HD), jnp.float32),
    )(tokens, proj_w, vp_w, vp_b.reshape(1, C))


def _idxw_body(q_ref, swx_ref, swy_ref, sbx_ref, sby_ref, aww_ref, awb_ref,
               rx_ref, ry_ref, idx_ref, w_ref):
    qv = q_ref[...]
    offx = _dot(qv, swx_ref[...], ((1,), (1,))) + sbx_ref[...]
    offy = _dot(qv, swy_ref[...], ((1,), (1,))) + sby_ref[...]
    logits = _dot(qv, aww_ref[...], ((1,), (1,))) + awb_ref[...]
    m = jnp.max(logits, axis=1, keepdims=True)
    e = jnp.exp(logits - m)
    gi = lax.broadcasted_iota(jnp.int32, (NH * NP, NH * NP), 0) // NP
    gj = lax.broadcasted_iota(jnp.int32, (NH * NP, NH * NP), 1) // NP
    grp = (gi == gj).astype(jnp.float32)
    s = _dot(e, grp, ((1,), (0,)))
    aw = e / s

    refx = rx_ref[0]
    refy = ry_ref[0]

    px = (refx + offx * (1.0 / WP)) * float(WP) - 0.5
    py = (refy + offy * (1.0 / HP)) * float(HP) - 0.5
    x0 = jnp.floor(px)
    y0 = jnp.floor(py)
    wx1 = px - x0
    wy1 = py - y0
    idxs = []
    ws = []
    for cx, cy in ((0, 0), (1, 0), (0, 1), (1, 1)):
        ix = x0 + cx
        iy = y0 + cy
        vc = ((ix >= 0) & (ix <= WP - 1) & (iy >= 0) & (iy <= HP - 1))
        ixc = jnp.clip(ix, 0.0, WP - 1.0).astype(jnp.int32)
        iyc = jnp.clip(iy, 0.0, HP - 1.0).astype(jnp.int32)
        idxs.append(iyc * WP + ixc)
        wxc = wx1 if cx == 1 else 1.0 - wx1
        wyc = wy1 if cy == 1 else 1.0 - wy1
        ws.append(aw * wxc * wyc * vc.astype(jnp.float32))
    idx_ref[0] = jnp.concatenate(idxs, axis=1)
    w_ref[0] = jnp.concatenate(ws, axis=1)


def _indices_weights(bev_query, so_w, so_b, aw_w, aw_b, refx32, refy32):
    swx = so_w[0::2]
    swy = so_w[1::2]
    sbx = so_b[0::2].reshape(1, NH * NP)
    sby = so_b[1::2].reshape(1, NH * NP)
    return pl.pallas_call(
        _idxw_body,
        grid=(V,),
        in_specs=[
            pl.BlockSpec((Q, C), lambda v: (0, 0)),
            pl.BlockSpec((NH * NP, C), lambda v: (0, 0)),
            pl.BlockSpec((NH * NP, C), lambda v: (0, 0)),
            pl.BlockSpec((1, NH * NP), lambda v: (0, 0)),
            pl.BlockSpec((1, NH * NP), lambda v: (0, 0)),
            pl.BlockSpec((NH * NP, C), lambda v: (0, 0)),
            pl.BlockSpec((1, NH * NP), lambda v: (0, 0)),
            pl.BlockSpec((1, Q, NH * NP), lambda v: (v, 0, 0)),
            pl.BlockSpec((1, Q, NH * NP), lambda v: (v, 0, 0)),
        ],
        out_specs=[
            pl.BlockSpec((1, Q, 4 * NH * NP), lambda v: (v, 0, 0)),
            pl.BlockSpec((1, Q, 4 * NH * NP), lambda v: (v, 0, 0)),
        ],
        out_shape=[
            jax.ShapeDtypeStruct((V, Q, 4 * NH * NP), jnp.int32),
            jax.ShapeDtypeStruct((V, Q, 4 * NH * NP), jnp.float32),
        ],
    )(bev_query, swx, swy, sbx, sby, aw_w[...], aw_b.reshape(1, NH * NP),
      refx32, refy32)


def _ref_points(lidar2img):
    D = 4
    zs = jnp.linspace(0.5, 7.5, D, dtype=jnp.float32) / 8.0
    xs = jnp.linspace(0.5, 49.5, 50, dtype=jnp.float32) / 50.0
    ys = jnp.linspace(0.5, 49.5, 50, dtype=jnp.float32) / 50.0
    Xg = jnp.broadcast_to(xs[None, None, :], (D, 50, 50))
    Yg = jnp.broadcast_to(ys[None, :, None], (D, 50, 50))
    Zg = jnp.broadcast_to(zs[:, None, None], (D, 50, 50))
    ref3 = jnp.stack([Xg, Yg, Zg], -1).reshape(D, Q, 3)
    ref3 = jnp.broadcast_to(ref3[None], (1, D, Q, 3))
    rx = ref3[..., 0] * 102.4 + (-51.2)
    ry = ref3[..., 1] * 102.4 + (-51.2)
    rz = ref3[..., 2] * 8.0 + (-5.0)
    refh = jnp.stack([rx, ry, rz, jnp.ones_like(rx)], -1)
    refh = jnp.transpose(refh, (1, 0, 2, 3))
    cam = jnp.einsum('bvij,dbqj->dbvqi', lidar2img, refh)
    depth = cam[..., 2]
    bmask = depth > 1e-05
    uv = cam[..., 0:2] / jnp.maximum(depth[..., None], 1e-05)
    uv = jnp.transpose(uv, (2, 1, 3, 0, 4))
    bmask = jnp.transpose(bmask, (2, 1, 3, 0))
    u = uv[..., 0] * (1.0 / 16.0)
    v = uv[..., 1] * (1.0 / 16.0)
    in_img = (u >= 0) & (u <= WP - 1.0) & (v >= 0) & (v <= HP - 1.0)
    valid = bmask & in_img
    refx = jnp.clip(u / (WP - 1.0), 0.0, 1.0)
    refy = jnp.clip(v / (HP - 1.0), 0.0, 1.0)
    w = jnp.maximum(valid.astype(jnp.float32), EPS)
    wden = jnp.maximum(w.sum(-1), EPS)
    refx = (refx * w).sum(-1) / wden
    refy = (refy * w).sum(-1) / wden
    return refx[:, 0], refy[:, 0]


def _sc_gather(val48, idx48, w48):
    mesh = plsc.VectorSubcoreMesh(core_axis_name="c", subcore_axis_name="s")

    @functools.partial(
        pl.kernel, mesh=mesh,
        out_type=jax.ShapeDtypeStruct((V, NH, QPAD * HD), jnp.float32),
        scratch_types=[
            pltpu.VMEM((N * HD,), jnp.float32),
            pltpu.VMEM((QH * 16,), jnp.int32),
            pltpu.VMEM((QH * 16,), jnp.float32),
            pltpu.VMEM((QH * HD,), jnp.float32),
        ],
    )
    def k(val_hbm, idx_hbm, w_hbm, out_hbm, map_v, idx_v, w_v, out_v):
        wid = lax.axis_index("s") * 2 + lax.axis_index("c")
        for j in range(3):
            hw = wid * 3 + j
            t = hw // 2
            half = hw % 2
            vv = t // NH
            hh = t % NH
            qi0 = pl.multiple_of(half * (QH * 16), 128)
            qo0 = pl.multiple_of(half * (QH * HD), 128)
            pltpu.sync_copy(val_hbm.at[t], map_v)
            pltpu.sync_copy(idx_hbm.at[t, pl.ds(qi0, QH * 16)], idx_v)
            pltpu.sync_copy(w_hbm.at[t, pl.ds(qi0, QH * 16)], w_v)

            def qbody(qi, carry):
                acc0 = jnp.zeros((16,), jnp.float32)
                acc1 = jnp.zeros((16,), jnp.float32)
                iv = idx_v[pl.ds(qi * 16, 16)]
                wv_ = w_v[pl.ds(qi * 16, 16)]
                for kk in range(16):
                    n = iv[kk]
                    wk = wv_[kk]
                    acc0 = acc0 + wk * map_v[pl.ds(n * HD, 16)]
                    acc1 = acc1 + wk * map_v[pl.ds(n * HD + 16, 16)]
                out_v[pl.ds(qi * HD, 16)] = acc0
                out_v[pl.ds(qi * HD + 16, 16)] = acc1
                return carry

            lax.fori_loop(0, QH, qbody, 0)
            pltpu.sync_copy(out_v, out_hbm.at[vv, hh, pl.ds(qo0, QH * HD)])

    return k(val48, idx48, w48)


def _out_body(x_ref, wv_ref, opw_ref, opb_ref, qT_ref, out_ref, s_ref, ws_ref):
    v = pl.program_id(0)
    x = wv_ref[v]
    wv = jnp.maximum(x, 0.0) + jnp.log1p(jnp.exp(-jnp.abs(x)))

    @pl.when(v == 0)
    def _():
        s_ref[...] = jnp.zeros_like(s_ref)
        ws_ref[0] = 0.0

    xq = jnp.concatenate([x_ref[0, h, :Q] for h in range(NH)], axis=1)
    s_ref[...] += wv * xq
    ws_ref[0] += wv

    @pl.when(v == V - 1)
    def _():
        inv = 1.0 / jnp.maximum(ws_ref[0], EPS)
        sm = s_ref[...] * inv
        o = _dot(opw_ref[...], sm, ((1,), (1,)))
        out_ref[...] = o + opb_ref[...] + qT_ref[...]


def _fuse_out(deform, w_view, op_w, op_b, bev_query_t):
    return pl.pallas_call(
        _out_body,
        grid=(V,),
        in_specs=[
            pl.BlockSpec((1, NH, QPAD, HD), lambda v: (v, 0, 0, 0)),
            pl.BlockSpec(memory_space=pltpu.SMEM),
            pl.BlockSpec((C, C), lambda v: (0, 0)),
            pl.BlockSpec((C, 1), lambda v: (0, 0)),
            pl.BlockSpec((C, Q), lambda v: (0, 0)),
        ],
        out_specs=pl.BlockSpec((C, Q), lambda v: (0, 0)),
        out_shape=jax.ShapeDtypeStruct((C, Q), jnp.float32),
        scratch_shapes=[
            pltpu.VMEM((Q, C), jnp.float32),
            pltpu.SMEM((1,), jnp.float32),
        ],
    )(deform, w_view.reshape(V), op_w, op_b.reshape(C, 1), bev_query_t)


def kernel(last_tokens, lidar2img, Hp, Wp, w_view, proj_w, bev_query,
           so_w, so_b, aw_w, aw_b, vp_w, vp_b, op_w, op_b):
    tokens = last_tokens.reshape(V, N, CD)
    val48 = _value_maps(tokens, proj_w, vp_w, vp_b)
    refx, refy = _ref_points(lidar2img)
    refx32 = jnp.broadcast_to(refx[:, :, None], (V, Q, NH * NP))
    refy32 = jnp.broadcast_to(refy[:, :, None], (V, Q, NH * NP))
    idx6, w6 = _indices_weights(bev_query, so_w, so_b, aw_w, aw_b,
                                refx32, refy32)
    idx48 = jnp.transpose(idx6.reshape(V, Q, 4, NH, NP),
                          (0, 3, 1, 4, 2)).reshape(V * NH, Q, 16)
    w48 = jnp.transpose(w6.reshape(V, Q, 4, NH, NP),
                        (0, 3, 1, 4, 2)).reshape(V * NH, Q, 16)
    pad = ((0, 0), (0, QPAD - Q), (0, 0))
    idx48 = jnp.pad(idx48, pad).reshape(V * NH, QPAD * 16)
    w48 = jnp.pad(w48, pad).reshape(V * NH, QPAD * 16)
    deform = _sc_gather(val48.reshape(V * NH, N * HD), idx48, w48)
    deform = deform.reshape(V, NH, QPAD, HD)
    out = _fuse_out(deform, w_view, op_w, op_b, bev_query.T)
    return out.reshape(1, C, 50, 50)

# --- scband reference (transcript-rebuilt; emitter-appended) ---
"""Pipeline reference for scband-dinobev-aligner-deform-16990890623391 (READ-ONLY COPY).

The authoritative reference and input builder live on the scoring server;
editing this copy changes nothing except your own understanding.
"""

import jax, jax.numpy as jnp
import numpy as np

B, V, HP, WP, CD, C = 1, 6, 32, 32, 768, 256
BEV_H, BEV_W = 50, 50
NH, NP = 8, 4
PC = (-51.2, -51.2, -5.0, 51.2, 51.2, 3.0)
EPS = 1e-06


def setup_inputs(seed: int = 0):
    key = jax.random.key(seed)
    ks = jax.random.split(key, 12)
    N = HP * WP
    inp = {}
    inp['last_tokens'] = jax.random.normal(ks[0], (B, V, N, CD), jnp.float32)
    inp['lidar2img'] = jax.random.normal(ks[1], (B, V, 4, 4), jnp.float32)
    inp['Hp'] = HP
    inp['Wp'] = WP
    inp['w_view'] = jnp.zeros((1, V, 1), jnp.float32)
    inp['proj_w'] = jax.random.normal(ks[2], (C, CD), jnp.float32) * 0.02
    inp['bev_query'] = jax.random.normal(ks[3], (BEV_H * BEV_W, C), jnp.float32) * 0.02
    inp['so_w'] = jax.random.normal(ks[4], (NH * 1 * NP * 2, C), jnp.float32) * 0.01
    inp['so_b'] = jax.random.normal(ks[5], (NH * 1 * NP * 2,), jnp.float32) * 0.01
    inp['aw_w'] = jax.random.normal(ks[6], (NH * 1 * NP, C), jnp.float32) * 0.01
    inp['aw_b'] = jnp.zeros((NH * 1 * NP,), jnp.float32)
    inp['vp_w'] = jax.random.normal(ks[7], (C, C), jnp.float32) * 0.02
    inp['vp_b'] = jnp.zeros((C,), jnp.float32)
    inp['op_w'] = jax.random.normal(ks[8], (C, C), jnp.float32) * 0.02
    inp['op_b'] = jnp.zeros((C,), jnp.float32)
    return inp


def _bilinear(img, px, py):
    # img: (BH, H, W, D); px, py: (BH, Q, P) pixel coords (align_corners=False)
    BH, H, W, Dd = img.shape
    Q, P = px.shape[1], px.shape[2]
    x0 = jnp.floor(px)
    y0 = jnp.floor(py)
    flat = img.reshape(BH, H * W, Dd)

    def gather(ix, iy):
        valid = ((ix >= 0) & (ix <= W - 1) & (iy >= 0) & (iy <= H - 1)).astype(img.dtype)
        ixc = jnp.clip(ix, 0, W - 1).astype(jnp.int32)
        iyc = jnp.clip(iy, 0, H - 1).astype(jnp.int32)
        idx = (iyc * W + ixc).reshape(BH, Q * P)
        idx3 = jnp.broadcast_to(idx[..., None], (BH, Q * P, Dd))
        g = jnp.take_along_axis(flat, idx3, axis=1).reshape(BH, Q, P, Dd)
        return g * valid[..., None]

    wx1 = (px - x0)[..., None]
    wx0 = 1.0 - wx1
    wy1 = (py - y0)[..., None]
    wy0 = 1.0 - wy1
    return (gather(x0, y0) * wx0 * wy0 + gather(x0 + 1, y0) * wx1 * wy0
            + gather(x0, y0 + 1) * wx0 * wy1 + gather(x0 + 1, y0 + 1) * wx1 * wy1)


def _forward(last_tokens, lidar2img, Hp, Wp, w_view, proj_w, bev_query, so_w, so_b, aw_w, aw_b, vp_w, vp_b, op_w, op_b):
    Bc, Vc, N, Cd = last_tokens.shape
    Cc = bev_query.shape[1]
    Q = BEV_H * BEV_W
    BVc = Bc * Vc
    scale = 1.0 / 16.0
    pl = 0.0
    pt = 0.0
    H2 = jnp.asarray(Hp).astype(jnp.float32)
    W2 = jnp.asarray(Wp).astype(jnp.float32)
    Hp_s = HP
    Wp_s = WP
    # 1x1 conv projection == per-token linear
    value_in = last_tokens.reshape(BVc, N, Cd) @ proj_w.T
    # reference points (D pillar points per BEV cell)
    D = 4
    Z = int(round(PC[5] - PC[2]))
    zs = jnp.linspace(0.5, Z - 0.5, D, dtype=jnp.float32) / Z
    xs = jnp.linspace(0.5, BEV_W - 0.5, BEV_W, dtype=jnp.float32) / BEV_W
    ys = jnp.linspace(0.5, BEV_H - 0.5, BEV_H, dtype=jnp.float32) / BEV_H
    Xg = jnp.broadcast_to(xs[None, None, :], (D, BEV_H, BEV_W))
    Yg = jnp.broadcast_to(ys[None, :, None], (D, BEV_H, BEV_W))
    Zg = jnp.broadcast_to(zs[:, None, None], (D, BEV_H, BEV_W))
    ref3 = jnp.stack([Xg, Yg, Zg], -1).reshape(D, Q, 3)
    ref3 = jnp.broadcast_to(ref3[None], (Bc, D, Q, 3))
    rx = ref3[..., 0] * (PC[3] - PC[0]) + PC[0]
    ry = ref3[..., 1] * (PC[4] - PC[1]) + PC[1]
    rz = ref3[..., 2] * (PC[5] - PC[2]) + PC[2]
    refh = jnp.stack([rx, ry, rz, jnp.ones_like(rx)], -1)  # (B, D, Q, 4)
    refh = jnp.transpose(refh, (1, 0, 2, 3))  # (D, B, Q, 4)
    cam = jnp.einsum('bvij,dbqj->dbvqi', lidar2img, refh)  # (D, B, V, Q, 4)
    depth = cam[..., 2]
    bmask = depth > 1e-05
    uv = cam[..., 0:2] / jnp.maximum(depth[..., None], 1e-05)
    uv = jnp.transpose(uv, (2, 1, 3, 0, 4))  # (V, B, Q, D, 2)
    bmask = jnp.transpose(bmask, (2, 1, 3, 0))  # (V, B, Q, D)
    u = uv[..., 0] * scale + pl
    v = uv[..., 1] * scale + pt
    in_img = (u >= 0) & (u <= W2 - 1) & (v >= 0) & (v <= H2 - 1)
    valid = bmask & in_img
    refx = jnp.clip(u / jnp.maximum(W2 - 1.0, 1.0), 0.0, 1.0)
    refy = jnp.clip(v / jnp.maximum(H2 - 1.0, 1.0), 0.0, 1.0)
    w = jnp.maximum(valid.astype(jnp.float32), EPS)
    wden = jnp.maximum(w.sum(-1), EPS)
    refx = (refx * w).sum(-1) / wden
    refy = (refy * w).sum(-1) / wden
    ref2 = jnp.stack([refx, refy], -1)  # (V, B, Q, 2)
    ref_ms = jnp.transpose(ref2, (1, 0, 2, 3)).reshape(BVc, Q, 1, 2)
    query = jnp.broadcast_to(bev_query[None], (BVc, Q, Cc))
    # --- MultiScaleDeformableAttention (single level), mmcv semantics ---
    val = value_in @ vp_w.T + vp_b
    hd = Cc // NH
    off = (query @ so_w.T + so_b).reshape(BVc, Q, NH, 1, NP, 2)
    aw = (query @ aw_w.T + aw_b).reshape(BVc, Q, NH, NP)
    aw = jax.nn.softmax(aw, -1)
    norm = jnp.stack([W2, H2]).astype(jnp.float32)
    loc = ref_ms[:, :, None, :, None, :] + off / norm  # (BV, Q, NH, 1, NP, 2)
    loc = loc[:, :, :, 0]  # (BV, Q, NH, NP, 2)
    img = jnp.transpose(val.reshape(BVc, Hp_s, Wp_s, NH, hd), (0, 3, 1, 2, 4)).reshape(BVc * NH, Hp_s, Wp_s, hd)
    px = jnp.transpose(loc[..., 0], (0, 2, 1, 3)).reshape(BVc * NH, Q, NP) * W2 - 0.5
    py = jnp.transpose(loc[..., 1], (0, 2, 1, 3)).reshape(BVc * NH, Q, NP) * H2 - 0.5
    sampled = _bilinear(img, px, py)  # (BV*NH, Q, NP, hd)
    awT = jnp.transpose(aw, (0, 2, 1, 3)).reshape(BVc * NH, Q, NP)
    outh = (sampled * awT[..., None]).sum(2)  # (BV*NH, Q, hd)
    out = jnp.transpose(outh.reshape(BVc, NH, Q, hd), (0, 2, 1, 3)).reshape(BVc, Q, Cc)
    out = out @ op_w.T + op_b + query  # residual (dropout is identity in eval)
    out = out.reshape(Bc, Vc, Q, Cc)
    wv = jax.nn.softplus(w_view)  # (1, V, 1)
    num = (out * wv[..., None]).sum(1)  # (B, Q, C)
    den = jnp.maximum(wv.sum(1), EPS)[..., None]  # (1, 1, 1)
    bev_qc = num / den
    return jnp.transpose(bev_qc, (0, 2, 1)).reshape(Bc, Cc, BEV_H, BEV_W)


def reference(last_tokens, lidar2img, Hp, Wp, w_view, proj_w, bev_query, so_w, so_b, aw_w, aw_b, vp_w, vp_b, op_w, op_b):
    return _forward(last_tokens, lidar2img, Hp, Wp, w_view, proj_w, bev_query, so_w, so_b, aw_w, aw_b, vp_w, vp_b, op_w, op_b)

if __name__ == "__main__":
    import jax
    _d = setup_inputs()
    print(jax.jit(kernel)(*tuple(_d.values())))

</pallas_src>

<mosaic_0001>
#map = affine_map<(d0, d1) -> (0, 0)>
#map1 = affine_map<(d0, d1) -> (0, 0, 0)>
module attributes {stable_mosaic.version = 14 : i64} {
  func.func @k(%arg0: i32, %arg1: i32, %arg2: memref<48x32768xf32, #tpu.memory_space<hbm>>, %arg3: memref<48x40960xi32, #tpu.memory_space<hbm>>, %arg4: memref<48x40960xf32, #tpu.memory_space<hbm>>, %arg5: memref<6x8x81920xf32, #tpu.memory_space<hbm>>, %arg6: memref<32768xf32, #tpu.memory_space<vmem>>, %arg7: memref<20480xi32, #tpu.memory_space<vmem>>, %arg8: memref<20480xf32, #tpu.memory_space<vmem>>, %arg9: memref<40960xf32, #tpu.memory_space<vmem>>) attributes {dimension_semantics = [#tpu.dimension_semantics<core_parallel>, #tpu.dimension_semantics<subcore_parallel>], iteration_bounds = array<i64: 2, 16>, scalar_prefetch = 0 : i64, scratch_operands = 4 : i64, tpu.core_type = #tpu.core_type<sc_vector_subcore>, window_params = [{transform_indices = #map}, {transform_indices = #map}, {transform_indices = #map}, {transform_indices = #map1}]} {
    %mul3A = arith.constant 2 : i32
    %mul3A_0 = arith.muli %arg1, %mul3A : i32
    %add3A = arith.addi %mul3A_0, %arg0 : i32
    %mul3A_1 = arith.constant 3 : i32
    %mul3A_2 = arith.muli %add3A, %mul3A_1 : i32
    %add3A_3 = arith.constant 0 : i32
    %add3A_4 = arith.addi %mul3A_2, %add3A_3 : i32
    %jit3A = arith.constant 2 : i32
    %div3A = arith.divsi %add3A_4, %jit3A : i32
    %sign3A = arith.constant 0 : i32
    %sign3A_5 = arith.cmpi sgt, %add3A_4, %sign3A : i32
    %sign3A_6 = arith.extui %sign3A_5 : i1 to i32
    %sign3A_7 = arith.constant 0 : i32
    %sign3A_8 = arith.cmpi slt, %add3A_4, %sign3A_7 : i32
    %sign3A_9 = arith.extui %sign3A_8 : i1 to i32
    %sign3A_10 = arith.subi %sign3A_6, %sign3A_9 : i32
    %sign3A_11 = arith.constant 0 : i32
    %sign3A_12 = arith.cmpi sgt, %jit3A, %sign3A_11 : i32
    %sign3A_13 = arith.extui %sign3A_12 : i1 to i32
    %sign3A_14 = arith.constant 0 : i32
    %sign3A_15 = arith.cmpi slt, %jit3A, %sign3A_14 : i32
    %sign3A_16 = arith.extui %sign3A_15 : i1 to i32
    %sign3A_17 = arith.subi %sign3A_13, %sign3A_16 : i32
    %ne3A = arith.cmpi ne, %sign3A_10, %sign3A_17 : i32
    %rem3A = arith.remsi %add3A_4, %jit3A : i32
    %ne3A_18 = arith.constant 0 : i32
    %ne3A_19 = arith.cmpi ne, %rem3A, %ne3A_18 : i32
    %and3A = arith.andi %ne3A, %ne3A_19 : i1
    %sub3A = arith.constant 1 : i32
    %sub3A_20 = arith.subi %div3A, %sub3A : i32
    %select_n3A = arith.select %and3A, %sub3A_20, %div3A : i32
    %jit3A_21 = arith.constant 2 : i32
    %eq3A = arith.constant 0 : i32
    %eq3A_22 = arith.cmpi eq, %jit3A_21, %eq3A : i32
    %jit3A_23 = arith.constant 1 : i32
    %select_n3A_24 = arith.select %eq3A_22, %jit3A_23, %jit3A_21 : i32
    %rem3A_25 = arith.remsi %add3A_4, %select_n3A_24 : i32
    %ne3A_26 = arith.constant 0 : i32
    %ne3A_27 = arith.cmpi ne, %rem3A_25, %ne3A_26 : i32
    %lt3A = arith.constant 0 : i32
    %lt3A_28 = arith.cmpi slt, %rem3A_25, %lt3A : i32
    %lt3A_29 = arith.constant 0 : i32
    %lt3A_30 = arith.cmpi slt, %select_n3A_24, %lt3A_29 : i32
    %ne3A_31 = arith.xori %lt3A_28, %lt3A_30 : i1
    %and3A_32 = arith.andi %ne3A_31, %ne3A_27 : i1
    %add3A_33 = arith.addi %rem3A_25, %select_n3A_24 : i32
    %select_n3A_34 = arith.select %and3A_32, %add3A_33, %rem3A_25 : i32
    %jit3A_35 = arith.constant 8 : i32
    %div3A_36 = arith.divsi %select_n3A, %jit3A_35 : i32
    %sign3A_37 = arith.constant 0 : i32
    %sign3A_38 = arith.cmpi sgt, %select_n3A, %sign3A_37 : i32
    %sign3A_39 = arith.extui %sign3A_38 : i1 to i32
    %sign3A_40 = arith.constant 0 : i32
    %sign3A_41 = arith.cmpi slt, %select_n3A, %sign3A_40 : i32
    %sign3A_42 = arith.extui %sign3A_41 : i1 to i32
    %sign3A_43 = arith.subi %sign3A_39, %sign3A_42 : i32
    %sign3A_44 = arith.constant 0 : i32
    %sign3A_45 = arith.cmpi sgt, %jit3A_35, %sign3A_44 : i32
    %sign3A_46 = arith.extui %sign3A_45 : i1 to i32
    %sign3A_47 = arith.constant 0 : i32
    %sign3A_48 = arith.cmpi slt, %jit3A_35, %sign3A_47 : i32
    %sign3A_49 = arith.extui %sign3A_48 : i1 to i32
    %sign3A_50 = arith.subi %sign3A_46, %sign3A_49 : i32
    %ne3A_51 = arith.cmpi ne, %sign3A_43, %sign3A_50 : i32
    %rem3A_52 = arith.remsi %select_n3A, %jit3A_35 : i32
    %ne3A_53 = arith.constant 0 : i32
    %ne3A_54 = arith.cmpi ne, %rem3A_52, %ne3A_53 : i32
    %and3A_55 = arith.andi %ne3A_51, %ne3A_54 : i1
    %sub3A_56 = arith.constant 1 : i32
    %sub3A_57 = arith.subi %div3A_36, %sub3A_56 : i32
    %select_n3A_58 = arith.select %and3A_55, %sub3A_57, %div3A_36 : i32
    %jit3A_59 = arith.constant 8 : i32
    %eq3A_60 = arith.constant 0 : i32
    %eq3A_61 = arith.cmpi eq, %jit3A_59, %eq3A_60 : i32
    %jit3A_62 = arith.constant 1 : i32
    %select_n3A_63 = arith.select %eq3A_61, %jit3A_62, %jit3A_59 : i32
    %rem3A_64 = arith.remsi %select_n3A, %select_n3A_63 : i32
    %ne3A_65 = arith.constant 0 : i32
    %ne3A_66 = arith.cmpi ne, %rem3A_64, %ne3A_65 : i32
    %lt3A_67 = arith.constant 0 : i32
    %lt3A_68 = arith.cmpi slt, %rem3A_64, %lt3A_67 : i32
    %lt3A_69 = arith.constant 0 : i32
    %lt3A_70 = arith.cmpi slt, %select_n3A_63, %lt3A_69 : i32
    %ne3A_71 = arith.xori %lt3A_68, %lt3A_70 : i1
    %and3A_72 = arith.andi %ne3A_71, %ne3A_66 : i1
    %add3A_73 = arith.addi %rem3A_64, %select_n3A_63 : i32
    %select_n3A_74 = arith.select %and3A_72, %add3A_73, %rem3A_64 : i32
    %mul3A_75 = arith.constant 20480 : i32
    %mul3A_76 = arith.muli %select_n3A_34, %mul3A_75 : i32
    %multiple_of3A = tpu.assume_multiple %mul3A_76, 128 : i32
    %mul3A_77 = arith.constant 40960 : i32
    %mul3A_78 = arith.muli %select_n3A_34, %mul3A_77 : i32
    %multiple_of3A_79 = tpu.assume_multiple %mul3A_78, 128 : i32
    "tpu.region"() ({
      %run_scoped3A = tpu.sem_alloc : memref<!tpu.dma_semaphore, #tpu.memory_space<semaphore_mem>>
      %dma_start3A = arith.constant 0 : i32
      %dma_start3A_277 = tpu.memref_slice %arg2[%select_n3A, %dma_start3A] : memref<48x32768xf32, #tpu.memory_space<hbm>> -> memref<1x32768xf32, #tpu.memory_space<hbm>>
      %dma_start3A_278 = tpu.memref_squeeze %dma_start3A_277 : memref<1x32768xf32, #tpu.memory_space<hbm>> -> memref<32768xf32, #tpu.memory_space<hbm>>
      %dma_start3A_279 = arith.constant 0 : i32
      %dma_start3A_280 = tpu.memref_slice %arg2[%select_n3A, %dma_start3A_279] : memref<48x32768xf32, #tpu.memory_space<hbm>> -> memref<1x32768xf32, #tpu.memory_space<hbm>>
      %dma_start3A_281 = tpu.memref_squeeze %dma_start3A_280 : memref<1x32768xf32, #tpu.memory_space<hbm>> -> memref<32768xf32, #tpu.memory_space<hbm>>
      tpu.enqueue_dma source(%dma_start3A_281 : memref<32768xf32, #tpu.memory_space<hbm>>) target(%arg6 : memref<32768xf32, #tpu.memory_space<vmem>>) target_semaphore(%run_scoped3A : memref<!tpu.dma_semaphore, #tpu.memory_space<semaphore_mem>>)
      %dma_wait3A = arith.constant 0 : i32
      %dma_wait3A_282 = tpu.memref_slice %arg2[%select_n3A, %dma_wait3A] : memref<48x32768xf32, #tpu.memory_space<hbm>> -> memref<1x32768xf32, #tpu.memory_space<hbm>>
      %dma_wait3A_283 = tpu.memref_squeeze %dma_wait3A_282 : memref<1x32768xf32, #tpu.memory_space<hbm>> -> memref<32768xf32, #tpu.memory_space<hbm>>
      %dma_wait3A_284 = arith.constant 0 : i32
      %dma_wait3A_285 = tpu.memref_slice %arg2[%select_n3A, %dma_wait3A_284] : memref<48x32768xf32, #tpu.memory_space<hbm>> -> memref<1x32768xf32, #tpu.memory_space<hbm>>
      %dma_wait3A_286 = tpu.memref_squeeze %dma_wait3A_285 : memref<1x32768xf32, #tpu.memory_space<hbm>> -> memref<32768xf32, #tpu.memory_space<hbm>>
      tpu.wait_dma2 semaphore(%run_scoped3A : memref<!tpu.dma_semaphore, #tpu.memory_space<semaphore_mem>>) src(%dma_wait3A_286 : memref<32768xf32, #tpu.memory_space<hbm>>) dst(%arg6 : memref<32768xf32, #tpu.memory_space<vmem>>)
      tpu.yield
    }) : () -> ()
    "tpu.region"() ({
      %run_scoped3A = tpu.sem_alloc : memref<!tpu.dma_semaphore, #tpu.memory_space<semaphore_mem>>
      %dma_start3A = tpu.memref_slice %arg3[%select_n3A, %multiple_of3A] : memref<48x40960xi32, #tpu.memory_space<hbm>> -> memref<1x20480xi32, #tpu.memory_space<hbm>>
      %dma_start3A_277 = tpu.memref_squeeze %dma_start3A : memref<1x20480xi32, #tpu.memory_space<hbm>> -> memref<20480xi32, #tpu.memory_space<hbm>>
      %dma_start3A_278 = tpu.memref_slice %arg3[%select_n3A, %multiple_of3A] : memref<48x40960xi32, #tpu.memory_space<hbm>> -> memref<1x20480xi32, #tpu.memory_space<hbm>>
      %dma_start3A_279 = tpu.memref_squeeze %dma_start3A_278 : memref<1x20480xi32, #tpu.memory_space<hbm>> -> memref<20480xi32, #tpu.memory_space<hbm>>
      tpu.enqueue_dma source(%dma_start3A_279 : memref<20480xi32, #tpu.memory_space<hbm>>) target(%arg7 : memref<20480xi32, #tpu.memory_space<vmem>>) target_semaphore(%run_scoped3A : memref<!tpu.dma_semaphore, #tpu.memory_space<semaphore_mem>>)
      %dma_wait3A = tpu.memref_slice %arg3[%select_n3A, %multiple_of3A] : memref<48x40960xi32, #tpu.memory_space<hbm>> -> memref<1x20480xi32, #tpu.memory_space<hbm>>
      %dma_wait3A_280 = tpu.memref_squeeze %dma_wait3A : memref<1x20480xi32, #tpu.memory_space<hbm>> -> memref<20480xi32, #tpu.memory_space<hbm>>
      %dma_wait3A_281 = tpu.memref_slice %arg3[%select_n3A, %multiple_of3A] : memref<48x40960xi32, #tpu.memory_space<hbm>> -> memref<1x20480xi32, #tpu.memory_space<hbm>>
      %dma_wait3A_282 = tpu.memref_squeeze %dma_wait3A_281 : memref<1x20480xi32, #tpu.memory_space<hbm>> -> memref<20480xi32, #tpu.memory_space<hbm>>
      tpu.wait_dma2 semaphore(%run_scoped3A : memref<!tpu.dma_semaphore, #tpu.memory_space<semaphore_mem>>) src(%dma_wait3A_282 : memref<20480xi32, #tpu.memory_space<hbm>>) dst(%arg7 : memref<20480xi32, #tpu.memory_space<vmem>>)
      tpu.yield
    }) : () -> ()
    "tpu.region"() ({
      %run_scoped3A = tpu.sem_alloc : memref<!tpu.dma_semaphore, #tpu.memory_space<semaphore_mem>>
      %dma_start3A = tpu.memref_slice %arg4[%select_n3A, %multiple_of3A] : memref<48x40960xf32, #tpu.memory_space<hbm>> -> memref<1x20480xf32, #tpu.memory_space<hbm>>
      %dma_start3A_277 = tpu.memref_squeeze %dma_start3A : memref<1x20480xf32, #tpu.memory_space<hbm>> -> memref<20480xf32, #tpu.memory_space<hbm>>
      %dma_start3A_278 = tpu.memref_slice %arg4[%select_n3A, %multiple_of3A] : memref<48x40960xf32, #tpu.memory_space<hbm>> -> memref<1x20480xf32, #tpu.memory_space<hbm>>
      %dma_start3A_279 = tpu.memref_squeeze %dma_start3A_278 : memref<1x20480xf32, #tpu.memory_space<hbm>> -> memref<20480xf32, #tpu.memory_space<hbm>>
      tpu.enqueue_dma source(%dma_start3A_279 : memref<20480xf32, #tpu.memory_space<hbm>>) target(%arg8 : memref<20480xf32, #tpu.memory_space<vmem>>) target_semaphore(%run_scoped3A : memref<!tpu.dma_semaphore, #tpu.memory_space<semaphore_mem>>)
      %dma_wait3A = tpu.memref_slice %arg4[%select_n3A, %multiple_of3A] : memref<48x40960xf32, #tpu.memory_space<hbm>> -> memref<1x20480xf32, #tpu.memory_space<hbm>>
      %dma_wait3A_280 = tpu.memref_squeeze %dma_wait3A : memref<1x20480xf32, #tpu.memory_space<hbm>> -> memref<20480xf32, #tpu.memory_space<hbm>>
      %dma_wait3A_281 = tpu.memref_slice %arg4[%select_n3A, %multiple_of3A] : memref<48x40960xf32, #tpu.memory_space<hbm>> -> memref<1x20480xf32, #tpu.memory_space<hbm>>
      %dma_wait3A_282 = tpu.memref_squeeze %dma_wait3A_281 : memref<1x20480xf32, #tpu.memory_space<hbm>> -> memref<20480xf32, #tpu.memory_space<hbm>>
      tpu.wait_dma2 semaphore(%run_scoped3A : memref<!tpu.dma_semaphore, #tpu.memory_space<semaphore_mem>>) src(%dma_wait3A_282 : memref<20480xf32, #tpu.memory_space<hbm>>) dst(%arg8 : memref<20480xf32, #tpu.memory_space<vmem>>)
      tpu.yield
    }) : () -> ()
    %scan3A = arith.constant 0 : i32
    %scan3A_80 = arith.constant 0 : i32
    %scan3A_81 = arith.constant 1280 : i32
    %scan3A_82 = arith.addi %scan3A_80, %scan3A_81 : i32
    %scan3A_83 = arith.constant 1 : i32
    scf.for %scan3A_277 = %scan3A_80 to %scan3A_82 step %scan3A_83  : i32 {
      %broadcast_in_dim3A = arith.constant 0.000000e+00 : f32
      %broadcast_in_dim3A_278 = vector.broadcast %broadcast_in_dim3A : f32 to vector<16xf32>
      %broadcast_in_dim3A_279 = arith.constant 0.000000e+00 : f32
      %broadcast_in_dim3A_280 = vector.broadcast %broadcast_in_dim3A_279 : f32 to vector<16xf32>
      %mul3A_281 = arith.constant 16 : i32
      %mul3A_282 = arith.muli %scan3A_277, %mul3A_281 : i32
      %get3A = arith.index_cast %mul3A_282 : i32 to index
      %get3A_283 = tpu.vector_load %arg7[%get3A] {strides = array<i32>} : memref<20480xi32, #tpu.memory_space<vmem>>, vector<16xi32>,
      %get3A_284 = vector.shape_cast %get3A_283 : vector<16xi32> to vector<16xi32>
      %mul3A_285 = arith.constant 16 : i32
      %mul3A_286 = arith.muli %scan3A_277, %mul3A_285 : i32
      %get3A_287 = arith.index_cast %mul3A_286 : i32 to index
      %get3A_288 = tpu.vector_load %arg8[%get3A_287] {strides = array<i32>} : memref<20480xf32, #tpu.memory_space<vmem>>, vector<16xf32>,
      %get3A_289 = vector.shape_cast %get3A_288 : vector<16xf32> to vector<16xf32>
      %slice3A = vector.extract_strided_slice %get3A_284 {offsets = [0], sizes = [1], strides = [1]} : vector<16xi32> to vector<1xi32>
      %squeeze3A = vector.extract %slice3A[0] : i32 from vector<1xi32>
      %slice3A_290 = vector.extract_strided_slice %get3A_289 {offsets = [0], sizes = [1], strides = [1]} : vector<16xf32> to vector<1xf32>
      %squeeze3A_291 = vector.extract %slice3A_290[0] : f32 from vector<1xf32>
      %mul3A_292 = arith.constant 32 : i32
      %mul3A_293 = arith.muli %squeeze3A, %mul3A_292 : i32
      %get3A_294 = arith.index_cast %mul3A_293 : i32 to index
      %get3A_295 = tpu.vector_load %arg6[%get3A_294] {strides = array<i32>} : memref<32768xf32, #tpu.memory_space<vmem>>, vector<16xf32>,
      %get3A_296 = vector.shape_cast %get3A_295 : vector<16xf32> to vector<16xf32>
      %mul3A_297 = vector.broadcast %squeeze3A_291 : f32 to vector<16xf32>
      %mul3A_298 = arith.mulf %mul3A_297, %get3A_296 : vector<16xf32>
      %add3A_299 = arith.addf %broadcast_in_dim3A_278, %mul3A_298 : vector<16xf32>
      %mul3A_300 = arith.constant 32 : i32
      %mul3A_301 = arith.muli %squeeze3A, %mul3A_300 : i32
      %add3A_302 = arith.constant 16 : i32
      %add3A_303 = arith.addi %mul3A_301, %add3A_302 : i32
      %get3A_304 = arith.index_cast %add3A_303 : i32 to index
      %get3A_305 = tpu.vector_load %arg6[%get3A_304] {strides = array<i32>} : memref<32768xf32, #tpu.memory_space<vmem>>, vector<16xf32>,
      %get3A_306 = vector.shape_cast %get3A_305 : vector<16xf32> to vector<16xf32>
      %mul3A_307 = vector.broadcast %squeeze3A_291 : f32 to vector<16xf32>
      %mul3A_308 = arith.mulf %mul3A_307, %get3A_306 : vector<16xf32>
      %add3A_309 = arith.addf %broadcast_in_dim3A_280, %mul3A_308 : vector<16xf32>
      %slice3A_310 = vector.extract_strided_slice %get3A_284 {offsets = [1], sizes = [1], strides = [1]} : vector<16xi32> to vector<1xi32>
      %squeeze3A_311 = vector.extract %slice3A_310[0] : i32 from vector<1xi32>
      %slice3A_312 = vector.extract_strided_slice %get3A_289 {offsets = [1], sizes = [1], strides = [1]} : vector<16xf32> to vector<1xf32>
      %squeeze3A_313 = vector.extract %slice3A_312[0] : f32 from vector<1xf32>
      %mul3A_314 = arith.constant 32 : i32
      %mul3A_315 = arith.muli %squeeze3A_311, %mul3A_314 : i32
      %get3A_316 = arith.index_cast %mul3A_315 : i32 to index
      %get3A_317 = tpu.vector_load %arg6[%get3A_316] {strides = array<i32>} : memref<32768xf32, #tpu.memory_space<vmem>>, vector<16xf32>,
      %get3A_318 = vector.shape_cast %get3A_317 : vector<16xf32> to vector<16xf32>
      %mul3A_319 = vector.broadcast %squeeze3A_313 : f32 to vector<16xf32>
      %mul3A_320 = arith.mulf %mul3A_319, %get3A_318 : vector<16xf32>
      %add3A_321 = arith.addf %add3A_299, %mul3A_320 : vector<16xf32>
      %mul3A_322 = arith.constant 32 : i32
      %mul3A_323 = arith.muli %squeeze3A_311, %mul3A_322 : i32
      %add3A_324 = arith.constant 16 : i32
      %add3A_325 = arith.addi %mul3A_323, %add3A_324 : i32
      %get3A_326 = arith.index_cast %add3A_325 : i32 to index
      %get3A_327 = tpu.vector_load %arg6[%get3A_326] {strides = array<i32>} : memref<32768xf32, #tpu.memory_space<vmem>>, vector<16xf32>,
      %get3A_328 = vector.shape_cast %get3A_327 : vector<16xf32> to vector<16xf32>
      %mul3A_329 = vector.broadcast %squeeze3A_313 : f32 to vector<16xf32>
      %mul3A_330 = arith.mulf %mul3A_329, %get3A_328 : vector<16xf32>
      %add3A_331 = arith.addf %add3A_309, %mul3A_330 : vector<16xf32>
      %slice3A_332 = vector.extract_strided_slice %get3A_284 {offsets = [2], sizes = [1], strides = [1]} : vector<16xi32> to vector<1xi32>
      %squeeze3A_333 = vector.extract %slice3A_332[0] : i32 from vector<1xi32>
      %slice3A_334 = vector.extract_strided_slice %get3A_289 {offsets = [2], sizes = [1], strides = [1]} : vector<16xf32> to vector<1xf32>
      %squeeze3A_335 = vector.extract %slice3A_334[0] : f32 from vector<1xf32>
      %mul3A_336 = arith.constant 32 : i32
      %mul3A_337 = arith.muli %squeeze3A_333, %mul3A_336 : i32
      %get3A_338 = arith.index_cast %mul3A_337 : i32 to index
      %get3A_339 = tpu.vector_load %arg6[%get3A_338] {strides = array<i32>} : memref<32768xf32, #tpu.memory_space<vmem>>, vector<16xf32>,
      %get3A_340 = vector.shape_cast %get3A_339 : vector<16xf32> to vector<16xf32>
      %mul3A_341 = vector.broadcast %squeeze3A_335 : f32 to vector<16xf32>
      %mul3A_342 = arith.mulf %mul3A_341, %get3A_340 : vector<16xf32>
      %add3A_343 = arith.addf %add3A_321, %mul3A_342 : vector<16xf32>
      %mul3A_344 = arith.constant 32 : i32
      %mul3A_345 = arith.muli %squeeze3A_333, %mul3A_344 : i32
      %add3A_346 = arith.constant 16 : i32
      %add3A_347 = arith.addi %mul3A_345, %add3A_346 : i32
      %get3A_348 = arith.index_cast %add3A_347 : i32 to index
      %get3A_349 = tpu.vector_load %arg6[%get3A_348] {strides = array<i32>} : memref<32768xf32, #tpu.memory_space<vmem>>, vector<16xf32>,
      %get3A_350 = vector.shape_cast %get3A_349 : vector<16xf32> to vector<16xf32>
      %mul3A_351 = vector.broadcast %squeeze3A_335 : f32 to vector<16xf32>
      %mul3A_352 = arith.mulf %mul3A_351, %get3A_350 : vector<16xf32>
      %add3A_353 = arith.addf %add3A_331, %mul3A_352 : vector<16xf32>
      %slice3A_354 = vector.extract_strided_slice %get3A_284 {offsets = [3], sizes = [1], strides = [1]} : vector<16xi32> to vector<1xi32>
      %squeeze3A_355 = vector.extract %slice3A_354[0] : i32 from vector<1xi32>
      %slice3A_356 = vector.extract_strided_slice %get3A_289 {offsets = [3], sizes = [1], strides = [1]} : vector<16xf32> to vector<1xf32>
      %squeeze3A_357 = vector.extract %slice3A_356[0] : f32 from vector<1xf32>
      %mul3A_358 = arith.constant 32 : i32
      %mul3A_359 = arith.muli %squeeze3A_355, %mul3A_358 : i32
      %get3A_360 = arith.index_cast %mul3A_359 : i32 to index
      %get3A_361 = tpu.vector_load %arg6[%get3A_360] {strides = array<i32>} : memref<32768xf32, #tpu.memory_space<vmem>>, vector<16xf32>,
      %get3A_362 = vector.shape_cast %get3A_361 : vector<16xf32> to vector<16xf32>
      %mul3A_363 = vector.broadcast %squeeze3A_357 : f32 to vector<16xf32>
      %mul3A_364 = arith.mulf %mul3A_363, %get3A_362 : vector<16xf32>
      %add3A_365 = arith.addf %add3A_343, %mul3A_364 : vector<16xf32>
      %mul3A_366 = arith.constant 32 : i32
      %mul3A_367 = arith.muli %squeeze3A_355, %mul3A_366 : i32
      %add3A_368 = arith.constant 16 : i32
      %add3A_369 = arith.addi %mul3A_367, %add3A_368 : i32
      %get3A_370 = arith.index_cast %add3A_369 : i32 to index
      %get3A_371 = tpu.vector_load %arg6[%get3A_370] {strides = array<i32>} : memref<32768xf32, #tpu.memory_space<vmem>>, vector<16xf32>,
      %get3A_372 = vector.shape_cast %get3A_371 : vector<16xf32> to vector<16xf32>
      %mul3A_373 = vector.broadcast %squeeze3A_357 : f32 to vector<16xf32>
      %mul3A_374 = arith.mulf %mul3A_373, %get3A_372 : vector<16xf32>
      %add3A_375 = arith.addf %add3A_353, %mul3A_374 : vector<16xf32>
      %slice3A_376 = vector.extract_strided_slice %get3A_284 {offsets = [4], sizes = [1], strides = [1]} : vector<16xi32> to vector<1xi32>
      %squeeze3A_377 = vector.extract %slice3A_376[0] : i32 from vector<1xi32>
      %slice3A_378 = vector.extract_strided_slice %get3A_289 {offsets = [4], sizes = [1], strides = [1]} : vector<16xf32> to vector<1xf32>
      %squeeze3A_379 = vector.extract %slice3A_378[0] : f32 from vector<1xf32>
      %mul3A_380 = arith.constant 32 : i32
      %mul3A_381 = arith.muli %squeeze3A_377, %mul3A_380 : i32
      %get3A_382 = arith.index_cast %mul3A_381 : i32 to index
      %get3A_383 = tpu.vector_load %arg6[%get3A_382] {strides = array<i32>} : memref<32768xf32, #tpu.memory_space<vmem>>, vector<16xf32>,
      %get3A_384 = vector.shape_cast %get3A_383 : vector<16xf32> to vector<16xf32>
      %mul3A_385 = vector.broadcast %squeeze3A_379 : f32 to vector<16xf32>
      %mul3A_386 = arith.mulf %mul3A_385, %get3A_384 : vector<16xf32>
      %add3A_387 = arith.addf %add3A_365, %mul3A_386 : vector<16xf32>
      %mul3A_388 = arith.constant 32 : i32
      %mul3A_389 = arith.muli %squeeze3A_377, %mul3A_388 : i32
      %add3A_390 = arith.constant 16 : i32
      %add3A_391 = arith.addi %mul3A_389, %add3A_390 : i32
      %get3A_392 = arith.index_cast %add3A_391 : i32 to index
      %get3A_393 = tpu.vector_load %arg6[%get3A_392] {strides = array<i32>} : memref<32768xf32, #tpu.memory_space<vmem>>, vector<16xf32>,
      %get3A_394 = vector.shape_cast %get3A_393 : vector<16xf32> to vector<16xf32>
      %mul3A_395 = vector.broadcast %squeeze3A_379 : f32 to vector<16xf32>
      %mul3A_396 = arith.mulf %mul3A_395, %get3A_394 : vector<16xf32>
      %add3A_397 = arith.addf %add3A_375, %mul3A_396 : vector<16xf32>
      %slice3A_398 = vector.extract_strided_slice %get3A_284 {offsets = [5], sizes = [1], strides = [1]} : vector<16xi32> to vector<1xi32>
      %squeeze3A_399 = vector.extract %slice3A_398[0] : i32 from vector<1xi32>
      %slice3A_400 = vector.extract_strided_slice %get3A_289 {offsets = [5], sizes = [1], strides = [1]} : vector<16xf32> to vector<1xf32>
      %squeeze3A_401 = vector.extract %slice3A_400[0] : f32 from vector<1xf32>
      %mul3A_402 = arith.constant 32 : i32
      %mul3A_403 = arith.muli %squeeze3A_399, %mul3A_402 : i32
      %get3A_404 = arith.index_cast %mul3A_403 : i32 to index
      %get3A_405 = tpu.vector_load %arg6[%get3A_404] {strides = array<i32>} : memref<32768xf32, #tpu.memory_space<vmem>>, vector<16xf32>,
      %get3A_406 = vector.shape_cast %get3A_405 : vector<16xf32> to vector<16xf32>
      %mul3A_407 = vector.broadcast %squeeze3A_401 : f32 to vector<16xf32>
      %mul3A_408 = arith.mulf %mul3A_407, %get3A_406 : vector<16xf32>
      %add3A_409 = arith.addf %add3A_387, %mul3A_408 : vector<16xf32>
      %mul3A_410 = arith.constant 32 : i32
      %mul3A_411 = arith.muli %squeeze3A_399, %mul3A_410 : i32
      %add3A_412 = arith.constant 16 : i32
      %add3A_413 = arith.addi %mul3A_411, %add3A_412 : i32
      %get3A_414 = arith.index_cast %add3A_413 : i32 to index
      %get3A_415 = tpu.vector_load %arg6[%get3A_414] {strides = array<i32>} : memref<32768xf32, #tpu.memory_space<vmem>>, vector<16xf32>,
      %get3A_416 = vector.shape_cast %get3A_415 : vector<16xf32> to vector<16xf32>
      %mul3A_417 = vector.broadcast %squeeze3A_401 : f32 to vector<16xf32>
      %mul3A_418 = arith.mulf %mul3A_417, %get3A_416 : vector<16xf32>
      %add3A_419 = arith.addf %add3A_397, %mul3A_418 : vector<16xf32>
      %slice3A_420 = vector.extract_strided_slice %get3A_284 {offsets = [6], sizes = [1], strides = [1]} : vector<16xi32> to vector<1xi32>
      %squeeze3A_421 = vector.extract %slice3A_420[0] : i32 from vector<1xi32>
      %slice3A_422 = vector.extract_strided_slice %get3A_289 {offsets = [6], sizes = [1], strides = [1]} : vector<16xf32> to vector<1xf32>
      %squeeze3A_423 = vector.extract %slice3A_422[0] : f32 from vector<1xf32>
      %mul3A_424 = arith.constant 32 : i32
      %mul3A_425 = arith.muli %squeeze3A_421, %mul3A_424 : i32
      %get3A_426 = arith.index_cast %mul3A_425 : i32 to index
      %get3A_427 = tpu.vector_load %arg6[%get3A_426] {strides = array<i32>} : memref<32768xf32, #tpu.memory_space<vmem>>, vector<16xf32>,
      %get3A_428 = vector.shape_cast %get3A_427 : vector<16xf32> to vector<16xf32>
      %mul3A_429 = vector.broadcast %squeeze3A_423 : f32 to vector<16xf32>
      %mul3A_430 = arith.mulf %mul3A_429, %get3A_428 : vector<16xf32>
      %add3A_431 = arith.addf %add3A_409, %mul3A_430 : vector<16xf32>
      %mul3A_432 = arith.constant 32 : i32
      %mul3A_433 = arith.muli %squeeze3A_421, %mul3A_432 : i32
      %add3A_434 = arith.constant 16 : i32
      %add3A_435 = arith.addi %mul3A_433, %add3A_434 : i32
      %get3A_436 = arith.index_cast %add3A_435 : i32 to index
      %get3A_437 = tpu.vector_load %arg6[%get3A_436] {strides = array<i32>} : memref<32768xf32, #tpu.memory_space<vmem>>, vector<16xf32>,
      %get3A_438 = vector.shape_cast %get3A_437 : vector<16xf32> to vector<16xf32>
      %mul3A_439 = vector.broadcast %squeeze3A_423 : f32 to vector<16xf32>
      %mul3A_440 = arith.mulf %mul3A_439, %get3A_438 : vector<16xf32>
      %add3A_441 = arith.addf %add3A_419, %mul3A_440 : vector<16xf32>
      %slice3A_442 = vector.extract_strided_slice %get3A_284 {offsets = [7], sizes = [1], strides = [1]} : vector<16xi32> to vector<1xi32>
      %squeeze3A_443 = vector.extract %slice3A_442[0] : i32 from vector<1xi32>
      %slice3A_444 = vector.extract_strided_slice %get3A_289 {offsets = [7], sizes = [1], strides = [1]} : vector<16xf32> to vector<1xf32>
      %squeeze3A_445 = vector.extract %slice3A_444[0] : f32 from vector<1xf32>
      %mul3A_446 = arith.constant 32 : i32
      %mul3A_447 = arith.muli %squeeze3A_443, %mul3A_446 : i32
      %get3A_448 = arith.index_cast %mul3A_447 : i32 to index
      %get3A_449 = tpu.vector_load %arg6[%get3A_448] {strides = array<i32>} : memref<32768xf32, #tpu.memory_space<vmem>>, vector<16xf32>,
      %get3A_450 = vector.shape_cast %get3A_449 : vector<16xf32> to vector<16xf32>
      %mul3A_451 = vector.broadcast %squeeze3A_445 : f32 to vector<16xf32>
      %mul3A_452 = arith.mulf %mul3A_451, %get3A_450 : vector<16xf32>
      %add3A_453 = arith.addf %add3A_431, %mul3A_452 : vector<16xf32>
      %mul3A_454 = arith.constant 32 : i32
      %mul3A_455 = arith.muli %squeeze3A_443, %mul3A_454 : i32
      %add3A_456 = arith.constant 16 : i32
      %add3A_457 = arith.addi %mul3A_455, %add3A_456 : i32
      %get3A_458 = arith.index_cast %add3A_457 : i32 to index
      %get3A_459 = tpu.vector_load %arg6[%get3A_458] {strides = array<i32>} : memref<32768xf32, #tpu.memory_space<vmem>>, vector<16xf32>,
      %get3A_460 = vector.shape_cast %get3A_459 : vector<16xf32> to vector<16xf32>
      %mul3A_461 = vector.broadcast %squeeze3A_445 : f32 to vector<16xf32>
      %mul3A_462 = arith.mulf %mul3A_461, %get3A_460 : vector<16xf32>
      %add3A_463 = arith.addf %add3A_441, %mul3A_462 : vector<16xf32>
      %slice3A_464 = vector.extract_strided_slice %get3A_284 {offsets = [8], sizes = [1], strides = [1]} : vector<16xi32> to vector<1xi32>
      %squeeze3A_465 = vector.extract %slice3A_464[0] : i32 from vector<1xi32>
      %slice3A_466 = vector.extract_strided_slice %get3A_289 {offsets = [8], sizes = [1], strides = [1]} : vector<16xf32> to vector<1xf32>
      %squeeze3A_467 = vector.extract %slice3A_466[0] : f32 from vector<1xf32>
      %mul3A_468 = arith.constant 32 : i32
      %mul3A_469 = arith.muli %squeeze3A_465, %mul3A_468 : i32
      %get3A_470 = arith.index_cast %mul3A_469 : i32 to index
      %get3A_471 = tpu.vector_load %arg6[%get3A_470] {strides = array<i32>} : memref<32768xf32, #tpu.memory_space<vmem>>, vector<16xf32>,
      %get3A_472 = vector.shape_cast %get3A_471 : vector<16xf32> to vector<16xf32>
      %mul3A_473 = vector.broadcast %squeeze3A_467 : f32 to vector<16xf32>
      %mul3A_474 = arith.mulf %mul3A_473, %get3A_472 : vector<16xf32>
      %add3A_475 = arith.addf %add3A_453, %mul3A_474 : vector<16xf32>
      %mul3A_476 = arith.constant 32 : i32
      %mul3A_477 = arith.muli %squeeze3A_465, %mul3A_476 : i32
      %add3A_478 = arith.constant 16 : i32
      %add3A_479 = arith.addi %mul3A_477, %add3A_478 : i32
      %get3A_480 = arith.index_cast %add3A_479 : i32 to index
      %get3A_481 = tpu.vector_load %arg6[%get3A_480] {strides = array<i32>} : memref<32768xf32, #tpu.memory_space<vmem>>, vector<16xf32>,
      %get3A_482 = vector.shape_cast %get3A_481 : vector<16xf32> to vector<16xf32>
      %mul3A_483 = vector.broadcast %squeeze3A_467 : f32 to vector<16xf32>
      %mul3A_484 = arith.mulf %mul3A_483, %get3A_482 : vector<16xf32>
      %add3A_485 = arith.addf %add3A_463, %mul3A_484 : vector<16xf32>
      %slice3A_486 = vector.extract_strided_slice %get3A_284 {offsets = [9], sizes = [1], strides = [1]} : vector<16xi32> to vector<1xi32>
      %squeeze3A_487 = vector.extract %slice3A_486[0] : i32 from vector<1xi32>
      %slice3A_488 = vector.extract_strided_slice %get3A_289 {offsets = [9], sizes = [1], strides = [1]} : vector<16xf32> to vector<1xf32>
      %squeeze3A_489 = vector.extract %slice3A_488[0] : f32 from vector<1xf32>
      %mul3A_490 = arith.constant 32 : i32
      %mul3A_491 = arith.muli %squeeze3A_487, %mul3A_490 : i32
      %get3A_492 = arith.index_cast %mul3A_491 : i32 to index
      %get3A_493 = tpu.vector_load %arg6[%get3A_492] {strides = array<i32>} : memref<32768xf32, #tpu.memory_space<vmem>>, vector<16xf32>,
      %get3A_494 = vector.shape_cast %get3A_493 : vector<16xf32> to vector<16xf32>
      %mul3A_495 = vector.broadcast %squeeze3A_489 : f32 to vector<16xf32>
      %mul3A_496 = arith.mulf %mul3A_495, %get3A_494 : vector<16xf32>
      %add3A_497 = arith.addf %add3A_475, %mul3A_496 : vector<16xf32>
      %mul3A_498 = arith.constant 32 : i32
      %mul3A_499 = arith.muli %squeeze3A_487, %mul3A_498 : i32
      %add3A_500 = arith.constant 16 : i32
      %add3A_501 = arith.addi %mul3A_499, %add3A_500 : i32
      %get3A_502 = arith.index_cast %add3A_501 : i32 to index
      %get3A_503 = tpu.vector_load %arg6[%get3A_502] {strides = array<i32>} : memref<32768xf32, #tpu.memory_space<vmem>>, vector<16xf32>,
      %get3A_504 = vector.shape_cast %get3A_503 : vector<16xf32> to vector<16xf32>
      %mul3A_505 = vector.broadcast %squeeze3A_489 : f32 to vector<16xf32>
      %mul3A_506 = arith.mulf %mul3A_505, %get3A_504 : vector<16xf32>
      %add3A_507 = arith.addf %add3A_485, %mul3A_506 : vector<16xf32>
      %slice3A_508 = vector.extract_strided_slice %get3A_284 {offsets = [10], sizes = [1], strides = [1]} : vector<16xi32> to vector<1xi32>
      %squeeze3A_509 = vector.extract %slice3A_508[0] : i32 from vector<1xi32>
      %slice3A_510 = vector.extract_strided_slice %get3A_289 {offsets = [10], sizes = [1], strides = [1]} : vector<16xf32> to vector<1xf32>
      %squeeze3A_511 = vector.extract %slice3A_510[0] : f32 from vector<1xf32>
      %mul3A_512 = arith.constant 32 : i32
      %mul3A_513 = arith.muli %squeeze3A_509, %mul3A_512 : i32
      %get3A_514 = arith.index_cast %mul3A_513 : i32 to index
      %get3A_515 = tpu.vector_load %arg6[%get3A_514] {strides = array<i32>} : memref<32768xf32, #tpu.memory_space<vmem>>, vector<16xf32>,
      %get3A_516 = vector.shape_cast %get3A_515 : vector<16xf32> to vector<16xf32>
      %mul3A_517 = vector.broadcast %squeeze3A_511 : f32 to vector<16xf32>
      %mul3A_518 = arith.mulf %mul3A_517, %get3A_516 : vector<16xf32>
      %add3A_519 = arith.addf %add3A_497, %mul3A_518 : vector<16xf32>
      %mul3A_520 = arith.constant 32 : i32
      %mul3A_521 = arith.muli %squeeze3A_509, %mul3A_520 : i32
      %add3A_522 = arith.constant 16 : i32
      %add3A_523 = arith.addi %mul3A_521, %add3A_522 : i32
      %get3A_524 = arith.index_cast %add3A_523 : i32 to index
      %get3A_525 = tpu.vector_load %arg6[%get3A_524] {strides = array<i32>} : memref<32768xf32, #tpu.memory_space<vmem>>, vector<16xf32>,
      %get3A_526 = vector.shape_cast %get3A_525 : vector<16xf32> to vector<16xf32>
      %mul3A_527 = vector.broadcast %squeeze3A_511 : f32 to vector<16xf32>
      %mul3A_528 = arith.mulf %mul3A_527, %get3A_526 : vector<16xf32>
      %add3A_529 = arith.addf %add3A_507, %mul3A_528 : vector<16xf32>
      %slice3A_530 = vector.extract_strided_slice %get3A_284 {offsets = [11], sizes = [1], strides = [1]} : vector<16xi32> to vector<1xi32>
      %squeeze3A_531 = vector.extract %slice3A_530[0] : i32 from vector<1xi32>
      %slice3A_532 = vector.extract_strided_slice %get3A_289 {offsets = [11], sizes = [1], strides = [1]} : vector<16xf32> to vector<1xf32>
      %squeeze3A_533 = vector.extract %slice3A_532[0] : f32 from vector<1xf32>
      %mul3A_534 = arith.constant 32 : i32
      %mul3A_535 = arith.muli %squeeze3A_531, %mul3A_534 : i32
      %get3A_536 = arith.index_cast %mul3A_535 : i32 to index
      %get3A_537 = tpu.vector_load %arg6[%get3A_536] {strides = array<i32>} : memref<32768xf32, #tpu.memory_space<vmem>>, vector<16xf32>,
      %get3A_538 = vector.shape_cast %get3A_537 : vector<16xf32> to vector<16xf32>
      %mul3A_539 = vector.broadcast %squeeze3A_533 : f32 to vector<16xf32>
      %mul3A_540 = arith.mulf %mul3A_539, %get3A_538 : vector<16xf32>
      %add3A_541 = arith.addf %add3A_519, %mul3A_540 : vector<16xf32>
      %mul3A_542 = arith.constant 32 : i32
      %mul3A_543 = arith.muli %squeeze3A_531, %mul3A_542 : i32
      %add3A_544 = arith.constant 16 : i32
      %add3A_545 = arith.addi %mul3A_543, %add3A_544 : i32
      %get3A_546 = arith.index_cast %add3A_545 : i32 to index
      %get3A_547 = tpu.vector_load %arg6[%get3A_546] {strides = array<i32>} : memref<32768xf32, #tpu.memory_space<vmem>>, vector<16xf32>,
      %get3A_548 = vector.shape_cast %get3A_547 : vector<16xf32> to vector<16xf32>
      %mul3A_549 = vector.broadcast %squeeze3A_533 : f32 to vector<16xf32>
      %mul3A_550 = arith.mulf %mul3A_549, %get3A_548 : vector<16xf32>
      %add3A_551 = arith.addf %add3A_529, %mul3A_550 : vector<16xf32>
      %slice3A_552 = vector.extract_strided_slice %get3A_284 {offsets = [12], sizes = [1], strides = [1]} : vector<16xi32> to vector<1xi32>
      %squeeze3A_553 = vector.extract %slice3A_552[0] : i32 from vector<1xi32>
      %slice3A_554 = vector.extract_strided_slice %get3A_289 {offsets = [12], sizes = [1], strides = [1]} : vector<16xf32> to vector<1xf32>
      %squeeze3A_555 = vector.extract %slice3A_554[0] : f32 from vector<1xf32>
      %mul3A_556 = arith.constant 32 : i32
      %mul3A_557 = arith.muli %squeeze3A_553, %mul3A_556 : i32
      %get3A_558 = arith.index_cast %mul3A_557 : i32 to index
      %get3A_559 = tpu.vector_load %arg6[%get3A_558] {strides = array<i32>} : memref<32768xf32, #tpu.memory_space<vmem>>, vector<16xf32>,
      %get3A_560 = vector.shape_cast %get3A_559 : vector<16xf32> to vector<16xf32>
      %mul3A_561 = vector.broadcast %squeeze3A_555 : f32 to vector<16xf32>
      %mul3A_562 = arith.mulf %mul3A_561, %get3A_560 : vector<16xf32>
      %add3A_563 = arith.addf %add3A_541, %mul3A_562 : vector<16xf32>
      %mul3A_564 = arith.constant 32 : i32
      %mul3A_565 = arith.muli %squeeze3A_553, %mul3A_564 : i32
      %add3A_566 = arith.constant 16 : i32
      %add3A_567 = arith.addi %mul3A_565, %add3A_566 : i32
      %get3A_568 = arith.index_cast %add3A_567 : i32 to index
      %get3A_569 = tpu.vector_load %arg6[%get3A_568] {strides = array<i32>} : memref<32768xf32, #tpu.memory_space<vmem>>, vector<16xf32>,
      %get3A_570 = vector.shape_cast %get3A_569 : vector<16xf32> to vector<16xf32>
      %mul3A_571 = vector.broadcast %squeeze3A_555 : f32 to vector<16xf32>
      %mul3A_572 = arith.mulf %mul3A_571, %get3A_570 : vector<16xf32>
      %add3A_573 = arith.addf %add3A_551, %mul3A_572 : vector<16xf32>
      %slice3A_574 = vector.extract_strided_slice %get3A_284 {offsets = [13], sizes = [1], strides = [1]} : vector<16xi32> to vector<1xi32>
      %squeeze3A_575 = vector.extract %slice3A_574[0] : i32 from vector<1xi32>
      %slice3A_576 = vector.extract_strided_slice %get3A_289 {offsets = [13], sizes = [1], strides = [1]} : vector<16xf32> to vector<1xf32>
      %squeeze3A_577 = vector.extract %slice3A_576[0] : f32 from vector<1xf32>
      %mul3A_578 = arith.constant 32 : i32
      %mul3A_579 = arith.muli %squeeze3A_575, %mul3A_578 : i32
      %get3A_580 = arith.index_cast %mul3A_579 : i32 to index
      %get3A_581 = tpu.vector_load %arg6[%get3A_580] {strides = array<i32>} : memref<32768xf32, #tpu.memory_space<vmem>>, vector<16xf32>,
      %get3A_582 = vector.shape_cast %get3A_581 : vector<16xf32> to vector<16xf32>
      %mul3A_583 = vector.broadcast %squeeze3A_577 : f32 to vector<16xf32>
      %mul3A_584 = arith.mulf %mul3A_583, %get3A_582 : vector<16xf32>
      %add3A_585 = arith.addf %add3A_563, %mul3A_584 : vector<16xf32>
      %mul3A_586 = arith.constant 32 : i32
      %mul3A_587 = arith.muli %squeeze3A_575, %mul3A_586 : i32
      %add3A_588 = arith.constant 16 : i32
      %add3A_589 = arith.addi %mul3A_587, %add3A_588 : i32
      %get3A_590 = arith.index_cast %add3A_589 : i32 to index
      %get3A_591 = tpu.vector_load %arg6[%get3A_590] {strides = array<i32>} : memref<32768xf32, #tpu.memory_space<vmem>>, vector<16xf32>,
      %get3A_592 = vector.shape_cast %get3A_591 : vector<16xf32> to vector<16xf32>
      %mul3A_593 = vector.broadcast %squeeze3A_577 : f32 to vector<16xf32>
      %mul3A_594 = arith.mulf %mul3A_593, %get3A_592 : vector<16xf32>
      %add3A_595 = arith.addf %add3A_573, %mul3A_594 : vector<16xf32>
      %slice3A_596 = vector.extract_strided_slice %get3A_284 {offsets = [14], sizes = [1], strides = [1]} : vector<16xi32> to vector<1xi32>
      %squeeze3A_597 = vector.extract %slice3A_596[0] : i32 from vector<1xi32>
      %slice3A_598 = vector.extract_strided_slice %get3A_289 {offsets = [14], sizes = [1], strides = [1]} : vector<16xf32> to vector<1xf32>
      %squeeze3A_599 = vector.extract %slice3A_598[0] : f32 from vector<1xf32>
      %mul3A_600 = arith.constant 32 : i32
      %mul3A_601 = arith.muli %squeeze3A_597, %mul3A_600 : i32
      %get3A_602 = arith.index_cast %mul3A_601 : i32 to index
      %get3A_603 = tpu.vector_load %arg6[%get3A_602] {strides = array<i32>} : memref<32768xf32, #tpu.memory_space<vmem>>, vector<16xf32>,
      %get3A_604 = vector.shape_cast %get3A_603 : vector<16xf32> to vector<16xf32>
      %mul3A_605 = vector.broadcast %squeeze3A_599 : f32 to vector<16xf32>
      %mul3A_606 = arith.mulf %mul3A_605, %get3A_604 : vector<16xf32>
      %add3A_607 = arith.addf %add3A_585, %mul3A_606 : vector<16xf32>
      %mul3A_608 = arith.constant 32 : i32
      %mul3A_609 = arith.muli %squeeze3A_597, %mul3A_608 : i32
      %add3A_610 = arith.constant 16 : i32
      %add3A_611 = arith.addi %mul3A_609, %add3A_610 : i32
      %get3A_612 = arith.index_cast %add3A_611 : i32 to index
      %get3A_613 = tpu.vector_load %arg6[%get3A_612] {strides = array<i32>} : memref<32768xf32, #tpu.memory_space<vmem>>, vector<16xf32>,
      %get3A_614 = vector.shape_cast %get3A_613 : vector<16xf32> to vector<16xf32>
      %mul3A_615 = vector.broadcast %squeeze3A_599 : f32 to vector<16xf32>
      %mul3A_616 = arith.mulf %mul3A_615, %get3A_614 : vector<16xf32>
      %add3A_617 = arith.addf %add3A_595, %mul3A_616 : vector<16xf32>
      %slice3A_618 = vector.extract_strided_slice %get3A_284 {offsets = [15], sizes = [1], strides = [1]} : vector<16xi32> to vector<1xi32>
      %squeeze3A_619 = vector.extract %slice3A_618[0] : i32 from vector<1xi32>
      %slice3A_620 = vector.extract_strided_slice %get3A_289 {offsets = [15], sizes = [1], strides = [1]} : vector<16xf32> to vector<1xf32>
      %squeeze3A_621 = vector.extract %slice3A_620[0] : f32 from vector<1xf32>
      %mul3A_622 = arith.constant 32 : i32
      %mul3A_623 = arith.muli %squeeze3A_619, %mul3A_622 : i32
      %get3A_624 = arith.index_cast %mul3A_623 : i32 to index
      %get3A_625 = tpu.vector_load %arg6[%get3A_624] {strides = array<i32>} : memref<32768xf32, #tpu.memory_space<vmem>>, vector<16xf32>,
      %get3A_626 = vector.shape_cast %get3A_625 : vector<16xf32> to vector<16xf32>
      %mul3A_627 = vector.broadcast %squeeze3A_621 : f32 to vector<16xf32>
      %mul3A_628 = arith.mulf %mul3A_627, %get3A_626 : vector<16xf32>
      %add3A_629 = arith.addf %add3A_607, %mul3A_628 : vector<16xf32>
      %mul3A_630 = arith.constant 32 : i32
      %mul3A_631 = arith.muli %squeeze3A_619, %mul3A_630 : i32
      %add3A_632 = arith.constant 16 : i32
      %add3A_633 = arith.addi %mul3A_631, %add3A_632 : i32
      %get3A_634 = arith.index_cast %add3A_633 : i32 to index
      %get3A_635 = tpu.vector_load %arg6[%get3A_634] {strides = array<i32>} : memref<32768xf32, #tpu.memory_space<vmem>>, vector<16xf32>,
      %get3A_636 = vector.shape_cast %get3A_635 : vector<16xf32> to vector<16xf32>
      %mul3A_637 = vector.broadcast %squeeze3A_621 : f32 to vector<16xf32>
      %mul3A_638 = arith.mulf %mul3A_637, %get3A_636 : vector<16xf32>
      %add3A_639 = arith.addf %add3A_617, %mul3A_638 : vector<16xf32>
      %mul3A_640 = arith.constant 32 : i32
      %mul3A_641 = arith.muli %scan3A_277, %mul3A_640 : i32
      %swap3A = arith.index_cast %mul3A_641 : i32 to index
      %swap3A_642 = tpu.vector_load %arg9[%swap3A] {strides = array<i32>} : memref<40960xf32, #tpu.memory_space<vmem>>, vector<16xf32>,
      %swap3A_643 = vector.shape_cast %swap3A_642 : vector<16xf32> to vector<16xf32>
      %swap3A_644 = vector.shape_cast %add3A_629 : vector<16xf32> to vector<16xf32>
      tpu.vector_store %arg9[%swap3A], %swap3A_644 {strides = array<i32>} : memref<40960xf32, #tpu.memory_space<vmem>>, vector<16xf32>,
      %mul3A_645 = arith.constant 32 : i32
      %mul3A_646 = arith.muli %scan3A_277, %mul3A_645 : i32
      %add3A_647 = arith.constant 16 : i32
      %add3A_648 = arith.addi %mul3A_646, %add3A_647 : i32
      %swap3A_649 = arith.index_cast %add3A_648 : i32 to index
      %swap3A_650 = tpu.vector_load %arg9[%swap3A_649] {strides = array<i32>} : memref<40960xf32, #tpu.memory_space<vmem>>, vector<16xf32>,
      %swap3A_651 = vector.shape_cast %swap3A_650 : vector<16xf32> to vector<16xf32>
      %swap3A_652 = vector.shape_cast %add3A_639 : vector<16xf32> to vector<16xf32>
      tpu.vector_store %arg9[%swap3A_649], %swap3A_652 {strides = array<i32>} : memref<40960xf32, #tpu.memory_space<vmem>>, vector<16xf32>,
    }
    %scan3A_84 = arith.constant 1280 : i32
    "tpu.region"() ({
      %run_scoped3A = tpu.sem_alloc : memref<!tpu.dma_semaphore, #tpu.memory_space<semaphore_mem>>
      %dma_start3A = tpu.memref_slice %arg5[%select_n3A_58, %select_n3A_74, %multiple_of3A_79] : memref<6x8x81920xf32, #tpu.memory_space<hbm>> -> memref<1x1x40960xf32, #tpu.memory_space<hbm>>
      %dma_start3A_277 = tpu.memref_squeeze %dma_start3A : memref<1x1x40960xf32, #tpu.memory_space<hbm>> -> memref<40960xf32, #tpu.memory_space<hbm>>
      %dma_start3A_278 = tpu.memref_slice %arg5[%select_n3A_58, %select_n3A_74, %multiple_of3A_79] : memref<6x8x81920xf32, #tpu.memory_space<hbm>> -> memref<1x1x40960xf32, #tpu.memory_space<hbm>>
      %dma_start3A_279 = tpu.memref_squeeze %dma_start3A_278 : memref<1x1x40960xf32, #tpu.memory_space<hbm>> -> memref<40960xf32, #tpu.memory_space<hbm>>
      tpu.enqueue_dma source(%arg9 : memref<40960xf32, #tpu.memory_space<vmem>>) target(%dma_start3A_279 : memref<40960xf32, #tpu.memory_space<hbm>>) target_semaphore(%run_scoped3A : memref<!tpu.dma_semaphore, #tpu.memory_space<semaphore_mem>>)
      %dma_wait3A = tpu.memref_slice %arg5[%select_n3A_58, %select_n3A_74, %multiple_of3A_79] : memref<6x8x81920xf32, #tpu.memory_space<hbm>> -> memref<1x1x40960xf32, #tpu.memory_space<hbm>>
      %dma_wait3A_280 = tpu.memref_squeeze %dma_wait3A : memref<1x1x40960xf32, #tpu.memory_space<hbm>> -> memref<40960xf32, #tpu.memory_space<hbm>>
      %dma_wait3A_281 = tpu.memref_slice %arg5[%select_n3A_58, %select_n3A_74, %multiple_of3A_79] : memref<6x8x81920xf32, #tpu.memory_space<hbm>> -> memref<1x1x40960xf32, #tpu.memory_space<hbm>>
      %dma_wait3A_282 = tpu.memref_squeeze %dma_wait3A_281 : memref<1x1x40960xf32, #tpu.memory_space<hbm>> -> memref<40960xf32, #tpu.memory_space<hbm>>
      tpu.wait_dma2 semaphore(%run_scoped3A : memref<!tpu.dma_semaphore, #tpu.memory_space<semaphore_mem>>) src(%arg9 : memref<40960xf32, #tpu.memory_space<vmem>>) dst(%dma_wait3A_282 : memref<40960xf32, #tpu.memory_space<hbm>>)
      tpu.yield
    }) : () -> ()
    %mul3A_85 = arith.constant 3 : i32
    %mul3A_86 = arith.muli %add3A, %mul3A_85 : i32
    %add3A_87 = arith.constant 1 : i32
    %add3A_88 = arith.addi %mul3A_86, %add3A_87 : i32
    %jit3A_89 = arith.constant 2 : i32
    %div3A_90 = arith.divsi %add3A_88, %jit3A_89 : i32
    %sign3A_91 = arith.constant 0 : i32
    %sign3A_92 = arith.cmpi sgt, %add3A_88, %sign3A_91 : i32
    %sign3A_93 = arith.extui %sign3A_92 : i1 to i32
    %sign3A_94 = arith.constant 0 : i32
    %sign3A_95 = arith.cmpi slt, %add3A_88, %sign3A_94 : i32
    %sign3A_96 = arith.extui %sign3A_95 : i1 to i32
    %sign3A_97 = arith.subi %sign3A_93, %sign3A_96 : i32
    %sign3A_98 = arith.constant 0 : i32
    %sign3A_99 = arith.cmpi sgt, %jit3A_89, %sign3A_98 : i32
    %sign3A_100 = arith.extui %sign3A_99 : i1 to i32
    %sign3A_101 = arith.constant 0 : i32
    %sign3A_102 = arith.cmpi slt, %jit3A_89, %sign3A_101 : i32
    %sign3A_103 = arith.extui %sign3A_102 : i1 to i32
    %sign3A_104 = arith.subi %sign3A_100, %sign3A_103 : i32
    %ne3A_105 = arith.cmpi ne, %sign3A_97, %sign3A_104 : i32
    %rem3A_106 = arith.remsi %add3A_88, %jit3A_89 : i32
    %ne3A_107 = arith.constant 0 : i32
    %ne3A_108 = arith.cmpi ne, %rem3A_106, %ne3A_107 : i32
    %and3A_109 = arith.andi %ne3A_105, %ne3A_108 : i1
    %sub3A_110 = arith.constant 1 : i32
    %sub3A_111 = arith.subi %div3A_90, %sub3A_110 : i32
    %select_n3A_112 = arith.select %and3A_109, %sub3A_111, %div3A_90 : i32
    %jit3A_113 = arith.constant 2 : i32
    %eq3A_114 = arith.constant 0 : i32
    %eq3A_115 = arith.cmpi eq, %jit3A_113, %eq3A_114 : i32
    %jit3A_116 = arith.constant 1 : i32
    %select_n3A_117 = arith.select %eq3A_115, %jit3A_116, %jit3A_113 : i32
    %rem3A_118 = arith.remsi %add3A_88, %select_n3A_117 : i32
    %ne3A_119 = arith.constant 0 : i32
    %ne3A_120 = arith.cmpi ne, %rem3A_118, %ne3A_119 : i32
    %lt3A_121 = arith.constant 0 : i32
    %lt3A_122 = arith.cmpi slt, %rem3A_118, %lt3A_121 : i32
    %lt3A_123 = arith.constant 0 : i32
    %lt3A_124 = arith.cmpi slt, %select_n3A_117, %lt3A_123 : i32
    %ne3A_125 = arith.xori %lt3A_122, %lt3A_124 : i1
    %and3A_126 = arith.andi %ne3A_125, %ne3A_120 : i1
    %add3A_127 = arith.addi %rem3A_118, %select_n3A_117 : i32
    %select_n3A_128 = arith.select %and3A_126, %add3A_127, %rem3A_118 : i32
    %jit3A_129 = arith.constant 8 : i32
    %div3A_130 = arith.divsi %select_n3A_112, %jit3A_129 : i32
    %sign3A_131 = arith.constant 0 : i32
    %sign3A_132 = arith.cmpi sgt, %select_n3A_112, %sign3A_131 : i32
    %sign3A_133 = arith.extui %sign3A_132 : i1 to i32
    %sign3A_134 = arith.constant 0 : i32
    %sign3A_135 = arith.cmpi slt, %select_n3A_112, %sign3A_134 : i32
    %sign3A_136 = arith.extui %sign3A_135 : i1 to i32
    %sign3A_137 = arith.subi %sign3A_133, %sign3A_136 : i32
    %sign3A_138 = arith.constant 0 : i32
    %sign3A_139 = arith.cmpi sgt, %jit3A_129, %sign3A_138 : i32
    %sign3A_140 = arith.extui %sign3A_139 : i1 to i32
    %sign3A_141 = arith.constant 0 : i32
    %sign3A_142 = arith.cmpi slt, %jit3A_129, %sign3A_141 : i32
    %sign3A_143 = arith.extui %sign3A_142 : i1 to i32
    %sign3A_144 = arith.subi %sign3A_140, %sign3A_143 : i32
    %ne3A_145 = arith.cmpi ne, %sign3A_137, %sign3A_144 : i32
    %rem3A_146 = arith.remsi %select_n3A_112, %jit3A_129 : i32
    %ne3A_147 = arith.constant 0 : i32
    %ne3A_148 = arith.cmpi ne, %rem3A_146, %ne3A_147 : i32
    %and3A_149 = arith.andi %ne3A_145, %ne3A_148 : i1
    %sub3A_150 = arith.constant 1 : i32
    %sub3A_151 = arith.subi %div3A_130, %sub3A_150 : i32
    %select_n3A_152 = arith.select %and3A_149, %sub3A_151, %div3A_130 : i32
    %jit3A_153 = arith.constant 8 : i32
    %eq3A_154 = arith.constant 0 : i32
    %eq3A_155 = arith.cmpi eq, %jit3A_153, %eq3A_154 : i32
    %jit3A_156 = arith.constant 1 : i32
    %select_n3A_157 = arith.select %eq3A_155, %jit3A_156, %jit3A_153 : i32
    %rem3A_158 = arith.remsi %select_n3A_112, %select_n3A_157 : i32
    %ne3A_159 = arith.constant 0 : i32
    %ne3A_160 = arith.cmpi ne, %rem3A_158, %ne3A_159 : i32
    %lt3A_161 = arith.constant 0 : i32
    %lt3A_162 = arith.cmpi slt, %rem3A_158, %lt3A_161 : i32
    %lt3A_163 = arith.constant 0 : i32
    %lt3A_164 = arith.cmpi slt, %select_n3A_157, %lt3A_163 : i32
    %ne3A_165 = arith.xori %lt3A_162, %lt3A_164 : i1
    %and3A_166 = arith.andi %ne3A_165, %ne3A_160 : i1
    %add3A_167 = arith.addi %rem3A_158, %select_n3A_157 : i32
    %select_n3A_168 = arith.select %and3A_166, %add3A_167, %rem3A_158 : i32
    %mul3A_169 = arith.constant 20480 : i32
    %mul3A_170 = arith.muli %select_n3A_128, %mul3A_169 : i32
    %multiple_of3A_171 = tpu.assume_multiple %mul3A_170, 128 : i32
    %mul3A_172 = arith.constant 40960 : i32
    %mul3A_173 = arith.muli %select_n3A_128, %mul3A_172 : i32
    %multiple_of3A_174 = tpu.assume_multiple %mul3A_173, 128 : i32
    "tpu.region"() ({
      %run_scoped3A = tpu.sem_alloc : memref<!tpu.dma_semaphore, #tpu.memory_space<semaphore_mem>>
      %dma_start3A = arith.constant 0 : i32
      %dma_start3A_277 = tpu.memref_slice %arg2[%select_n3A_112, %dma_start3A] : memref<48x32768xf32, #tpu.memory_space<hbm>> -> memref<1x32768xf32, #tpu.memory_space<hbm>>
      %dma_start3A_278 = tpu.memref_squeeze %dma_start3A_277 : memref<1x32768xf32, #tpu.memory_space<hbm>> -> memref<32768xf32, #tpu.memory_space<hbm>>
      %dma_start3A_279 = arith.constant 0 : i32
      %dma_start3A_280 = tpu.memref_slice %arg2[%select_n3A_112, %dma_start3A_279] : memref<48x32768xf32, #tpu.memory_space<hbm>> -> memref<1x32768xf32, #tpu.memory_space<hbm>>
      %dma_start3A_281 = tpu.memref_squeeze %dma_start3A_280 : memref<1x32768xf32, #tpu.memory_space<hbm>> -> memref<32768xf32, #tpu.memory_space<hbm>>
      tpu.enqueue_dma source(%dma_start3A_281 : memref<32768xf32, #tpu.memory_space<hbm>>) target(%arg6 : memref<32768xf32, #tpu.memory_space<vmem>>) target_semaphore(%run_scoped3A : memref<!tpu.dma_semaphore, #tpu.memory_space<semaphore_mem>>)
      %dma_wait3A = arith.constant 0 : i32
      %dma_wait3A_282 = tpu.memref_slice %arg2[%select_n3A_112, %dma_wait3A] : memref<48x32768xf32, #tpu.memory_space<hbm>> -> memref<1x32768xf32, #tpu.memory_space<hbm>>
      %dma_wait3A_283 = tpu.memref_squeeze %dma_wait3A_282 : memref<1x32768xf32, #tpu.memory_space<hbm>> -> memref<32768xf32, #tpu.memory_space<hbm>>
      %dma_wait3A_284 = arith.constant 0 : i32
      %dma_wait3A_285 = tpu.memref_slice %arg2[%select_n3A_112, %dma_wait3A_284] : memref<48x32768xf32, #tpu.memory_space<hbm>> -> memref<1x32768xf32, #tpu.memory_space<hbm>>
      %dma_wait3A_286 = tpu.memref_squeeze %dma_wait3A_285 : memref<1x32768xf32, #tpu.memory_space<hbm>> -> memref<32768xf32, #tpu.memory_space<hbm>>
      tpu.wait_dma2 semaphore(%run_scoped3A : memref<!tpu.dma_semaphore, #tpu.memory_space<semaphore_mem>>) src(%dma_wait3A_286 : memref<32768xf32, #tpu.memory_space<hbm>>) dst(%arg6 : memref<32768xf32, #tpu.memory_space<vmem>>)
      tpu.yield
    }) : () -> ()
    "tpu.region"() ({
      %run_scoped3A = tpu.sem_alloc : memref<!tpu.dma_semaphore, #tpu.memory_space<semaphore_mem>>
      %dma_start3A = tpu.memref_slice %arg3[%select_n3A_112, %multiple_of3A_171] : memref<48x40960xi32, #tpu.memory_space<hbm>> -> memref<1x20480xi32, #tpu.memory_space<hbm>>
      %dma_start3A_277 = tpu.memref_squeeze %dma_start3A : memref<1x20480xi32, #tpu.memory_space<hbm>> -> memref<20480xi32, #tpu.memory_space<hbm>>
      %dma_start3A_278 = tpu.memref_slice %arg3[%select_n3A_112, %multiple_of3A_171] : memref<48x40960xi32, #tpu.memory_space<hbm>> -> memref<1x20480xi32, #tpu.memory_space<hbm>>
      %dma_start3A_279 = tpu.memref_squeeze %dma_start3A_278 : memref<1x20480xi32, #tpu.memory_space<hbm>> -> memref<20480xi32, #tpu.memory_space<hbm>>
      tpu.enqueue_dma source(%dma_start3A_279 : memref<20480xi32, #tpu.memory_space<hbm>>) target(%arg7 : memref<20480xi32, #tpu.memory_space<vmem>>) target_semaphore(%run_scoped3A : memref<!tpu.dma_semaphore, #tpu.memory_space<semaphore_mem>>)
      %dma_wait3A = tpu.memref_slice %arg3[%select_n3A_112, %multiple_of3A_171] : memref<48x40960xi32, #tpu.memory_space<hbm>> -> memref<1x20480xi32, #tpu.memory_space<hbm>>
      %dma_wait3A_280 = tpu.memref_squeeze %dma_wait3A : memref<1x20480xi32, #tpu.memory_space<hbm>> -> memref<20480xi32, #tpu.memory_space<hbm>>
      %dma_wait3A_281 = tpu.memref_slice %arg3[%select_n3A_112, %multiple_of3A_171] : memref<48x40960xi32, #tpu.memory_space<hbm>> -> memref<1x20480xi32, #tpu.memory_space<hbm>>
      %dma_wait3A_282 = tpu.memref_squeeze %dma_wait3A_281 : memref<1x20480xi32, #tpu.memory_space<hbm>> -> memref<20480xi32, #tpu.memory_space<hbm>>
      tpu.wait_dma2 semaphore(%run_scoped3A : memref<!tpu.dma_semaphore, #tpu.memory_space<semaphore_mem>>) src(%dma_wait3A_282 : memref<20480xi32, #tpu.memory_space<hbm>>) dst(%arg7 : memref<20480xi32, #tpu.memory_space<vmem>>)
      tpu.yield
    }) : () -> ()
    "tpu.region"() ({
      %run_scoped3A = tpu.sem_alloc : memref<!tpu.dma_semaphore, #tpu.memory_space<semaphore_mem>>
      %dma_start3A = tpu.memref_slice %arg4[%select_n3A_112, %multiple_of3A_171] : memref<48x40960xf32, #tpu.memory_space<hbm>> -> memref<1x20480xf32, #tpu.memory_space<hbm>>
      %dma_start3A_277 = tpu.memref_squeeze %dma_start3A : memref<1x20480xf32, #tpu.memory_space<hbm>> -> memref<20480xf32, #tpu.memory_space<hbm>>
      %dma_start3A_278 = tpu.memref_slice %arg4[%select_n3A_112, %multiple_of3A_171] : memref<48x40960xf32, #tpu.memory_space<hbm>> -> memref<1x20480xf32, #tpu.memory_space<hbm>>
      %dma_start3A_279 = tpu.memref_squeeze %dma_start3A_278 : memref<1x20480xf32, #tpu.memory_space<hbm>> -> memref<20480xf32, #tpu.memory_space<hbm>>
      tpu.enqueue_dma source(%dma_start3A_279 : memref<20480xf32, #tpu.memory_space<hbm>>) target(%arg8 : memref<20480xf32, #tpu.memory_space<vmem>>) target_semaphore(%run_scoped3A : memref<!tpu.dma_semaphore, #tpu.memory_space<semaphore_mem>>)
      %dma_wait3A = tpu.memref_slice %arg4[%select_n3A_112, %multiple_of3A_171] : memref<48x40960xf32, #tpu.memory_space<hbm>> -> memref<1x20480xf32, #tpu.memory_space<hbm>>
      %dma_wait3A_280 = tpu.memref_squeeze %dma_wait3A : memref<1x20480xf32, #tpu.memory_space<hbm>> -> memref<20480xf32, #tpu.memory_space<hbm>>
      %dma_wait3A_281 = tpu.memref_slice %arg4[%select_n3A_112, %multiple_of3A_171] : memref<48x40960xf32, #tpu.memory_space<hbm>> -> memref<1x20480xf32, #tpu.memory_space<hbm>>
      %dma_wait3A_282 = tpu.memref_squeeze %dma_wait3A_281 : memref<1x20480xf32, #tpu.memory_space<hbm>> -> memref<20480xf32, #tpu.memory_space<hbm>>
      tpu.wait_dma2 semaphore(%run_scoped3A : memref<!tpu.dma_semaphore, #tpu.memory_space<semaphore_mem>>) src(%dma_wait3A_282 : memref<20480xf32, #tpu.memory_space<hbm>>) dst(%arg8 : memref<20480xf32, #tpu.memory_space<vmem>>)
      tpu.yield
    }) : () -> ()
    %scan3A_175 = arith.constant 0 : i32
    %scan3A_176 = arith.constant 0 : i32
    %scan3A_177 = arith.constant 1280 : i32
    %scan3A_178 = arith.addi %scan3A_176, %scan3A_177 : i32
    %scan3A_179 = arith.constant 1 : i32
    scf.for %scan3A_277 = %scan3A_176 to %scan3A_178 step %scan3A_179  : i32 {
      %broadcast_in_dim3A = arith.constant 0.000000e+00 : f32
      %broadcast_in_dim3A_278 = vector.broadcast %broadcast_in_dim3A : f32 to vector<16xf32>
      %broadcast_in_dim3A_279 = arith.constant 0.000000e+00 : f32
      %broadcast_in_dim3A_280 = vector.broadcast %broadcast_in_dim3A_279 : f32 to vector<16xf32>
      %mul3A_281 = arith.constant 16 : i32
      %mul3A_282 = arith.muli %scan3A_277, %mul3A_281 : i32
      %get3A = arith.index_cast %mul3A_282 : i32 to index
      %get3A_283 = tpu.vector_load %arg7[%get3A] {strides = array<i32>} : memref<20480xi32, #tpu.memory_space<vmem>>, vector<16xi32>,
      %get3A_284 = vector.shape_cast %get3A_283 : vector<16xi32> to vector<16xi32>
      %mul3A_285 = arith.constant 16 : i32
      %mul3A_286 = arith.muli %scan3A_277, %mul3A_285 : i32
      %get3A_287 = arith.index_cast %mul3A_286 : i32 to index
      %get3A_288 = tpu.vector_load %arg8[%get3A_287] {strides = array<i32>} : memref<20480xf32, #tpu.memory_space<vmem>>, vector<16xf32>,
      %get3A_289 = vector.shape_cast %get3A_288 : vector<16xf32> to vector<16xf32>
      %slice3A = vector.extract_strided_slice %get3A_284 {offsets = [0], sizes = [1], strides = [1]} : vector<16xi32> to vector<1xi32>
      %squeeze3A = vector.extract %slice3A[0] : i32 from vector<1xi32>
      %slice3A_290 = vector.extract_strided_slice %get3A_289 {offsets = [0], sizes = [1], strides = [1]} : vector<16xf32> to vector<1xf32>
      %squeeze3A_291 = vector.extract %slice3A_290[0] : f32 from vector<1xf32>
      %mul3A_292 = arith.constant 32 : i32
      %mul3A_293 = arith.muli %squeeze3A, %mul3A_292 : i32
      %get3A_294 = arith.index_cast %mul3A_293 : i32 to index
      %get3A_295 = tpu.vector_load %arg6[%get3A_294] {strides = array<i32>} : memref<32768xf32, #tpu.memory_space<vmem>>, vector<16xf32>,
      %get3A_296 = vector.shape_cast %get3A_295 : vector<16xf32> to vector<16xf32>
      %mul3A_297 = vector.broadcast %squeeze3A_291 : f32 to vector<16xf32>
      %mul3A_298 = arith.mulf %mul3A_297, %get3A_296 : vector<16xf32>
      %add3A_299 = arith.addf %broadcast_in_dim3A_278, %mul3A_298 : vector<16xf32>
      %mul3A_300 = arith.constant 32 : i32
      %mul3A_301 = arith.muli %squeeze3A, %mul3A_300 : i32
      %add3A_302 = arith.constant 16 : i32
      %add3A_303 = arith.addi %mul3A_301, %add3A_302 : i32
      %get3A_304 = arith.index_cast %add3A_303 : i32 to index
      %get3A_305 = tpu.vector_load %arg6[%get3A_304] {strides = array<i32>} : memref<32768xf32, #tpu.memory_space<vmem>>, vector<16xf32>,
      %get3A_306 = vector.shape_cast %get3A_305 : vector<16xf32> to vector<16xf32>
      %mul3A_307 = vector.broadcast %squeeze3A_291 : f32 to vector<16xf32>
      %mul3A_308 = arith.mulf %mul3A_307, %get3A_306 : vector<16xf32>
      %add3A_309 = arith.addf %broadcast_in_dim3A_280, %mul3A_308 : vector<16xf32>
      %slice3A_310 = vector.extract_strided_slice %get3A_284 {offsets = [1], sizes = [1], strides = [1]} : vector<16xi32> to vector<1xi32>
      %squeeze3A_311 = vector.extract %slice3A_310[0] : i32 from vector<1xi32>
      %slice3A_312 = vector.extract_strided_slice %get3A_289 {offsets = [1], sizes = [1], strides = [1]} : vector<16xf32> to vector<1xf32>
      %squeeze3A_313 = vector.extract %slice3A_312[0] : f32 from vector<1xf32>
      %mul3A_314 = arith.constant 32 : i32
      %mul3A_315 = arith.muli %squeeze3A_311, %mul3A_314 : i32
      %get3A_316 = arith.index_cast %mul3A_315 : i32 to index
      %get3A_317 = tpu.vector_load %arg6[%get3A_316] {strides = array<i32>} : memref<32768xf32, #tpu.memory_space<vmem>>, vector<16xf32>,
      %get3A_318 = vector.shape_cast %get3A_317 : vector<16xf32> to vector<16xf32>
      %mul3A_319 = vector.broadcast %squeeze3A_313 : f32 to vector<16xf32>
      %mul3A_320 = arith.mulf %mul3A_319, %get3A_318 : vector<16xf32>
      %add3A_321 = arith.addf %add3A_299, %mul3A_320 : vector<16xf32>
      %mul3A_322 = arith.constant 32 : i32
      %mul3A_323 = arith.muli %squeeze3A_311, %mul3A_322 : i32
      %add3A_324 = arith.constant 16 : i32
      %add3A_325 = arith.addi %mul3A_323, %add3A_324 : i32
      %get3A_326 = arith.index_cast %add3A_325 : i32 to index
      %get3A_327 = tpu.vector_load %arg6[%get3A_326] {strides = array<i32>} : memref<32768xf32, #tpu.memory_space<vmem>>, vector<16xf32>,
      %get3A_328 = vector.shape_cast %get3A_327 : vector<16xf32> to vector<16xf32>
      %mul3A_329 = vector.broadcast %squeeze3A_313 : f32 to vector<16xf32>
      %mul3A_330 = arith.mulf %mul3A_329, %get3A_328 : vector<16xf32>
      %add3A_331 = arith.addf %add3A_309, %mul3A_330 : vector<16xf32>
      %slice3A_332 = vector.extract_strided_slice %get3A_284 {offsets = [2], sizes = [1], strides = [1]} : vector<16xi32> to vector<1xi32>
      %squeeze3A_333 = vector.extract %slice3A_332[0] : i32 from vector<1xi32>
      %slice3A_334 = vector.extract_strided_slice %get3A_289 {offsets = [2], sizes = [1], strides = [1]} : vector<16xf32> to vector<1xf32>
      %squeeze3A_335 = vector.extract %slice3A_334[0] : f32 from vector<1xf32>
      %mul3A_336 = arith.constant 32 : i32
      %mul3A_337 = arith.muli %squeeze3A_333, %mul3A_336 : i32
      %get3A_338 = arith.index_cast %mul3A_337 : i32 to index
      %get3A_339 = tpu.vector_load %arg6[%get3A_338] {strides = array<i32>} : memref<32768xf32, #tpu.memory_space<vmem>>, vector<16xf32>,
      %get3A_340 = vector.shape_cast %get3A_339 : vector<16xf32> to vector<16xf32>
      %mul3A_341 = vector.broadcast %squeeze3A_335 : f32 to vector<16xf32>
      %mul3A_342 = arith.mulf %mul3A_341, %get3A_340 : vector<16xf32>
      %add3A_343 = arith.addf %add3A_321, %mul3A_342 : vector<16xf32>
      %mul3A_344 = arith.constant 32 : i32
      %mul3A_345 = arith.muli %squeeze3A_333, %mul3A_344 : i32
      %add3A_346 = arith.constant 16 : i32
      %add3A_347 = arith.addi %mul3A_345, %add3A_346 : i32
      %get3A_348 = arith.index_cast %add3A_347 : i32 to index
      %get3A_349 = tpu.vector_load %arg6[%get3A_348] {strides = array<i32>} : memref<32768xf32, #tpu.memory_space<vmem>>, vector<16xf32>,
      %get3A_350 = vector.shape_cast %get3A_349 : vector<16xf32> to vector<16xf32>
      %mul3A_351 = vector.broadcast %squeeze3A_335 : f32 to vector<16xf32>
      %mul3A_352 = arith.mulf %mul3A_351, %get3A_350 : vector<16xf32>
      %add3A_353 = arith.addf %add3A_331, %mul3A_352 : vector<16xf32>
      %slice3A_354 = vector.extract_strided_slice %get3A_284 {offsets = [3], sizes = [1], strides = [1]} : vector<16xi32> to vector<1xi32>
      %squeeze3A_355 = vector.extract %slice3A_354[0] : i32 from vector<1xi32>
      %slice3A_356 = vector.extract_strided_slice %get3A_289 {offsets = [3], sizes = [1], strides = [1]} : vector<16xf32> to vector<1xf32>
      %squeeze3A_357 = vector.extract %slice3A_356[0] : f32 from vector<1xf32>
      %mul3A_358 = arith.constant 32 : i32
      %mul3A_359 = arith.muli %squeeze3A_355, %mul3A_358 : i32
      %get3A_360 = arith.index_cast %mul3A_359 : i32 to index
      %get3A_361 = tpu.vector_load %arg6[%get3A_360] {strides = array<i32>} : memref<32768xf32, #tpu.memory_space<vmem>>, vector<16xf32>,
      %get3A_362 = vector.shape_cast %get3A_361 : vector<16xf32> to vector<16xf32>
      %mul3A_363 = vector.broadcast %squeeze3A_357 : f32 to vector<16xf32>
      %mul3A_364 = arith.mulf %mul3A_363, %get3A_362 : vector<16xf32>
      %add3A_365 = arith.addf %add3A_343, %mul3A_364 : vector<16xf32>
      %mul3A_366 = arith.constant 32 : i32
      %mul3A_367 = arith.muli %squeeze3A_355, %mul3A_366 : i32
      %add3A_368 = arith.constant 16 : i32
      %add3A_369 = arith.addi %mul3A_367, %add3A_368 : i32
      %get3A_370 = arith.index_cast %add3A_369 : i32 to index
      %get3A_371 = tpu.vector_load %arg6[%get3A_370] {strides = array<i32>} : memref<32768xf32, #tpu.memory_space<vmem>>, vector<16xf32>,
      %get3A_372 = vector.shape_cast %get3A_371 : vector<16xf32> to vector<16xf32>
      %mul3A_373 = vector.broadcast %squeeze3A_357 : f32 to vector<16xf32>
      %mul3A_374 = arith.mulf %mul3A_373, %get3A_372 : vector<16xf32>
      %add3A_375 = arith.addf %add3A_353, %mul3A_374 : vector<16xf32>
      %slice3A_376 = vector.extract_strided_slice %get3A_284 {offsets = [4], sizes = [1], strides = [1]} : vector<16xi32> to vector<1xi32>
      %squeeze3A_377 = vector.extract %slice3A_376[0] : i32 from vector<1xi32>
      %slice3A_378 = vector.extract_strided_slice %get3A_289 {offsets = [4], sizes = [1], strides = [1]} : vector<16xf32> to vector<1xf32>
      %squeeze3A_379 = vector.extract %slice3A_378[0] : f32 from vector<1xf32>
      %mul3A_380 = arith.constant 32 : i32
      %mul3A_381 = arith.muli %squeeze3A_377, %mul3A_380 : i32
      %get3A_382 = arith.index_cast %mul3A_381 : i32 to index
      %get3A_383 = tpu.vector_load %arg6[%get3A_382] {strides = array<i32>} : memref<32768xf32, #tpu.memory_space<vmem>>, vector<16xf32>,
      %get3A_384 = vector.shape_cast %get3A_383 : vector<16xf32> to vector<16xf32>
      %mul3A_385 = vector.broadcast %squeeze3A_379 : f32 to vector<16xf32>
      %mul3A_386 = arith.mulf %mul3A_385, %get3A_384 : vector<16xf32>
      %add3A_387 = arith.addf %add3A_365, %mul3A_386 : vector<16xf32>
      %mul3A_388 = arith.constant 32 : i32
      %mul3A_389 = arith.muli %squeeze3A_377, %mul3A_388 : i32
      %add3A_390 = arith.constant 16 : i32
      %add3A_391 = arith.addi %mul3A_389, %add3A_390 : i32
      %get3A_392 = arith.index_cast %add3A_391 : i32 to index
      %get3A_393 = tpu.vector_load %arg6[%get3A_392] {strides = array<i32>} : memref<32768xf32, #tpu.memory_space<vmem>>, vector<16xf32>,
      %get3A_394 = vector.shape_cast %get3A_393 : vector<16xf32> to vector<16xf32>
      %mul3A_395 = vector.broadcast %squeeze3A_379 : f32 to vector<16xf32>
      %mul3A_396 = arith.mulf %mul3A_395, %get3A_394 : vector<16xf32>
      %add3A_397 = arith.addf %add3A_375, %mul3A_396 : vector<16xf32>
      %slice3A_398 = vector.extract_strided_slice %get3A_284 {offsets = [5], sizes = [1], strides = [1]} : vector<16xi32> to vector<1xi32>
      %squeeze3A_399 = vector.extract %slice3A_398[0] : i32 from vector<1xi32>
      %slice3A_400 = vector.extract_strided_slice %get3A_289 {offsets = [5], sizes = [1], strides = [1]} : vector<16xf32> to vector<1xf32>
      %squeeze3A_401 = vector.extract %slice3A_400[0] : f32 from vector<1xf32>
      %mul3A_402 = arith.constant 32 : i32
      %mul3A_403 = arith.muli %squeeze3A_399, %mul3A_402 : i32
      %get3A_404 = arith.index_cast %mul3A_403 : i32 to index
      %get3A_405 = tpu.vector_load %arg6[%get3A_404] {strides = array<i32>} : memref<32768xf32, #tpu.memory_space<vmem>>, vector<16xf32>,
      %get3A_406 = vector.shape_cast %get3A_405 : vector<16xf32> to vector<16xf32>
      %mul3A_407 = vector.broadcast %squeeze3A_401 : f32 to vector<16xf32>
      %mul3A_408 = arith.mulf %mul3A_407, %get3A_406 : vector<16xf32>
      %add3A_409 = arith.addf %add3A_387, %mul3A_408 : vector<16xf32>
      %mul3A_410 = arith.constant 32 : i32
      %mul3A_411 = arith.muli %squeeze3A_399, %mul3A_410 : i32
      %add3A_412 = arith.constant 16 : i32
      %add3A_413 = arith.addi %mul3A_411, %add3A_412 : i32
      %get3A_414 = arith.index_cast %add3A_413 : i32 to index
      %get3A_415 = tpu.vector_load %arg6[%get3A_414] {strides = array<i32>} : memref<32768xf32, #tpu.memory_space<vmem>>, vector<16xf32>,
      %get3A_416 = vector.shape_cast %get3A_415 : vector<16xf32> to vector<16xf32>
      %mul3A_417 = vector.broadcast %squeeze3A_401 : f32 to vector<16xf32>
      %mul3A_418 = arith.mulf %mul3A_417, %get3A_416 : vector<16xf32>
      %add3A_419 = arith.addf %add3A_397, %mul3A_418 : vector<16xf32>
      %slice3A_420 = vector.extract_strided_slice %get3A_284 {offsets = [6], sizes = [1], strides = [1]} : vector<16xi32> to vector<1xi32>
      %squeeze3A_421 = vector.extract %slice3A_420[0] : i32 from vector<1xi32>
      %slice3A_422 = vector.extract_strided_slice %get3A_289 {offsets = [6], sizes = [1], strides = [1]} : vector<16xf32> to vector<1xf32>
      %squeeze3A_423 = vector.extract %slice3A_422[0] : f32 from vector<1xf32>
      %mul3A_424 = arith.constant 32 : i32
      %mul3A_425 = arith.muli %squeeze3A_421, %mul3A_424 : i32
      %get3A_426 = arith.index_cast %mul3A_425 : i32 to index
      %get3A_427 = tpu.vector_load %arg6[%get3A_426] {strides = array<i32>} : memref<32768xf32, #tpu.memory_space<vmem>>, vector<16xf32>,
      %get3A_428 = vector.shape_cast %get3A_427 : vector<16xf32> to vector<16xf32>
      %mul3A_429 = vector.broadcast %squeeze3A_423 : f32 to vector<16xf32>
      %mul3A_430 = arith.mulf %mul3A_429, %get3A_428 : vector<16xf32>
      %add3A_431 = arith.addf %add3A_409, %mul3A_430 : vector<16xf32>
      %mul3A_432 = arith.constant 32 : i32
      %mul3A_433 = arith.muli %squeeze3A_421, %mul3A_432 : i32
      %add3A_434 = arith.constant 16 : i32
      %add3A_435 = arith.addi %mul3A_433, %add3A_434 : i32
      %get3A_436 = arith.index_cast %add3A_435 : i32 to index
      %get3A_437 = tpu.vector_load %arg6[%get3A_436] {strides = array<i32>} : memref<32768xf32, #tpu.memory_space<vmem>>, vector<16xf32>,
      %get3A_438 = vector.shape_cast %get3A_437 : vector<16xf32> to vector<16xf32>
      %mul3A_439 = vector.broadcast %squeeze3A_423 : f32 to vector<16xf32>
      %mul3A_440 = arith.mulf %mul3A_439, %get3A_438 : vector<16xf32>
      %add3A_441 = arith.addf %add3A_419, %mul3A_440 : vector<16xf32>
      %slice3A_442 = vector.extract_strided_slice %get3A_284 {offsets = [7], sizes = [1], strides = [1]} : vector<16xi32> to vector<1xi32>
      %squeeze3A_443 = vector.extract %slice3A_442[0] : i32 from vector<1xi32>
      %slice3A_444 = vector.extract_strided_slice %get3A_289 {offsets = [7], sizes = [1], strides = [1]} : vector<16xf32> to vector<1xf32>
      %squeeze3A_445 = vector.extract %slice3A_444[0] : f32 from vector<1xf32>
      %mul3A_446 = arith.constant 32 : i32
      %mul3A_447 = arith.muli %squeeze3A_443, %mul3A_446 : i32
      %get3A_448 = arith.index_cast %mul3A_447 : i32 to index
      %get3A_449 = tpu.vector_load %arg6[%get3A_448] {strides = array<i32>} : memref<32768xf32, #tpu.memory_space<vmem>>, vector<16xf32>,
      %get3A_450 = vector.shape_cast %get3A_449 : vector<16xf32> to vector<16xf32>
      %mul3A_451 = vector.broadcast %squeeze3A_445 : f32 to vector<16xf32>
      %mul3A_452 = arith.mulf %mul3A_451, %get3A_450 : vector<16xf32>
      %add3A_453 = arith.addf %add3A_431, %mul3A_452 : vector<16xf32>
      %mul3A_454 = arith.constant 32 : i32
      %mul3A_455 = arith.muli %squeeze3A_443, %mul3A_454 : i32
      %add3A_456 = arith.constant 16 : i32
      %add3A_457 = arith.addi %mul3A_455, %add3A_456 : i32
      %get3A_458 = arith.index_cast %add3A_457 : i32 to index
      %get3A_459 = tpu.vector_load %arg6[%get3A_458] {strides = array<i32>} : memref<32768xf32, #tpu.memory_space<vmem>>, vector<16xf32>,
      %get3A_460 = vector.shape_cast %get3A_459 : vector<16xf32> to vector<16xf32>
      %mul3A_461 = vector.broadcast %squeeze3A_445 : f32 to vector<16xf32>
      %mul3A_462 = arith.mulf %mul3A_461, %get3A_460 : vector<16xf32>
      %add3A_463 = arith.addf %add3A_441, %mul3A_462 : vector<16xf32>
      %slice3A_464 = vector.extract_strided_slice %get3A_284 {offsets = [8], sizes = [1], strides = [1]} : vector<16xi32> to vector<1xi32>
      %squeeze3A_465 = vector.extract %slice3A_464[0] : i32 from vector<1xi32>
      %slice3A_466 = vector.extract_strided_slice %get3A_289 {offsets = [8], sizes = [1], strides = [1]} : vector<16xf32> to vector<1xf32>
      %squeeze3A_467 = vector.extract %slice3A_466[0] : f32 from vector<1xf32>
      %mul3A_468 = arith.constant 32 : i32
      %mul3A_469 = arith.muli %squeeze3A_465, %mul3A_468 : i32
      %get3A_470 = arith.index_cast %mul3A_469 : i32 to index
      %get3A_471 = tpu.vector_load %arg6[%get3A_470] {strides = array<i32>} : memref<32768xf32, #tpu.memory_space<vmem>>, vector<16xf32>,
      %get3A_472 = vector.shape_cast %get3A_471 : vector<16xf32> to vector<16xf32>
      %mul3A_473 = vector.broadcast %squeeze3A_467 : f32 to vector<16xf32>
      %mul3A_474 = arith.mulf %mul3A_473, %get3A_472 : vector<16xf32>
      %add3A_475 = arith.addf %add3A_453, %mul3A_474 : vector<16xf32>
      %mul3A_476 = arith.constant 32 : i32
      %mul3A_477 = arith.muli %squeeze3A_465, %mul3A_476 : i32
      %add3A_478 = arith.constant 16 : i32
      %add3A_479 = arith.addi %mul3A_477, %add3A_478 : i32
      %get3A_480 = arith.index_cast %add3A_479 : i32 to index
      %get3A_481 = tpu.vector_load %arg6[%get3A_480] {strides = array<i32>} : memref<32768xf32, #tpu.memory_space<vmem>>, vector<16xf32>,
      %get3A_482 = vector.shape_cast %get3A_481 : vector<16xf32> to vector<16xf32>
      %mul3A_483 = vector.broadcast %squeeze3A_467 : f32 to vector<16xf32>
      %mul3A_484 = arith.mulf %mul3A_483, %get3A_482 : vector<16xf32>
      %add3A_485 = arith.addf %add3A_463, %mul3A_484 : vector<16xf32>
      %slice3A_486 = vector.extract_strided_slice %get3A_284 {offsets = [9], sizes = [1], strides = [1]} : vector<16xi32> to vector<1xi32>
      %squeeze3A_487 = vector.extract %slice3A_486[0] : i32 from vector<1xi32>
      %slice3A_488 = vector.extract_strided_slice %get3A_289 {offsets = [9], sizes = [1], strides = [1]} : vector<16xf32> to vector<1xf32>
      %squeeze3A_489 = vector.extract %slice3A_488[0] : f32 from vector<1xf32>
      %mul3A_490 = arith.constant 32 : i32
      %mul3A_491 = arith.muli %squeeze3A_487, %mul3A_490 : i32
      %get3A_492 = arith.index_cast %mul3A_491 : i32 to index
      %get3A_493 = tpu.vector_load %arg6[%get3A_492] {strides = array<i32>} : memref<32768xf32, #tpu.memory_space<vmem>>, vector<16xf32>,
      %get3A_494 = vector.shape_cast %get3A_493 : vector<16xf32> to vector<16xf32>
      %mul3A_495 = vector.broadcast %squeeze3A_489 : f32 to vector<16xf32>
      %mul3A_496 = arith.mulf %mul3A_495, %get3A_494 : vector<16xf32>
      %add3A_497 = arith.addf %add3A_475, %mul3A_496 : vector<16xf32>
      %mul3A_498 = arith.constant 32 : i32
      %mul3A_499 = arith.muli %squeeze3A_487, %mul3A_498 : i32
      %add3A_500 = arith.constant 16 : i32
      %add3A_501 = arith.addi %mul3A_499, %add3A_500 : i32
      %get3A_502 = arith.index_cast %add3A_501 : i32 to index
      %get3A_503 = tpu.vector_load %arg6[%get3A_502] {strides = array<i32>} : memref<32768xf32, #tpu.memory_space<vmem>>, vector<16xf32>,
      %get3A_504 = vector.shape_cast %get3A_503 : vector<16xf32> to vector<16xf32>
      %mul3A_505 = vector.broadcast %squeeze3A_489 : f32 to vector<16xf32>
      %mul3A_506 = arith.mulf %mul3A_505, %get3A_504 : vector<16xf32>
      %add3A_507 = arith.addf %add3A_485, %mul3A_506 : vector<16xf32>
      %slice3A_508 = vector.extract_strided_slice %get3A_284 {offsets = [10], sizes = [1], strides = [1]} : vector<16xi32> to vector<1xi32>
      %squeeze3A_509 = vector.extract %slice3A_508[0] : i32 from vector<1xi32>
      %slice3A_510 = vector.extract_strided_slice %get3A_289 {offsets = [10], sizes = [1], strides = [1]} : vector<16xf32> to vector<1xf32>
      %squeeze3A_511 = vector.extract %slice3A_510[0] : f32 from vector<1xf32>
      %mul3A_512 = arith.constant 32 : i32
      %mul3A_513 = arith.muli %squeeze3A_509, %mul3A_512 : i32
      %get3A_514 = arith.index_cast %mul3A_513 : i32 to index
      %get3A_515 = tpu.vector_load %arg6[%get3A_514] {strides = array<i32>} : memref<32768xf32, #tpu.memory_space<vmem>>, vector<16xf32>,
      %get3A_516 = vector.shape_cast %get3A_515 : vector<16xf32> to vector<16xf32>
      %mul3A_517 = vector.broadcast %squeeze3A_511 : f32 to vector<16xf32>
      %mul3A_518 = arith.mulf %mul3A_517, %get3A_516 : vector<16xf32>
      %add3A_519 = arith.addf %add3A_497, %mul3A_518 : vector<16xf32>
      %mul3A_520 = arith.constant 32 : i32
      %mul3A_521 = arith.muli %squeeze3A_509, %mul3A_520 : i32
      %add3A_522 = arith.constant 16 : i32
      %add3A_523 = arith.addi %mul3A_521, %add3A_522 : i32
      %get3A_524 = arith.index_cast %add3A_523 : i32 to index
      %get3A_525 = tpu.vector_load %arg6[%get3A_524] {strides = array<i32>} : memref<32768xf32, #tpu.memory_space<vmem>>, vector<16xf32>,
      %get3A_526 = vector.shape_cast %get3A_525 : vector<16xf32> to vector<16xf32>
      %mul3A_527 = vector.broadcast %squeeze3A_511 : f32 to vector<16xf32>
      %mul3A_528 = arith.mulf %mul3A_527, %get3A_526 : vector<16xf32>
      %add3A_529 = arith.addf %add3A_507, %mul3A_528 : vector<16xf32>
      %slice3A_530 = vector.extract_strided_slice %get3A_284 {offsets = [11], sizes = [1], strides = [1]} : vector<16xi32> to vector<1xi32>
      %squeeze3A_531 = vector.extract %slice3A_530[0] : i32 from vector<1xi32>
      %slice3A_532 = vector.extract_strided_slice %get3A_289 {offsets = [11], sizes = [1], strides = [1]} : vector<16xf32> to vector<1xf32>
      %squeeze3A_533 = vector.extract %slice3A_532[0] : f32 from vector<1xf32>
      %mul3A_534 = arith.constant 32 : i32
      %mul3A_535 = arith.muli %squeeze3A_531, %mul3A_534 : i32
      %get3A_536 = arith.index_cast %mul3A_535 : i32 to index
      %get3A_537 = tpu.vector_load %arg6[%get3A_536] {strides = array<i32>} : memref<32768xf32, #tpu.memory_space<vmem>>, vector<16xf32>,
      %get3A_538 = vector.shape_cast %get3A_537 : vector<16xf32> to vector<16xf32>
      %mul3A_539 = vector.broadcast %squeeze3A_533 : f32 to vector<16xf32>
      %mul3A_540 = arith.mulf %mul3A_539, %get3A_538 : vector<16xf32>
      %add3A_541 = arith.addf %add3A_519, %mul3A_540 : vector<16xf32>
      %mul3A_542 = arith.constant 32 : i32
      %mul3A_543 = arith.muli %squeeze3A_531, %mul3A_542 : i32
      %add3A_544 = arith.constant 16 : i32
      %add3A_545 = arith.addi %mul3A_543, %add3A_544 : i32
      %get3A_546 = arith.index_cast %add3A_545 : i32 to index
      %get3A_547 = tpu.vector_load %arg6[%get3A_546] {strides = array<i32>} : memref<32768xf32, #tpu.memory_space<vmem>>, vector<16xf32>,
      %get3A_548 = vector.shape_cast %get3A_547 : vector<16xf32> to vector<16xf32>
      %mul3A_549 = vector.broadcast %squeeze3A_533 : f32 to vector<16xf32>
      %mul3A_550 = arith.mulf %mul3A_549, %get3A_548 : vector<16xf32>
      %add3A_551 = arith.addf %add3A_529, %mul3A_550 : vector<16xf32>
      %slice3A_552 = vector.extract_strided_slice %get3A_284 {offsets = [12], sizes = [1], strides = [1]} : vector<16xi32> to vector<1xi32>
      %squeeze3A_553 = vector.extract %slice3A_552[0] : i32 from vector<1xi32>
      %slice3A_554 = vector.extract_strided_slice %get3A_289 {offsets = [12], sizes = [1], strides = [1]} : vector<16xf32> to vector<1xf32>
      %squeeze3A_555 = vector.extract %slice3A_554[0] : f32 from vector<1xf32>
      %mul3A_556 = arith.constant 32 : i32
      %mul3A_557 = arith.muli %squeeze3A_553, %mul3A_556 : i32
      %get3A_558 = arith.index_cast %mul3A_557 : i32 to index
      %get3A_559 = tpu.vector_load %arg6[%get3A_558] {strides = array<i32>} : memref<32768xf32, #tpu.memory_space<vmem>>, vector<16xf32>,
      %get3A_560 = vector.shape_cast %get3A_559 : vector<16xf32> to vector<16xf32>
      %mul3A_561 = vector.broadcast %squeeze3A_555 : f32 to vector<16xf32>
      %mul3A_562 = arith.mulf %mul3A_561, %get3A_560 : vector<16xf32>
      %add3A_563 = arith.addf %add3A_541, %mul3A_562 : vector<16xf32>
      %mul3A_564 = arith.constant 32 : i32
      %mul3A_565 = arith.muli %squeeze3A_553, %mul3A_564 : i32
      %add3A_566 = arith.constant 16 : i32
      %add3A_567 = arith.addi %mul3A_565, %add3A_566 : i32
      %get3A_568 = arith.index_cast %add3A_567 : i32 to index
      %get3A_569 = tpu.vector_load %arg6[%get3A_568] {strides = array<i32>} : memref<32768xf32, #tpu.memory_space<vmem>>, vector<16xf32>,
      %get3A_570 = vector.shape_cast %get3A_569 : vector<16xf32> to vector<16xf32>
      %mul3A_571 = vector.broadcast %squeeze3A_555 : f32 to vector<16xf32>
      %mul3A_572 = arith.mulf %mul3A_571, %get3A_570 : vector<16xf32>
      %add3A_573 = arith.addf %add3A_551, %mul3A_572 : vector<16xf32>
      %slice3A_574 = vector.extract_strided_slice %get3A_284 {offsets = [13], sizes = [1], strides = [1]} : vector<16xi32> to vector<1xi32>
      %squeeze3A_575 = vector.extract %slice3A_574[0] : i32 from vector<1xi32>
      %slice3A_576 = vector.extract_strided_slice %get3A_289 {offsets = [13], sizes = [1], strides = [1]} : vector<16xf32> to vector<1xf32>
      %squeeze3A_577 = vector.extract %slice3A_576[0] : f32 from vector<1xf32>
      %mul3A_578 = arith.constant 32 : i32
      %mul3A_579 = arith.muli %squeeze3A_575, %mul3A_578 : i32
      %get3A_580 = arith.index_cast %mul3A_579 : i32 to index
      %get3A_581 = tpu.vector_load %arg6[%get3A_580] {strides = array<i32>} : memref<32768xf32, #tpu.memory_space<vmem>>, vector<16xf32>,
      %get3A_582 = vector.shape_cast %get3A_581 : vector<16xf32> to vector<16xf32>
      %mul3A_583 = vector.broadcast %squeeze3A_577 : f32 to vector<16xf32>
      %mul3A_584 = arith.mulf %mul3A_583, %get3A_582 : vector<16xf32>
      %add3A_585 = arith.addf %add3A_563, %mul3A_584 : vector<16xf32>
      %mul3A_586 = arith.constant 32 : i32
      %mul3A_587 = arith.muli %squeeze3A_575, %mul3A_586 : i32
      %add3A_588 = arith.constant 16 : i32
      %add3A_589 = arith.addi %mul3A_587, %add3A_588 : i32
      %get3A_590 = arith.index_cast %add3A_589 : i32 to index
      %get3A_591 = tpu.vector_load %arg6[%get3A_590] {strides = array<i32>} : memref<32768xf32, #tpu.memory_space<vmem>>, vector<16xf32>,
      %get3A_592 = vector.shape_cast %get3A_591 : vector<16xf32> to vector<16xf32>
      %mul3A_593 = vector.broadcast %squeeze3A_577 : f32 to vector<16xf32>
      %mul3A_594 = arith.mulf %mul3A_593, %get3A_592 : vector<16xf32>
      %add3A_595 = arith.addf %add3A_573, %mul3A_594 : vector<16xf32>
      %slice3A_596 = vector.extract_strided_slice %get3A_284 {offsets = [14], sizes = [1], strides = [1]} : vector<16xi32> to vector<1xi32>
      %squeeze3A_597 = vector.extract %slice3A_596[0] : i32 from vector<1xi32>
      %slice3A_598 = vector.extract_strided_slice %get3A_289 {offsets = [14], sizes = [1], strides = [1]} : vector<16xf32> to vector<1xf32>
      %squeeze3A_599 = vector.extract %slice3A_598[0] : f32 from vector<1xf32>
      %mul3A_600 = arith.constant 32 : i32
      %mul3A_601 = arith.muli %squeeze3A_597, %mul3A_600 : i32
      %get3A_602 = arith.index_cast %mul3A_601 : i32 to index
      %get3A_603 = tpu.vector_load %arg6[%get3A_602] {strides = array<i32>} : memref<32768xf32, #tpu.memory_space<vmem>>, vector<16xf32>,
      %get3A_604 = vector.shape_cast %get3A_603 : vector<16xf32> to vector<16xf32>
      %mul3A_605 = vector.broadcast %squeeze3A_599 : f32 to vector<16xf32>
      %mul3A_606 = arith.mulf %mul3A_605, %get3A_604 : vector<16xf32>
      %add3A_607 = arith.addf %add3A_585, %mul3A_606 : vector<16xf32>
      %mul3A_608 = arith.constant 32 : i32
      %mul3A_609 = arith.muli %squeeze3A_597, %mul3A_608 : i32
      %add3A_610 = arith.constant 16 : i32
      %add3A_611 = arith.addi %mul3A_609, %add3A_610 : i32
      %get3A_612 = arith.index_cast %add3A_611 : i32 to index
      %get3A_613 = tpu.vector_load %arg6[%get3A_612] {strides = array<i32>} : memref<32768xf32, #tpu.memory_space<vmem>>, vector<16xf32>,
      %get3A_614 = vector.shape_cast %get3A_613 : vector<16xf32> to vector<16xf32>
      %mul3A_615 = vector.broadcast %squeeze3A_599 : f32 to vector<16xf32>
      %mul3A_616 = arith.mulf %mul3A_615, %get3A_614 : vector<16xf32>
      %add3A_617 = arith.addf %add3A_595, %mul3A_616 : vector<16xf32>
      %slice3A_618 = vector.extract_strided_slice %get3A_284 {offsets = [15], sizes = [1], strides = [1]} : vector<16xi32> to vector<1xi32>
      %squeeze3A_619 = vector.extract %slice3A_618[0] : i32 from vector<1xi32>
      %slice3A_620 = vector.extract_strided_slice %get3A_289 {offsets = [15], sizes = [1], strides = [1]} : vector<16xf32> to vector<1xf32>
      %squeeze3A_621 = vector.extract %slice3A_620[0] : f32 from vector<1xf32>
      %mul3A_622 = arith.constant 32 : i32
      %mul3A_623 = arith.muli %squeeze3A_619, %mul3A_622 : i32
      %get3A_624 = arith.index_cast %mul3A_623 : i32 to index
      %get3A_625 = tpu.vector_load %arg6[%get3A_624] {strides = array<i32>} : memref<32768xf32, #tpu.memory_space<vmem>>, vector<16xf32>,
      %get3A_626 = vector.shape_cast %get3A_625 : vector<16xf32> to vector<16xf32>
      %mul3A_627 = vector.broadcast %squeeze3A_621 : f32 to vector<16xf32>
      %mul3A_628 = arith.mulf %mul3A_627, %get3A_626 : vector<16xf32>
      %add3A_629 = arith.addf %add3A_607, %mul3A_628 : vector<16xf32>
      %mul3A_630 = arith.constant 32 : i32
      %mul3A_631 = arith.muli %squeeze3A_619, %mul3A_630 : i32
      %add3A_632 = arith.constant 16 : i32
      %add3A_633 = arith.addi %mul3A_631, %add3A_632 : i32
      %get3A_634 = arith.index_cast %add3A_633 : i32 to index
      %get3A_635 = tpu.vector_load %arg6[%get3A_634] {strides = array<i32>} : memref<32768xf32, #tpu.memory_space<vmem>>, vector<16xf32>,
      %get3A_636 = vector.shape_cast %get3A_635 : vector<16xf32> to vector<16xf32>
      %mul3A_637 = vector.broadcast %squeeze3A_621 : f32 to vector<16xf32>
      %mul3A_638 = arith.mulf %mul3A_637, %get3A_636 : vector<16xf32>
      %add3A_639 = arith.addf %add3A_617, %mul3A_638 : vector<16xf32>
      %mul3A_640 = arith.constant 32 : i32
      %mul3A_641 = arith.muli %scan3A_277, %mul3A_640 : i32
      %swap3A = arith.index_cast %mul3A_641 : i32 to index
      %swap3A_642 = tpu.vector_load %arg9[%swap3A] {strides = array<i32>} : memref<40960xf32, #tpu.memory_space<vmem>>, vector<16xf32>,
      %swap3A_643 = vector.shape_cast %swap3A_642 : vector<16xf32> to vector<16xf32>
      %swap3A_644 = vector.shape_cast %add3A_629 : vector<16xf32> to vector<16xf32>
      tpu.vector_store %arg9[%swap3A], %swap3A_644 {strides = array<i32>} : memref<40960xf32, #tpu.memory_space<vmem>>, vector<16xf32>,
      %mul3A_645 = arith.constant 32 : i32
      %mul3A_646 = arith.muli %scan3A_277, %mul3A_645 : i32
      %add3A_647 = arith.constant 16 : i32
      %add3A_648 = arith.addi %mul3A_646, %add3A_647 : i32
      %swap3A_649 = arith.index_cast %add3A_648 : i32 to index
      %swap3A_650 = tpu.vector_load %arg9[%swap3A_649] {strides = array<i32>} : memref<40960xf32, #tpu.memory_space<vmem>>, vector<16xf32>,
      %swap3A_651 = vector.shape_cast %swap3A_650 : vector<16xf32> to vector<16xf32>
      %swap3A_652 = vector.shape_cast %add3A_639 : vector<16xf32> to vector<16xf32>
      tpu.vector_store %arg9[%swap3A_649], %swap3A_652 {strides = array<i32>} : memref<40960xf32, #tpu.memory_space<vmem>>, vector<16xf32>,
    }
    %scan3A_180 = arith.constant 1280 : i32
    "tpu.region"() ({
      %run_scoped3A = tpu.sem_alloc : memref<!tpu.dma_semaphore, #tpu.memory_space<semaphore_mem>>
      %dma_start3A = tpu.memref_slice %arg5[%select_n3A_152, %select_n3A_168, %multiple_of3A_174] : memref<6x8x81920xf32, #tpu.memory_space<hbm>> -> memref<1x1x40960xf32, #tpu.memory_space<hbm>>
      %dma_start3A_277 = tpu.memref_squeeze %dma_start3A : memref<1x1x40960xf32, #tpu.memory_space<hbm>> -> memref<40960xf32, #tpu.memory_space<hbm>>
      %dma_start3A_278 = tpu.memref_slice %arg5[%select_n3A_152, %select_n3A_168, %multiple_of3A_174] : memref<6x8x81920xf32, #tpu.memory_space<hbm>> -> memref<1x1x40960xf32, #tpu.memory_space<hbm>>
      %dma_start3A_279 = tpu.memref_squeeze %dma_start3A_278 : memref<1x1x40960xf32, #tpu.memory_space<hbm>> -> memref<40960xf32, #tpu.memory_space<hbm>>
      tpu.enqueue_dma source(%arg9 : memref<40960xf32, #tpu.memory_space<vmem>>) target(%dma_start3A_279 : memref<40960xf32, #tpu.memory_space<hbm>>) target_semaphore(%run_scoped3A : memref<!tpu.dma_semaphore, #tpu.memory_space<semaphore_mem>>)
      %dma_wait3A = tpu.memref_slice %arg5[%select_n3A_152, %select_n3A_168, %multiple_of3A_174] : memref<6x8x81920xf32, #tpu.memory_space<hbm>> -> memref<1x1x40960xf32, #tpu.memory_space<hbm>>
      %dma_wait3A_280 = tpu.memref_squeeze %dma_wait3A : memref<1x1x40960xf32, #tpu.memory_space<hbm>> -> memref<40960xf32, #tpu.memory_space<hbm>>
      %dma_wait3A_281 = tpu.memref_slice %arg5[%select_n3A_152, %select_n3A_168, %multiple_of3A_174] : memref<6x8x81920xf32, #tpu.memory_space<hbm>> -> memref<1x1x40960xf32, #tpu.memory_space<hbm>>
      %dma_wait3A_282 = tpu.memref_squeeze %dma_wait3A_281 : memref<1x1x40960xf32, #tpu.memory_space<hbm>> -> memref<40960xf32, #tpu.memory_space<hbm>>
      tpu.wait_dma2 semaphore(%run_scoped3A : memref<!tpu.dma_semaphore, #tpu.memory_space<semaphore_mem>>) src(%arg9 : memref<40960xf32, #tpu.memory_space<vmem>>) dst(%dma_wait3A_282 : memref<40960xf32, #tpu.memory_space<hbm>>)
      tpu.yield
    }) : () -> ()
    %mul3A_181 = arith.constant 3 : i32
    %mul3A_182 = arith.muli %add3A, %mul3A_181 : i32
    %add3A_183 = arith.constant 2 : i32
    %add3A_184 = arith.addi %mul3A_182, %add3A_183 : i32
    %jit3A_185 = arith.constant 2 : i32
    %div3A_186 = arith.divsi %add3A_184, %jit3A_185 : i32
    %sign3A_187 = arith.constant 0 : i32
    %sign3A_188 = arith.cmpi sgt, %add3A_184, %sign3A_187 : i32
    %sign3A_189 = arith.extui %sign3A_188 : i1 to i32
    %sign3A_190 = arith.constant 0 : i32
    %sign3A_191 = arith.cmpi slt, %add3A_184, %sign3A_190 : i32
    %sign3A_192 = arith.extui %sign3A_191 : i1 to i32
    %sign3A_193 = arith.subi %sign3A_189, %sign3A_192 : i32
    %sign3A_194 = arith.constant 0 : i32
    %sign3A_195 = arith.cmpi sgt, %jit3A_185, %sign3A_194 : i32
    %sign3A_196 = arith.extui %sign3A_195 : i1 to i32
    %sign3A_197 = arith.constant 0 : i32
    %sign3A_198 = arith.cmpi slt, %jit3A_185, %sign3A_197 : i32
    %sign3A_199 = arith.extui %sign3A_198 : i1 to i32
    %sign3A_200 = arith.subi %sign3A_196, %sign3A_199 : i32
    %ne3A_201 = arith.cmpi ne, %sign3A_193, %sign3A_200 : i32
    %rem3A_202 = arith.remsi %add3A_184, %jit3A_185 : i32
    %ne3A_203 = arith.constant 0 : i32
    %ne3A_204 = arith.cmpi ne, %rem3A_202, %ne3A_203 : i32
    %and3A_205 = arith.andi %ne3A_201, %ne3A_204 : i1
    %sub3A_206 = arith.constant 1 : i32
    %sub3A_207 = arith.subi %div3A_186, %sub3A_206 : i32
    %select_n3A_208 = arith.select %and3A_205, %sub3A_207, %div3A_186 : i32
    %jit3A_209 = arith.constant 2 : i32
    %eq3A_210 = arith.constant 0 : i32
    %eq3A_211 = arith.cmpi eq, %jit3A_209, %eq3A_210 : i32
    %jit3A_212 = arith.constant 1 : i32
    %select_n3A_213 = arith.select %eq3A_211, %jit3A_212, %jit3A_209 : i32
    %rem3A_214 = arith.remsi %add3A_184, %select_n3A_213 : i32
    %ne3A_215 = arith.constant 0 : i32
    %ne3A_216 = arith.cmpi ne, %rem3A_214, %ne3A_215 : i32
    %lt3A_217 = arith.constant 0 : i32
    %lt3A_218 = arith.cmpi slt, %rem3A_214, %lt3A_217 : i32
    %lt3A_219 = arith.constant 0 : i32
    %lt3A_220 = arith.cmpi slt, %select_n3A_213, %lt3A_219 : i32
    %ne3A_221 = arith.xori %lt3A_218, %lt3A_220 : i1
    %and3A_222 = arith.andi %ne3A_221, %ne3A_216 : i1
    %add3A_223 = arith.addi %rem3A_214, %select_n3A_213 : i32
    %select_n3A_224 = arith.select %and3A_222, %add3A_223, %rem3A_214 : i32
    %jit3A_225 = arith.constant 8 : i32
    %div3A_226 = arith.divsi %select_n3A_208, %jit3A_225 : i32
    %sign3A_227 = arith.constant 0 : i32
    %sign3A_228 = arith.cmpi sgt, %select_n3A_208, %sign3A_227 : i32
    %sign3A_229 = arith.extui %sign3A_228 : i1 to i32
    %sign3A_230 = arith.constant 0 : i32
    %sign3A_231 = arith.cmpi slt, %select_n3A_208, %sign3A_230 : i32
    %sign3A_232 = arith.extui %sign3A_231 : i1 to i32
    %sign3A_233 = arith.subi %sign3A_229, %sign3A_232 : i32
    %sign3A_234 = arith.constant 0 : i32
    %sign3A_235 = arith.cmpi sgt, %jit3A_225, %sign3A_234 : i32
    %sign3A_236 = arith.extui %sign3A_235 : i1 to i32
    %sign3A_237 = arith.constant 0 : i32
    %sign3A_238 = arith.cmpi slt, %jit3A_225, %sign3A_237 : i32
    %sign3A_239 = arith.extui %sign3A_238 : i1 to i32
    %sign3A_240 = arith.subi %sign3A_236, %sign3A_239 : i32
    %ne3A_241 = arith.cmpi ne, %sign3A_233, %sign3A_240 : i32
    %rem3A_242 = arith.remsi %select_n3A_208, %jit3A_225 : i32
    %ne3A_243 = arith.constant 0 : i32
    %ne3A_244 = arith.cmpi ne, %rem3A_242, %ne3A_243 : i32
    %and3A_245 = arith.andi %ne3A_241, %ne3A_244 : i1
    %sub3A_246 = arith.constant 1 : i32
    %sub3A_247 = arith.subi %div3A_226, %sub3A_246 : i32
    %select_n3A_248 = arith.select %and3A_245, %sub3A_247, %div3A_226 : i32
    %jit3A_249 = arith.constant 8 : i32
    %eq3A_250 = arith.constant 0 : i32
    %eq3A_251 = arith.cmpi eq, %jit3A_249, %eq3A_250 : i32
    %jit3A_252 = arith.constant 1 : i32
    %select_n3A_253 = arith.select %eq3A_251, %jit3A_252, %jit3A_249 : i32
    %rem3A_254 = arith.remsi %select_n3A_208, %select_n3A_253 : i32
    %ne3A_255 = arith.constant 0 : i32
    %ne3A_256 = arith.cmpi ne, %rem3A_254, %ne3A_255 : i32
    %lt3A_257 = arith.constant 0 : i32
    %lt3A_258 = arith.cmpi slt, %rem3A_254, %lt3A_257 : i32
    %lt3A_259 = arith.constant 0 : i32
    %lt3A_260 = arith.cmpi slt, %select_n3A_253, %lt3A_259 : i32
    %ne3A_261 = arith.xori %lt3A_258, %lt3A_260 : i1
    %and3A_262 = arith.andi %ne3A_261, %ne3A_256 : i1
    %add3A_263 = arith.addi %rem3A_254, %select_n3A_253 : i32
    %select_n3A_264 = arith.select %and3A_262, %add3A_263, %rem3A_254 : i32
    %mul3A_265 = arith.constant 20480 : i32
    %mul3A_266 = arith.muli %select_n3A_224, %mul3A_265 : i32
    %multiple_of3A_267 = tpu.assume_multiple %mul3A_266, 128 : i32
    %mul3A_268 = arith.constant 40960 : i32
    %mul3A_269 = arith.muli %select_n3A_224, %mul3A_268 : i32
    %multiple_of3A_270 = tpu.assume_multiple %mul3A_269, 128 : i32
    "tpu.region"() ({
      %run_scoped3A = tpu.sem_alloc : memref<!tpu.dma_semaphore, #tpu.memory_space<semaphore_mem>>
      %dma_start3A = arith.constant 0 : i32
      %dma_start3A_277 = tpu.memref_slice %arg2[%select_n3A_208, %dma_start3A] : memref<48x32768xf32, #tpu.memory_space<hbm>> -> memref<1x32768xf32, #tpu.memory_space<hbm>>
      %dma_start3A_278 = tpu.memref_squeeze %dma_start3A_277 : memref<1x32768xf32, #tpu.memory_space<hbm>> -> memref<32768xf32, #tpu.memory_space<hbm>>
      %dma_start3A_279 = arith.constant 0 : i32
      %dma_start3A_280 = tpu.memref_slice %arg2[%select_n3A_208, %dma_start3A_279] : memref<48x32768xf32, #tpu.memory_space<hbm>> -> memref<1x32768xf32, #tpu.memory_space<hbm>>
      %dma_start3A_281 = tpu.memref_squeeze %dma_start3A_280 : memref<1x32768xf32, #tpu.memory_space<hbm>> -> memref<32768xf32, #tpu.memory_space<hbm>>
      tpu.enqueue_dma source(%dma_start3A_281 : memref<32768xf32, #tpu.memory_space<hbm>>) target(%arg6 : memref<32768xf32, #tpu.memory_space<vmem>>) target_semaphore(%run_scoped3A : memref<!tpu.dma_semaphore, #tpu.memory_space<semaphore_mem>>)
      %dma_wait3A = arith.constant 0 : i32
      %dma_wait3A_282 = tpu.memref_slice %arg2[%select_n3A_208, %dma_wait3A] : memref<48x32768xf32, #tpu.memory_space<hbm>> -> memref<1x32768xf32, #tpu.memory_space<hbm>>
      %dma_wait3A_283 = tpu.memref_squeeze %dma_wait3A_282 : memref<1x32768xf32, #tpu.memory_space<hbm>> -> memref<32768xf32, #tpu.memory_space<hbm>>
      %dma_wait3A_284 = arith.constant 0 : i32
      %dma_wait3A_285 = tpu.memref_slice %arg2[%select_n3A_208, %dma_wait3A_284] : memref<48x32768xf32, #tpu.memory_space<hbm>> -> memref<1x32768xf32, #tpu.memory_space<hbm>>
      %dma_wait3A_286 = tpu.memref_squeeze %dma_wait3A_285 : memref<1x32768xf32, #tpu.memory_space<hbm>> -> memref<32768xf32, #tpu.memory_space<hbm>>
      tpu.wait_dma2 semaphore(%run_scoped3A : memref<!tpu.dma_semaphore, #tpu.memory_space<semaphore_mem>>) src(%dma_wait3A_286 : memref<32768xf32, #tpu.memory_space<hbm>>) dst(%arg6 : memref<32768xf32, #tpu.memory_space<vmem>>)
      tpu.yield
    }) : () -> ()
    "tpu.region"() ({
      %run_scoped3A = tpu.sem_alloc : memref<!tpu.dma_semaphore, #tpu.memory_space<semaphore_mem>>
      %dma_start3A = tpu.memref_slice %arg3[%select_n3A_208, %multiple_of3A_267] : memref<48x40960xi32, #tpu.memory_space<hbm>> -> memref<1x20480xi32, #tpu.memory_space<hbm>>
      %dma_start3A_277 = tpu.memref_squeeze %dma_start3A : memref<1x20480xi32, #tpu.memory_space<hbm>> -> memref<20480xi32, #tpu.memory_space<hbm>>
      %dma_start3A_278 = tpu.memref_slice %arg3[%select_n3A_208, %multiple_of3A_267] : memref<48x40960xi32, #tpu.memory_space<hbm>> -> memref<1x20480xi32, #tpu.memory_space<hbm>>
      %dma_start3A_279 = tpu.memref_squeeze %dma_start3A_278 : memref<1x20480xi32, #tpu.memory_space<hbm>> -> memref<20480xi32, #tpu.memory_space<hbm>>
      tpu.enqueue_dma source(%dma_start3A_279 : memref<20480xi32, #tpu.memory_space<hbm>>) target(%arg7 : memref<20480xi32, #tpu.memory_space<vmem>>) target_semaphore(%run_scoped3A : memref<!tpu.dma_semaphore, #tpu.memory_space<semaphore_mem>>)
      %dma_wait3A = tpu.memref_slice %arg3[%select_n3A_208, %multiple_of3A_267] : memref<48x40960xi32, #tpu.memory_space<hbm>> -> memref<1x20480xi32, #tpu.memory_space<hbm>>
      %dma_wait3A_280 = tpu.memref_squeeze %dma_wait3A : memref<1x20480xi32, #tpu.memory_space<hbm>> -> memref<20480xi32, #tpu.memory_space<hbm>>
      %dma_wait3A_281 = tpu.memref_slice %arg3[%select_n3A_208, %multiple_of3A_267] : memref<48x40960xi32, #tpu.memory_space<hbm>> -> memref<1x20480xi32, #tpu.memory_space<hbm>>
      %dma_wait3A_282 = tpu.memref_squeeze %dma_wait3A_281 : memref<1x20480xi32, #tpu.memory_space<hbm>> -> memref<20480xi32, #tpu.memory_space<hbm>>
      tpu.wait_dma2 semaphore(%run_scoped3A : memref<!tpu.dma_semaphore, #tpu.memory_space<semaphore_mem>>) src(%dma_wait3A_282 : memref<20480xi32, #tpu.memory_space<hbm>>) dst(%arg7 : memref<20480xi32, #tpu.memory_space<vmem>>)
      tpu.yield
    }) : () -> ()
    "tpu.region"() ({
      %run_scoped3A = tpu.sem_alloc : memref<!tpu.dma_semaphore, #tpu.memory_space<semaphore_mem>>
      %dma_start3A = tpu.memref_slice %arg4[%select_n3A_208, %multiple_of3A_267] : memref<48x40960xf32, #tpu.memory_space<hbm>> -> memref<1x20480xf32, #tpu.memory_space<hbm>>
      %dma_start3A_277 = tpu.memref_squeeze %dma_start3A : memref<1x20480xf32, #tpu.memory_space<hbm>> -> memref<20480xf32, #tpu.memory_space<hbm>>
      %dma_start3A_278 = tpu.memref_slice %arg4[%select_n3A_208, %multiple_of3A_267] : memref<48x40960xf32, #tpu.memory_space<hbm>> -> memref<1x20480xf32, #tpu.memory_space<hbm>>
      %dma_start3A_279 = tpu.memref_squeeze %dma_start3A_278 : memref<1x20480xf32, #tpu.memory_space<hbm>> -> memref<20480xf32, #tpu.memory_space<hbm>>
      tpu.enqueue_dma source(%dma_start3A_279 : memref<20480xf32, #tpu.memory_space<hbm>>) target(%arg8 : memref<20480xf32, #tpu.memory_space<vmem>>) target_semaphore(%run_scoped3A : memref<!tpu.dma_semaphore, #tpu.memory_space<semaphore_mem>>)
      %dma_wait3A = tpu.memref_slice %arg4[%select_n3A_208, %multiple_of3A_267] : memref<48x40960xf32, #tpu.memory_space<hbm>> -> memref<1x20480xf32, #tpu.memory_space<hbm>>
      %dma_wait3A_280 = tpu.memref_squeeze %dma_wait3A : memref<1x20480xf32, #tpu.memory_space<hbm>> -> memref<20480xf32, #tpu.memory_space<hbm>>
      %dma_wait3A_281 = tpu.memref_slice %arg4[%select_n3A_208, %multiple_of3A_267] : memref<48x40960xf32, #tpu.memory_space<hbm>> -> memref<1x20480xf32, #tpu.memory_space<hbm>>
      %dma_wait3A_282 = tpu.memref_squeeze %dma_wait3A_281 : memref<1x20480xf32, #tpu.memory_space<hbm>> -> memref<20480xf32, #tpu.memory_space<hbm>>
      tpu.wait_dma2 semaphore(%run_scoped3A : memref<!tpu.dma_semaphore, #tpu.memory_space<semaphore_mem>>) src(%dma_wait3A_282 : memref<20480xf32, #tpu.memory_space<hbm>>) dst(%arg8 : memref<20480xf32, #tpu.memory_space<vmem>>)
      tpu.yield
    }) : () -> ()
    %scan3A_271 = arith.constant 0 : i32
    %scan3A_272 = arith.constant 0 : i32
    %scan3A_273 = arith.constant 1280 : i32
    %scan3A_274 = arith.addi %scan3A_272, %scan3A_273 : i32
    %scan3A_275 = arith.constant 1 : i32
    scf.for %scan3A_277 = %scan3A_272 to %scan3A_274 step %scan3A_275  : i32 {
      %broadcast_in_dim3A = arith.constant 0.000000e+00 : f32
      %broadcast_in_dim3A_278 = vector.broadcast %broadcast_in_dim3A : f32 to vector<16xf32>
      %broadcast_in_dim3A_279 = arith.constant 0.000000e+00 : f32
      %broadcast_in_dim3A_280 = vector.broadcast %broadcast_in_dim3A_279 : f32 to vector<16xf32>
      %mul3A_281 = arith.constant 16 : i32
      %mul3A_282 = arith.muli %scan3A_277, %mul3A_281 : i32
      %get3A = arith.index_cast %mul3A_282 : i32 to index
      %get3A_283 = tpu.vector_load %arg7[%get3A] {strides = array<i32>} : memref<20480xi32, #tpu.memory_space<vmem>>, vector<16xi32>,
      %get3A_284 = vector.shape_cast %get3A_283 : vector<16xi32> to vector<16xi32>
      %mul3A_285 = arith.constant 16 : i32
      %mul3A_286 = arith.muli %scan3A_277, %mul3A_285 : i32
      %get3A_287 = arith.index_cast %mul3A_286 : i32 to index
      %get3A_288 = tpu.vector_load %arg8[%get3A_287] {strides = array<i32>} : memref<20480xf32, #tpu.memory_space<vmem>>, vector<16xf32>,
      %get3A_289 = vector.shape_cast %get3A_288 : vector<16xf32> to vector<16xf32>
      %slice3A = vector.extract_strided_slice %get3A_284 {offsets = [0], sizes = [1], strides = [1]} : vector<16xi32> to vector<1xi32>
      %squeeze3A = vector.extract %slice3A[0] : i32 from vector<1xi32>
      %slice3A_290 = vector.extract_strided_slice %get3A_289 {offsets = [0], sizes = [1], strides = [1]} : vector<16xf32> to vector<1xf32>
      %squeeze3A_291 = vector.extract %slice3A_290[0] : f32 from vector<1xf32>
      %mul3A_292 = arith.constant 32 : i32
      %mul3A_293 = arith.muli %squeeze3A, %mul3A_292 : i32
      %get3A_294 = arith.index_cast %mul3A_293 : i32 to index
      %get3A_295 = tpu.vector_load %arg6[%get3A_294] {strides = array<i32>} : memref<32768xf32, #tpu.memory_space<vmem>>, vector<16xf32>,
      %get3A_296 = vector.shape_cast %get3A_295 : vector<16xf32> to vector<16xf32>
      %mul3A_297 = vector.broadcast %squeeze3A_291 : f32 to vector<16xf32>
      %mul3A_298 = arith.mulf %mul3A_297, %get3A_296 : vector<16xf32>
      %add3A_299 = arith.addf %broadcast_in_dim3A_278, %mul3A_298 : vector<16xf32>
      %mul3A_300 = arith.constant 32 : i32
      %mul3A_301 = arith.muli %squeeze3A, %mul3A_300 : i32
      %add3A_302 = arith.constant 16 : i32
      %add3A_303 = arith.addi %mul3A_301, %add3A_302 : i32
      %get3A_304 = arith.index_cast %add3A_303 : i32 to index
      %get3A_305 = tpu.vector_load %arg6[%get3A_304] {strides = array<i32>} : memref<32768xf32, #tpu.memory_space<vmem>>, vector<16xf32>,
      %get3A_306 = vector.shape_cast %get3A_305 : vector<16xf32> to vector<16xf32>
      %mul3A_307 = vector.broadcast %squeeze3A_291 : f32 to vector<16xf32>
      %mul3A_308 = arith.mulf %mul3A_307, %get3A_306 : vector<16xf32>
      %add3A_309 = arith.addf %broadcast_in_dim3A_280, %mul3A_308 : vector<16xf32>
      %slice3A_310 = vector.extract_strided_slice %get3A_284 {offsets = [1], sizes = [1], strides = [1]} : vector<16xi32> to vector<1xi32>
      %squeeze3A_311 = vector.extract %slice3A_310[0] : i32 from vector<1xi32>
      %slice3A_312 = vector.extract_strided_slice %get3A_289 {offsets = [1], sizes = [1], strides = [1]} : vector<16xf32> to vector<1xf32>
      %squeeze3A_313 = vector.extract %slice3A_312[0] : f32 from vector<1xf32>
      %mul3A_314 = arith.constant 32 : i32
      %mul3A_315 = arith.muli %squeeze3A_311, %mul3A_314 : i32
      %get3A_316 = arith.index_cast %mul3A_315 : i32 to index
      %get3A_317 = tpu.vector_load %arg6[%get3A_316] {strides = array<i32>} : memref<32768xf32, #tpu.memory_space<vmem>>, vector<16xf32>,
      %get3A_318 = vector.shape_cast %get3A_317 : vector<16xf32> to vector<16xf32>
      %mul3A_319 = vector.broadcast %squeeze3A_313 : f32 to vector<16xf32>
      %mul3A_320 = arith.mulf %mul3A_319, %get3A_318 : vector<16xf32>
      %add3A_321 = arith.addf %add3A_299, %mul3A_320 : vector<16xf32>
      %mul3A_322 = arith.constant 32 : i32
      %mul3A_323 = arith.muli %squeeze3A_311, %mul3A_322 : i32
      %add3A_324 = arith.constant 16 : i32
      %add3A_325 = arith.addi %mul3A_323, %add3A_324 : i32
      %get3A_326 = arith.index_cast %add3A_325 : i32 to index
      %get3A_327 = tpu.vector_load %arg6[%get3A_326] {strides = array<i32>} : memref<32768xf32, #tpu.memory_space<vmem>>, vector<16xf32>,
      %get3A_328 = vector.shape_cast %get3A_327 : vector<16xf32> to vector<16xf32>
      %mul3A_329 = vector.broadcast %squeeze3A_313 : f32 to vector<16xf32>
      %mul3A_330 = arith.mulf %mul3A_329, %get3A_328 : vector<16xf32>
      %add3A_331 = arith.addf %add3A_309, %mul3A_330 : vector<16xf32>
      %slice3A_332 = vector.extract_strided_slice %get3A_284 {offsets = [2], sizes = [1], strides = [1]} : vector<16xi32> to vector<1xi32>
      %squeeze3A_333 = vector.extract %slice3A_332[0] : i32 from vector<1xi32>
      %slice3A_334 = vector.extract_strided_slice %get3A_289 {offsets = [2], sizes = [1], strides = [1]} : vector<16xf32> to vector<1xf32>
      %squeeze3A_335 = vector.extract %slice3A_334[0] : f32 from vector<1xf32>
      %mul3A_336 = arith.constant 32 : i32
      %mul3A_337 = arith.muli %squeeze3A_333, %mul3A_336 : i32
      %get3A_338 = arith.index_cast %mul3A_337 : i32 to index
      %get3A_339 = tpu.vector_load %arg6[%get3A_338] {strides = array<i32>} : memref<32768xf32, #tpu.memory_space<vmem>>, vector<16xf32>,
      %get3A_340 = vector.shape_cast %get3A_339 : vector<16xf32> to vector<16xf32>
      %mul3A_341 = vector.broadcast %squeeze3A_335 : f32 to vector<16xf32>
      %mul3A_342 = arith.mulf %mul3A_341, %get3A_340 : vector<16xf32>
      %add3A_343 = arith.addf %add3A_321, %mul3A_342 : vector<16xf32>
      %mul3A_344 = arith.constant 32 : i32
      %mul3A_345 = arith.muli %squeeze3A_333, %mul3A_344 : i32
      %add3A_346 = arith.constant 16 : i32
      %add3A_347 = arith.addi %mul3A_345, %add3A_346 : i32
      %get3A_348 = arith.index_cast %add3A_347 : i32 to index
      %get3A_349 = tpu.vector_load %arg6[%get3A_348] {strides = array<i32>} : memref<32768xf32, #tpu.memory_space<vmem>>, vector<16xf32>,
      %get3A_350 = vector.shape_cast %get3A_349 : vector<16xf32> to vector<16xf32>
      %mul3A_351 = vector.broadcast %squeeze3A_335 : f32 to vector<16xf32>
      %mul3A_352 = arith.mulf %mul3A_351, %get3A_350 : vector<16xf32>
      %add3A_353 = arith.addf %add3A_331, %mul3A_352 : vector<16xf32>
      %slice3A_354 = vector.extract_strided_slice %get3A_284 {offsets = [3], sizes = [1], strides = [1]} : vector<16xi32> to vector<1xi32>
      %squeeze3A_355 = vector.extract %slice3A_354[0] : i32 from vector<1xi32>
      %slice3A_356 = vector.extract_strided_slice %get3A_289 {offsets = [3], sizes = [1], strides = [1]} : vector<16xf32> to vector<1xf32>
      %squeeze3A_357 = vector.extract %slice3A_356[0] : f32 from vector<1xf32>
      %mul3A_358 = arith.constant 32 : i32
      %mul3A_359 = arith.muli %squeeze3A_355, %mul3A_358 : i32
      %get3A_360 = arith.index_cast %mul3A_359 : i32 to index
      %get3A_361 = tpu.vector_load %arg6[%get3A_360] {strides = array<i32>} : memref<32768xf32, #tpu.memory_space<vmem>>, vector<16xf32>,
      %get3A_362 = vector.shape_cast %get3A_361 : vector<16xf32> to vector<16xf32>
      %mul3A_363 = vector.broadcast %squeeze3A_357 : f32 to vector<16xf32>
      %mul3A_364 = arith.mulf %mul3A_363, %get3A_362 : vector<16xf32>
      %add3A_365 = arith.addf %add3A_343, %mul3A_364 : vector<16xf32>
      %mul3A_366 = arith.constant 32 : i32
      %mul3A_367 = arith.muli %squeeze3A_355, %mul3A_366 : i32
      %add3A_368 = arith.constant 16 : i32
      %add3A_369 = arith.addi %mul3A_367, %add3A_368 : i32
      %get3A_370 = arith.index_cast %add3A_369 : i32 to index
      %get3A_371 = tpu.vector_load %arg6[%get3A_370] {strides = array<i32>} : memref<32768xf32, #tpu.memory_space<vmem>>, vector<16xf32>,
      %get3A_372 = vector.shape_cast %get3A_371 : vector<16xf32> to vector<16xf32>
      %mul3A_373 = vector.broadcast %squeeze3A_357 : f32 to vector<16xf32>
      %mul3A_374 = arith.mulf %mul3A_373, %get3A_372 : vector<16xf32>
      %add3A_375 = arith.addf %add3A_353, %mul3A_374 : vector<16xf32>
      %slice3A_376 = vector.extract_strided_slice %get3A_284 {offsets = [4], sizes = [1], strides = [1]} : vector<16xi32> to vector<1xi32>
      %squeeze3A_377 = vector.extract %slice3A_376[0] : i32 from vector<1xi32>
      %slice3A_378 = vector.extract_strided_slice %get3A_289 {offsets = [4], sizes = [1], strides = [1]} : vector<16xf32> to vector<1xf32>
      %squeeze3A_379 = vector.extract %slice3A_378[0] : f32 from vector<1xf32>
      %mul3A_380 = arith.constant 32 : i32
      %mul3A_381 = arith.muli %squeeze3A_377, %mul3A_380 : i32
      %get3A_382 = arith.index_cast %mul3A_381 : i32 to index
      %get3A_383 = tpu.vector_load %arg6[%get3A_382] {strides = array<i32>} : memref<32768xf32, #tpu.memory_space<vmem>>, vector<16xf32>,
      %get3A_384 = vector.shape_cast %get3A_383 : vector<16xf32> to vector<16xf32>
      %mul3A_385 = vector.broadcast %squeeze3A_379 : f32 to vector<16xf32>
      %mul3A_386 = arith.mulf %mul3A_385, %get3A_384 : vector<16xf32>
      %add3A_387 = arith.addf %add3A_365, %mul3A_386 : vector<16xf32>
      %mul3A_388 = arith.constant 32 : i32
      %mul3A_389 = arith.muli %squeeze3A_377, %mul3A_388 : i32
      %add3A_390 = arith.constant 16 : i32
      %add3A_391 = arith.addi %mul3A_389, %add3A_390 : i32
      %get3A_392 = arith.index_cast %add3A_391 : i32 to index
      %get3A_393 = tpu.vector_load %arg6[%get3A_392] {strides = array<i32>} : memref<32768xf32, #tpu.memory_space<vmem>>, vector<16xf32>,
      %get3A_394 = vector.shape_cast %get3A_393 : vector<16xf32> to vector<16xf32>
      %mul3A_395 = vector.broadcast %squeeze3A_379 : f32 to vector<16xf32>
      %mul3A_396 = arith.mulf %mul3A_395, %get3A_394 : vector<16xf32>
      %add3A_397 = arith.addf %add3A_375, %mul3A_396 : vector<16xf32>
      %slice3A_398 = vector.extract_strided_slice %get3A_284 {offsets = [5], sizes = [1], strides = [1]} : vector<16xi32> to vector<1xi32>
      %squeeze3A_399 = vector.extract %slice3A_398[0] : i32 from vector<1xi32>
      %slice3A_400 = vector.extract_strided_slice %get3A_289 {offsets = [5], sizes = [1], strides = [1]} : vector<16xf32> to vector<1xf32>
      %squeeze3A_401 = vector.extract %slice3A_400[0] : f32 from vector<1xf32>
      %mul3A_402 = arith.constant 32 : i32
      %mul3A_403 = arith.muli %squeeze3A_399, %mul3A_402 : i32
      %get3A_404 = arith.index_cast %mul3A_403 : i32 to index
      %get3A_405 = tpu.vector_load %arg6[%get3A_404] {strides = array<i32>} : memref<32768xf32, #tpu.memory_space<vmem>>, vector<16xf32>,
      %get3A_406 = vector.shape_cast %get3A_405 : vector<16xf32> to vector<16xf32>
      %mul3A_407 = vector.broadcast %squeeze3A_401 : f32 to vector<16xf32>
      %mul3A_408 = arith.mulf %mul3A_407, %get3A_406 : vector<16xf32>
      %add3A_409 = arith.addf %add3A_387, %mul3A_408 : vector<16xf32>
      %mul3A_410 = arith.constant 32 : i32
      %mul3A_411 = arith.muli %squeeze3A_399, %mul3A_410 : i32
      %add3A_412 = arith.constant 16 : i32
      %add3A_413 = arith.addi %mul3A_411, %add3A_412 : i32
      %get3A_414 = arith.index_cast %add3A_413 : i32 to index
      %get3A_415 = tpu.vector_load %arg6[%get3A_414] {strides = array<i32>} : memref<32768xf32, #tpu.memory_space<vmem>>, vector<16xf32>,
      %get3A_416 = vector.shape_cast %get3A_415 : vector<16xf32> to vector<16xf32>
      %mul3A_417 = vector.broadcast %squeeze3A_401 : f32 to vector<16xf32>
      %mul3A_418 = arith.mulf %mul3A_417, %get3A_416 : vector<16xf32>
      %add3A_419 = arith.addf %add3A_397, %mul3A_418 : vector<16xf32>
      %slice3A_420 = vector.extract_strided_slice %get3A_284 {offsets = [6], sizes = [1], strides = [1]} : vector<16xi32> to vector<1xi32>
      %squeeze3A_421 = vector.extract %slice3A_420[0] : i32 from vector<1xi32>
      %slice3A_422 = vector.extract_strided_slice %get3A_289 {offsets = [6], sizes = [1], strides = [1]} : vector<16xf32> to vector<1xf32>
      %squeeze3A_423 = vector.extract %slice3A_422[0] : f32 from vector<1xf32>
      %mul3A_424 = arith.constant 32 : i32
      %mul3A_425 = arith.muli %squeeze3A_421, %mul3A_424 : i32
      %get3A_426 = arith.index_cast %mul3A_425 : i32 to index
      %get3A_427 = tpu.vector_load %arg6[%get3A_426] {strides = array<i32>} : memref<32768xf32, #tpu.memory_space<vmem>>, vector<16xf32>,
      %get3A_428 = vector.shape_cast %get3A_427 : vector<16xf32> to vector<16xf32>
      %mul3A_429 = vector.broadcast %squeeze3A_423 : f32 to vector<16xf32>
      %mul3A_430 = arith.mulf %mul3A_429, %get3A_428 : vector<16xf32>
      %add3A_431 = arith.addf %add3A_409, %mul3A_430 : vector<16xf32>
      %mul3A_432 = arith.constant 32 : i32
      %mul3A_433 = arith.muli %squeeze3A_421, %mul3A_432 : i32
      %add3A_434 = arith.constant 16 : i32
      %add3A_435 = arith.addi %mul3A_433, %add3A_434 : i32
      %get3A_436 = arith.index_cast %add3A_435 : i32 to index
      %get3A_437 = tpu.vector_load %arg6[%get3A_436] {strides = array<i32>} : memref<32768xf32, #tpu.memory_space<vmem>>, vector<16xf32>,
      %get3A_438 = vector.shape_cast %get3A_437 : vector<16xf32> to vector<16xf32>
      %mul3A_439 = vector.broadcast %squeeze3A_423 : f32 to vector<16xf32>
      %mul3A_440 = arith.mulf %mul3A_439, %get3A_438 : vector<16xf32>
      %add3A_441 = arith.addf %add3A_419, %mul3A_440 : vector<16xf32>
      %slice3A_442 = vector.extract_strided_slice %get3A_284 {offsets = [7], sizes = [1], strides = [1]} : vector<16xi32> to vector<1xi32>
      %squeeze3A_443 = vector.extract %slice3A_442[0] : i32 from vector<1xi32>
      %slice3A_444 = vector.extract_strided_slice %get3A_289 {offsets = [7], sizes = [1], strides = [1]} : vector<16xf32> to vector<1xf32>
      %squeeze3A_445 = vector.extract %slice3A_444[0] : f32 from vector<1xf32>
      %mul3A_446 = arith.constant 32 : i32
      %mul3A_447 = arith.muli %squeeze3A_443, %mul3A_446 : i32
      %get3A_448 = arith.index_cast %mul3A_447 : i32 to index
      %get3A_449 = tpu.vector_load %arg6[%get3A_448] {strides = array<i32>} : memref<32768xf32, #tpu.memory_space<vmem>>, vector<16xf32>,
      %get3A_450 = vector.shape_cast %get3A_449 : vector<16xf32> to vector<16xf32>
      %mul3A_451 = vector.broadcast %squeeze3A_445 : f32 to vector<16xf32>
      %mul3A_452 = arith.mulf %mul3A_451, %get3A_450 : vector<16xf32>
      %add3A_453 = arith.addf %add3A_431, %mul3A_452 : vector<16xf32>
      %mul3A_454 = arith.constant 32 : i32
      %mul3A_455 = arith.muli %squeeze3A_443, %mul3A_454 : i32
      %add3A_456 = arith.constant 16 : i32
      %add3A_457 = arith.addi %mul3A_455, %add3A_456 : i32
      %get3A_458 = arith.index_cast %add3A_457 : i32 to index
      %get3A_459 = tpu.vector_load %arg6[%get3A_458] {strides = array<i32>} : memref<32768xf32, #tpu.memory_space<vmem>>, vector<16xf32>,
      %get3A_460 = vector.shape_cast %get3A_459 : vector<16xf32> to vector<16xf32>
      %mul3A_461 = vector.broadcast %squeeze3A_445 : f32 to vector<16xf32>
      %mul3A_462 = arith.mulf %mul3A_461, %get3A_460 : vector<16xf32>
      %add3A_463 = arith.addf %add3A_441, %mul3A_462 : vector<16xf32>
      %slice3A_464 = vector.extract_strided_slice %get3A_284 {offsets = [8], sizes = [1], strides = [1]} : vector<16xi32> to vector<1xi32>
      %squeeze3A_465 = vector.extract %slice3A_464[0] : i32 from vector<1xi32>
      %slice3A_466 = vector.extract_strided_slice %get3A_289 {offsets = [8], sizes = [1], strides = [1]} : vector<16xf32> to vector<1xf32>
      %squeeze3A_467 = vector.extract %slice3A_466[0] : f32 from vector<1xf32>
      %mul3A_468 = arith.constant 32 : i32
      %mul3A_469 = arith.muli %squeeze3A_465, %mul3A_468 : i32
      %get3A_470 = arith.index_cast %mul3A_469 : i32 to index
      %get3A_471 = tpu.vector_load %arg6[%get3A_470] {strides = array<i32>} : memref<32768xf32, #tpu.memory_space<vmem>>, vector<16xf32>,
      %get3A_472 = vector.shape_cast %get3A_471 : vector<16xf32> to vector<16xf32>
      %mul3A_473 = vector.broadcast %squeeze3A_467 : f32 to vector<16xf32>
      %mul3A_474 = arith.mulf %mul3A_473, %get3A_472 : vector<16xf32>
      %add3A_475 = arith.addf %add3A_453, %mul3A_474 : vector<16xf32>
      %mul3A_476 = arith.constant 32 : i32
      %mul3A_477 = arith.muli %squeeze3A_465, %mul3A_476 : i32
      %add3A_478 = arith.constant 16 : i32
      %add3A_479 = arith.addi %mul3A_477, %add3A_478 : i32
      %get3A_480 = arith.index_cast %add3A_479 : i32 to index
      %get3A_481 = tpu.vector_load %arg6[%get3A_480] {strides = array<i32>} : memref<32768xf32, #tpu.memory_space<vmem>>, vector<16xf32>,
      %get3A_482 = vector.shape_cast %get3A_481 : vector<16xf32> to vector<16xf32>
      %mul3A_483 = vector.broadcast %squeeze3A_467 : f32 to vector<16xf32>
      %mul3A_484 = arith.mulf %mul3A_483, %get3A_482 : vector<16xf32>
      %add3A_485 = arith.addf %add3A_463, %mul3A_484 : vector<16xf32>
      %slice3A_486 = vector.extract_strided_slice %get3A_284 {offsets = [9], sizes = [1], strides = [1]} : vector<16xi32> to vector<1xi32>
      %squeeze3A_487 = vector.extract %slice3A_486[0] : i32 from vector<1xi32>
      %slice3A_488 = vector.extract_strided_slice %get3A_289 {offsets = [9], sizes = [1], strides = [1]} : vector<16xf32> to vector<1xf32>
      %squeeze3A_489 = vector.extract %slice3A_488[0] : f32 from vector<1xf32>
      %mul3A_490 = arith.constant 32 : i32
      %mul3A_491 = arith.muli %squeeze3A_487, %mul3A_490 : i32
      %get3A_492 = arith.index_cast %mul3A_491 : i32 to index
      %get3A_493 = tpu.vector_load %arg6[%get3A_492] {strides = array<i32>} : memref<32768xf32, #tpu.memory_space<vmem>>, vector<16xf32>,
      %get3A_494 = vector.shape_cast %get3A_493 : vector<16xf32> to vector<16xf32>
      %mul3A_495 = vector.broadcast %squeeze3A_489 : f32 to vector<16xf32>
      %mul3A_496 = arith.mulf %mul3A_495, %get3A_494 : vector<16xf32>
      %add3A_497 = arith.addf %add3A_475, %mul3A_496 : vector<16xf32>
      %mul3A_498 = arith.constant 32 : i32
      %mul3A_499 = arith.muli %squeeze3A_487, %mul3A_498 : i32
      %add3A_500 = arith.constant 16 : i32
      %add3A_501 = arith.addi %mul3A_499, %add3A_500 : i32
      %get3A_502 = arith.index_cast %add3A_501 : i32 to index
      %get3A_503 = tpu.vector_load %arg6[%get3A_502] {strides = array<i32>} : memref<32768xf32, #tpu.memory_space<vmem>>, vector<16xf32>,
      %get3A_504 = vector.shape_cast %get3A_503 : vector<16xf32> to vector<16xf32>
      %mul3A_505 = vector.broadcast %squeeze3A_489 : f32 to vector<16xf32>
      %mul3A_506 = arith.mulf %mul3A_505, %get3A_504 : vector<16xf32>
      %add3A_507 = arith.addf %add3A_485, %mul3A_506 : vector<16xf32>
      %slice3A_508 = vector.extract_strided_slice %get3A_284 {offsets = [10], sizes = [1], strides = [1]} : vector<16xi32> to vector<1xi32>
      %squeeze3A_509 = vector.extract %slice3A_508[0] : i32 from vector<1xi32>
      %slice3A_510 = vector.extract_strided_slice %get3A_289 {offsets = [10], sizes = [1], strides = [1]} : vector<16xf32> to vector<1xf32>
      %squeeze3A_511 = vector.extract %slice3A_510[0] : f32 from vector<1xf32>
      %mul3A_512 = arith.constant 32 : i32
      %mul3A_513 = arith.muli %squeeze3A_509, %mul3A_512 : i32
      %get3A_514 = arith.index_cast %mul3A_513 : i32 to index
      %get3A_515 = tpu.vector_load %arg6[%get3A_514] {strides = array<i32>} : memref<32768xf32, #tpu.memory_space<vmem>>, vector<16xf32>,
      %get3A_516 = vector.shape_cast %get3A_515 : vector<16xf32> to vector<16xf32>
      %mul3A_517 = vector.broadcast %squeeze3A_511 : f32 to vector<16xf32>
      %mul3A_518 = arith.mulf %mul3A_517, %get3A_516 : vector<16xf32>
      %add3A_519 = arith.addf %add3A_497, %mul3A_518 : vector<16xf32>
      %mul3A_520 = arith.constant 32 : i32
      %mul3A_521 = arith.muli %squeeze3A_509, %mul3A_520 : i32
      %add3A_522 = arith.constant 16 : i32
      %add3A_523 = arith.addi %mul3A_521, %add3A_522 : i32
      %get3A_524 = arith.index_cast %add3A_523 : i32 to index
      %get3A_525 = tpu.vector_load %arg6[%get3A_524] {strides = array<i32>} : memref<32768xf32, #tpu.memory_space<vmem>>, vector<16xf32>,
      %get3A_526 = vector.shape_cast %get3A_525 : vector<16xf32> to vector<16xf32>
      %mul3A_527 = vector.broadcast %squeeze3A_511 : f32 to vector<16xf32>
      %mul3A_528 = arith.mulf %mul3A_527, %get3A_526 : vector<16xf32>
      %add3A_529 = arith.addf %add3A_507, %mul3A_528 : vector<16xf32>
      %slice3A_530 = vector.extract_strided_slice %get3A_284 {offsets = [11], sizes = [1], strides = [1]} : vector<16xi32> to vector<1xi32>
      %squeeze3A_531 = vector.extract %slice3A_530[0] : i32 from vector<1xi32>
      %slice3A_532 = vector.extract_strided_slice %get3A_289 {offsets = [11], sizes = [1], strides = [1]} : vector<16xf32> to vector<1xf32>
      %squeeze3A_533 = vector.extract %slice3A_532[0] : f32 from vector<1xf32>
      %mul3A_534 = arith.constant 32 : i32
      %mul3A_535 = arith.muli %squeeze3A_531, %mul3A_534 : i32
      %get3A_536 = arith.index_cast %mul3A_535 : i32 to index
      %get3A_537 = tpu.vector_load %arg6[%get3A_536] {strides = array<i32>} : memref<32768xf32, #tpu.memory_space<vmem>>, vector<16xf32>,
      %get3A_538 = vector.shape_cast %get3A_537 : vector<16xf32> to vector<16xf32>
      %mul3A_539 = vector.broadcast %squeeze3A_533 : f32 to vector<16xf32>
      %mul3A_540 = arith.mulf %mul3A_539, %get3A_538 : vector<16xf32>
      %add3A_541 = arith.addf %add3A_519, %mul3A_540 : vector<16xf32>
      %mul3A_542 = arith.constant 32 : i32
      %mul3A_543 = arith.muli %squeeze3A_531, %mul3A_542 : i32
      %add3A_544 = arith.constant 16 : i32
      %add3A_545 = arith.addi %mul3A_543, %add3A_544 : i32
      %get3A_546 = arith.index_cast %add3A_545 : i32 to index
      %get3A_547 = tpu.vector_load %arg6[%get3A_546] {strides = array<i32>} : memref<32768xf32, #tpu.memory_space<vmem>>, vector<16xf32>,
      %get3A_548 = vector.shape_cast %get3A_547 : vector<16xf32> to vector<16xf32>
      %mul3A_549 = vector.broadcast %squeeze3A_533 : f32 to vector<16xf32>
      %mul3A_550 = arith.mulf %mul3A_549, %get3A_548 : vector<16xf32>
      %add3A_551 = arith.addf %add3A_529, %mul3A_550 : vector<16xf32>
      %slice3A_552 = vector.extract_strided_slice %get3A_284 {offsets = [12], sizes = [1], strides = [1]} : vector<16xi32> to vector<1xi32>
      %squeeze3A_553 = vector.extract %slice3A_552[0] : i32 from vector<1xi32>
      %slice3A_554 = vector.extract_strided_slice %get3A_289 {offsets = [12], sizes = [1], strides = [1]} : vector<16xf32> to vector<1xf32>
      %squeeze3A_555 = vector.extract %slice3A_554[0] : f32 from vector<1xf32>
      %mul3A_556 = arith.constant 32 : i32
      %mul3A_557 = arith.muli %squeeze3A_553, %mul3A_556 : i32
      %get3A_558 = arith.index_cast %mul3A_557 : i32 to index
      %get3A_559 = tpu.vector_load %arg6[%get3A_558] {strides = array<i32>} : memref<32768xf32, #tpu.memory_space<vmem>>, vector<16xf32>,
      %get3A_560 = vector.shape_cast %get3A_559 : vector<16xf32> to vector<16xf32>
      %mul3A_561 = vector.broadcast %squeeze3A_555 : f32 to vector<16xf32>
      %mul3A_562 = arith.mulf %mul3A_561, %get3A_560 : vector<16xf32>
      %add3A_563 = arith.addf %add3A_541, %mul3A_562 : vector<16xf32>
      %mul3A_564 = arith.constant 32 : i32
      %mul3A_565 = arith.muli %squeeze3A_553, %mul3A_564 : i32
      %add3A_566 = arith.constant 16 : i32
      %add3A_567 = arith.addi %mul3A_565, %add3A_566 : i32
      %get3A_568 = arith.index_cast %add3A_567 : i32 to index
      %get3A_569 = tpu.vector_load %arg6[%get3A_568] {strides = array<i32>} : memref<32768xf32, #tpu.memory_space<vmem>>, vector<16xf32>,
      %get3A_570 = vector.shape_cast %get3A_569 : vector<16xf32> to vector<16xf32>
      %mul3A_571 = vector.broadcast %squeeze3A_555 : f32 to vector<16xf32>
      %mul3A_572 = arith.mulf %mul3A_571, %get3A_570 : vector<16xf32>
      %add3A_573 = arith.addf %add3A_551, %mul3A_572 : vector<16xf32>
      %slice3A_574 = vector.extract_strided_slice %get3A_284 {offsets = [13], sizes = [1], strides = [1]} : vector<16xi32> to vector<1xi32>
      %squeeze3A_575 = vector.extract %slice3A_574[0] : i32 from vector<1xi32>
      %slice3A_576 = vector.extract_strided_slice %get3A_289 {offsets = [13], sizes = [1], strides = [1]} : vector<16xf32> to vector<1xf32>
      %squeeze3A_577 = vector.extract %slice3A_576[0] : f32 from vector<1xf32>
      %mul3A_578 = arith.constant 32 : i32
      %mul3A_579 = arith.muli %squeeze3A_575, %mul3A_578 : i32
      %get3A_580 = arith.index_cast %mul3A_579 : i32 to index
      %get3A_581 = tpu.vector_load %arg6[%get3A_580] {strides = array<i32>} : memref<32768xf32, #tpu.memory_space<vmem>>, vector<16xf32>,
      %get3A_582 = vector.shape_cast %get3A_581 : vector<16xf32> to vector<16xf32>
      %mul3A_583 = vector.broadcast %squeeze3A_577 : f32 to vector<16xf32>
      %mul3A_584 = arith.mulf %mul3A_583, %get3A_582 : vector<16xf32>
      %add3A_585 = arith.addf %add3A_563, %mul3A_584 : vector<16xf32>
      %mul3A_586 = arith.constant 32 : i32
      %mul3A_587 = arith.muli %squeeze3A_575, %mul3A_586 : i32
      %add3A_588 = arith.constant 16 : i32
      %add3A_589 = arith.addi %mul3A_587, %add3A_588 : i32
      %get3A_590 = arith.index_cast %add3A_589 : i32 to index
      %get3A_591 = tpu.vector_load %arg6[%get3A_590] {strides = array<i32>} : memref<32768xf32, #tpu.memory_space<vmem>>, vector<16xf32>,
      %get3A_592 = vector.shape_cast %get3A_591 : vector<16xf32> to vector<16xf32>
      %mul3A_593 = vector.broadcast %squeeze3A_577 : f32 to vector<16xf32>
      %mul3A_594 = arith.mulf %mul3A_593, %get3A_592 : vector<16xf32>
      %add3A_595 = arith.addf %add3A_573, %mul3A_594 : vector<16xf32>
      %slice3A_596 = vector.extract_strided_slice %get3A_284 {offsets = [14], sizes = [1], strides = [1]} : vector<16xi32> to vector<1xi32>
      %squeeze3A_597 = vector.extract %slice3A_596[0] : i32 from vector<1xi32>
      %slice3A_598 = vector.extract_strided_slice %get3A_289 {offsets = [14], sizes = [1], strides = [1]} : vector<16xf32> to vector<1xf32>
      %squeeze3A_599 = vector.extract %slice3A_598[0] : f32 from vector<1xf32>
      %mul3A_600 = arith.constant 32 : i32
      %mul3A_601 = arith.muli %squeeze3A_597, %mul3A_600 : i32
      %get3A_602 = arith.index_cast %mul3A_601 : i32 to index
      %get3A_603 = tpu.vector_load %arg6[%get3A_602] {strides = array<i32>} : memref<32768xf32, #tpu.memory_space<vmem>>, vector<16xf32>,
      %get3A_604 = vector.shape_cast %get3A_603 : vector<16xf32> to vector<16xf32>
      %mul3A_605 = vector.broadcast %squeeze3A_599 : f32 to vector<16xf32>
      %mul3A_606 = arith.mulf %mul3A_605, %get3A_604 : vector<16xf32>
      %add3A_607 = arith.addf %add3A_585, %mul3A_606 : vector<16xf32>
      %mul3A_608 = arith.constant 32 : i32
      %mul3A_609 = arith.muli %squeeze3A_597, %mul3A_608 : i32
      %add3A_610 = arith.constant 16 : i32
      %add3A_611 = arith.addi %mul3A_609, %add3A_610 : i32
      %get3A_612 = arith.index_cast %add3A_611 : i32 to index
      %get3A_613 = tpu.vector_load %arg6[%get3A_612] {strides = array<i32>} : memref<32768xf32, #tpu.memory_space<vmem>>, vector<16xf32>,
      %get3A_614 = vector.shape_cast %get3A_613 : vector<16xf32> to vector<16xf32>
      %mul3A_615 = vector.broadcast %squeeze3A_599 : f32 to vector<16xf32>
      %mul3A_616 = arith.mulf %mul3A_615, %get3A_614 : vector<16xf32>
      %add3A_617 = arith.addf %add3A_595, %mul3A_616 : vector<16xf32>
      %slice3A_618 = vector.extract_strided_slice %get3A_284 {offsets = [15], sizes = [1], strides = [1]} : vector<16xi32> to vector<1xi32>
      %squeeze3A_619 = vector.extract %slice3A_618[0] : i32 from vector<1xi32>
      %slice3A_620 = vector.extract_strided_slice %get3A_289 {offsets = [15], sizes = [1], strides = [1]} : vector<16xf32> to vector<1xf32>
      %squeeze3A_621 = vector.extract %slice3A_620[0] : f32 from vector<1xf32>
      %mul3A_622 = arith.constant 32 : i32
      %mul3A_623 = arith.muli %squeeze3A_619, %mul3A_622 : i32
      %get3A_624 = arith.index_cast %mul3A_623 : i32 to index
      %get3A_625 = tpu.vector_load %arg6[%get3A_624] {strides = array<i32>} : memref<32768xf32, #tpu.memory_space<vmem>>, vector<16xf32>,
      %get3A_626 = vector.shape_cast %get3A_625 : vector<16xf32> to vector<16xf32>
      %mul3A_627 = vector.broadcast %squeeze3A_621 : f32 to vector<16xf32>
      %mul3A_628 = arith.mulf %mul3A_627, %get3A_626 : vector<16xf32>
      %add3A_629 = arith.addf %add3A_607, %mul3A_628 : vector<16xf32>
      %mul3A_630 = arith.constant 32 : i32
      %mul3A_631 = arith.muli %squeeze3A_619, %mul3A_630 : i32
      %add3A_632 = arith.constant 16 : i32
      %add3A_633 = arith.addi %mul3A_631, %add3A_632 : i32
      %get3A_634 = arith.index_cast %add3A_633 : i32 to index
      %get3A_635 = tpu.vector_load %arg6[%get3A_634] {strides = array<i32>} : memref<32768xf32, #tpu.memory_space<vmem>>, vector<16xf32>,
      %get3A_636 = vector.shape_cast %get3A_635 : vector<16xf32> to vector<16xf32>
      %mul3A_637 = vector.broadcast %squeeze3A_621 : f32 to vector<16xf32>
      %mul3A_638 = arith.mulf %mul3A_637, %get3A_636 : vector<16xf32>
      %add3A_639 = arith.addf %add3A_617, %mul3A_638 : vector<16xf32>
      %mul3A_640 = arith.constant 32 : i32
      %mul3A_641 = arith.muli %scan3A_277, %mul3A_640 : i32
      %swap3A = arith.index_cast %mul3A_641 : i32 to index
      %swap3A_642 = tpu.vector_load %arg9[%swap3A] {strides = array<i32>} : memref<40960xf32, #tpu.memory_space<vmem>>, vector<16xf32>,
      %swap3A_643 = vector.shape_cast %swap3A_642 : vector<16xf32> to vector<16xf32>
      %swap3A_644 = vector.shape_cast %add3A_629 : vector<16xf32> to vector<16xf32>
      tpu.vector_store %arg9[%swap3A], %swap3A_644 {strides = array<i32>} : memref<40960xf32, #tpu.memory_space<vmem>>, vector<16xf32>,
      %mul3A_645 = arith.constant 32 : i32
      %mul3A_646 = arith.muli %scan3A_277, %mul3A_645 : i32
      %add3A_647 = arith.constant 16 : i32
      %add3A_648 = arith.addi %mul3A_646, %add3A_647 : i32
      %swap3A_649 = arith.index_cast %add3A_648 : i32 to index
      %swap3A_650 = tpu.vector_load %arg9[%swap3A_649] {strides = array<i32>} : memref<40960xf32, #tpu.memory_space<vmem>>, vector<16xf32>,
      %swap3A_651 = vector.shape_cast %swap3A_650 : vector<16xf32> to vector<16xf32>
      %swap3A_652 = vector.shape_cast %add3A_639 : vector<16xf32> to vector<16xf32>
      tpu.vector_store %arg9[%swap3A_649], %swap3A_652 {strides = array<i32>} : memref<40960xf32, #tpu.memory_space<vmem>>, vector<16xf32>,
    }
    %scan3A_276 = arith.constant 1280 : i32
    "tpu.region"() ({
      %run_scoped3A = tpu.sem_alloc : memref<!tpu.dma_semaphore, #tpu.memory_space<semaphore_mem>>
      %dma_start3A = tpu.memref_slice %arg5[%select_n3A_248, %select_n3A_264, %multiple_of3A_270] : memref<6x8x81920xf32, #tpu.memory_space<hbm>> -> memref<1x1x40960xf32, #tpu.memory_space<hbm>>
      %dma_start3A_277 = tpu.memref_squeeze %dma_start3A : memref<1x1x40960xf32, #tpu.memory_space<hbm>> -> memref<40960xf32, #tpu.memory_space<hbm>>
      %dma_start3A_278 = tpu.memref_slice %arg5[%select_n3A_248, %select_n3A_264, %multiple_of3A_270] : memref<6x8x81920xf32, #tpu.memory_space<hbm>> -> memref<1x1x40960xf32, #tpu.memory_space<hbm>>
      %dma_start3A_279 = tpu.memref_squeeze %dma_start3A_278 : memref<1x1x40960xf32, #tpu.memory_space<hbm>> -> memref<40960xf32, #tpu.memory_space<hbm>>
      tpu.enqueue_dma source(%arg9 : memref<40960xf32, #tpu.memory_space<vmem>>) target(%dma_start3A_279 : memref<40960xf32, #tpu.memory_space<hbm>>) target_semaphore(%run_scoped3A : memref<!tpu.dma_semaphore, #tpu.memory_space<semaphore_mem>>)
      %dma_wait3A = tpu.memref_slice %arg5[%select_n3A_248, %select_n3A_264, %multiple_of3A_270] : memref<6x8x81920xf32, #tpu.memory_space<hbm>> -> memref<1x1x40960xf32, #tpu.memory_space<hbm>>
      %dma_wait3A_280 = tpu.memref_squeeze %dma_wait3A : memref<1x1x40960xf32, #tpu.memory_space<hbm>> -> memref<40960xf32, #tpu.memory_space<hbm>>
      %dma_wait3A_281 = tpu.memref_slice %arg5[%select_n3A_248, %select_n3A_264, %multiple_of3A_270] : memref<6x8x81920xf32, #tpu.memory_space<hbm>> -> memref<1x1x40960xf32, #tpu.memory_space<hbm>>
      %dma_wait3A_282 = tpu.memref_squeeze %dma_wait3A_281 : memref<1x1x40960xf32, #tpu.memory_space<hbm>> -> memref<40960xf32, #tpu.memory_space<hbm>>
      tpu.wait_dma2 semaphore(%run_scoped3A : memref<!tpu.dma_semaphore, #tpu.memory_space<semaphore_mem>>) src(%arg9 : memref<40960xf32, #tpu.memory_space<vmem>>) dst(%dma_wait3A_282 : memref<40960xf32, #tpu.memory_space<hbm>>)
      tpu.yield
    }) : () -> ()
    return
  }
}

module attributes {stable_mosaic.version = 14 : i64} {
  func.func @_idxw_body(%arg0: i32, %arg1: memref<2500x256xf32, #tpu.memory_space<vmem>>, %arg2: memref<32x256xf32, #tpu.memory_space<vmem>>, %arg3: memref<32x256xf32, #tpu.memory_space<vmem>>, %arg4: memref<1x32xf32, #tpu.memory_space<vmem>>, %arg5: memref<1x32xf32, #tpu.memory_space<vmem>>, %arg6: memref<32x256xf32, #tpu.memory_space<vmem>>, %arg7: memref<1x32xf32, #tpu.memory_space<vmem>>, %arg8: memref<1x2500x32xf32, #tpu.memory_space<vmem>>, %arg9: memref<1x2500x32xf32, #tpu.memory_space<vmem>>, %arg10: memref<1x2500x128xi32, #tpu.memory_space<vmem>>, %arg11: memref<1x2500x128xf32, #tpu.memory_space<vmem>>) attributes {dimension_semantics = [#tpu.dimension_semantics<arbitrary>], iteration_bounds = array<i64: 6>, scalar_prefetch = 0 : i64, scratch_operands = 0 : i64, tpu.core_type = #tpu.core_type<tc>, window_params = [{pipeline_mode = #tpu.pipeline_mode<synchronous>, transform_indices = @transform_0, window_bounds = array<i64: 2500, 256>}, {pipeline_mode = #tpu.pipeline_mode<synchronous>, transform_indices = @transform_1, window_bounds = array<i64: 32, 256>}, {pipeline_mode = #tpu.pipeline_mode<synchronous>, transform_indices = @transform_2, window_bounds = array<i64: 32, 256>}, {pipeline_mode = #tpu.pipeline_mode<synchronous>, transform_indices = @transform_3, window_bounds = array<i64: 1, 32>}, {pipeline_mode = #tpu.pipeline_mode<synchronous>, transform_indices = @transform_4, window_bounds = array<i64: 1, 32>}, {pipeline_mode = #tpu.pipeline_mode<synchronous>, transform_indices = @transform_5, window_bounds = array<i64: 32, 256>}, {pipeline_mode = #tpu.pipeline_mode<synchronous>, transform_indices = @transform_6, window_bounds = array<i64: 1, 32>}, {transform_indices = @transform_7, window_bounds = array<i64: 1, 2500, 32>}, {transform_indices = @transform_8, window_bounds = array<i64: 1, 2500, 32>}, {transform_indices = @transform_9, window_bounds = array<i64: 1, 2500, 128>}, {transform_indices = @transform_10, window_bounds = array<i64: 1, 2500, 128>}]} {
    %get3A = arith.constant 0 : index
    %get3A_0 = arith.constant 0 : index
    %get3A_1 = vector.load %arg1[%get3A, %get3A_0] : memref<2500x256xf32, #tpu.memory_space<vmem>>, vector<2500x256xf32>
    %get3A_2 = arith.constant 0 : index
    %get3A_3 = arith.constant 0 : index
    %get3A_4 = vector.load %arg2[%get3A_2, %get3A_3] : memref<32x256xf32, #tpu.memory_space<vmem>>, vector<32x256xf32>
    %dot_general3A = arith.constant dense<0.000000e+00> : vector<2500x32xf32>
    %dot_general3A_5 = tpu.matmul %get3A_1, %get3A_4, %dot_general3A {dimension_numbers = #tpu.dot_dimension_numbers<[1], [1], [0], [0], [0, 0, 1, 0], [], []>, precision = #tpu.contract_precision<fp32>, transpose_lhs_hint = false} : vector<2500x256xf32>, vector<32x256xf32>, vector<2500x32xf32> -> vector<2500x32xf32>
    %get3A_6 = arith.constant 0 : index
    %get3A_7 = arith.constant 0 : index
    %get3A_8 = vector.load %arg4[%get3A_6, %get3A_7] : memref<1x32xf32, #tpu.memory_space<vmem>>, vector<1x32xf32>
    %add3A = vector.broadcast %get3A_8 : vector<1x32xf32> to vector<2500x32xf32>
    %add3A_9 = arith.addf %dot_general3A_5, %add3A : vector<2500x32xf32>
    %get3A_10 = arith.constant 0 : index
    %get3A_11 = arith.constant 0 : index
    %get3A_12 = vector.load %arg3[%get3A_10, %get3A_11] : memref<32x256xf32, #tpu.memory_space<vmem>>, vector<32x256xf32>
    %dot_general3A_13 = arith.constant dense<0.000000e+00> : vector<2500x32xf32>
    %dot_general3A_14 = tpu.matmul %get3A_1, %get3A_12, %dot_general3A_13 {dimension_numbers = #tpu.dot_dimension_numbers<[1], [1], [0], [0], [0, 0, 1, 0], [], []>, precision = #tpu.contract_precision<fp32>, transpose_lhs_hint = false} : vector<2500x256xf32>, vector<32x256xf32>, vector<2500x32xf32> -> vector<2500x32xf32>
    %get3A_15 = arith.constant 0 : index
    %get3A_16 = arith.constant 0 : index
    %get3A_17 = vector.load %arg5[%get3A_15, %get3A_16] : memref<1x32xf32, #tpu.memory_space<vmem>>, vector<1x32xf32>
    %add3A_18 = vector.broadcast %get3A_17 : vector<1x32xf32> to vector<2500x32xf32>
    %add3A_19 = arith.addf %dot_general3A_14, %add3A_18 : vector<2500x32xf32>
    %get3A_20 = arith.constant 0 : index
    %get3A_21 = arith.constant 0 : index
    %get3A_22 = vector.load %arg6[%get3A_20, %get3A_21] : memref<32x256xf32, #tpu.memory_space<vmem>>, vector<32x256xf32>
    %dot_general3A_23 = arith.constant dense<0.000000e+00> : vector<2500x32xf32>
    %dot_general3A_24 = tpu.matmul %get3A_1, %get3A_22, %dot_general3A_23 {dimension_numbers = #tpu.dot_dimension_numbers<[1], [1], [0], [0], [0, 0, 1, 0], [], []>, precision = #tpu.contract_precision<fp32>, transpose_lhs_hint = false} : vector<2500x256xf32>, vector<32x256xf32>, vector<2500x32xf32> -> vector<2500x32xf32>
    %get3A_25 = arith.constant 0 : index
    %get3A_26 = arith.constant 0 : index
    %get3A_27 = vector.load %arg7[%get3A_25, %get3A_26] : memref<1x32xf32, #tpu.memory_space<vmem>>, vector<1x32xf32>
    %add3A_28 = vector.broadcast %get3A_27 : vector<1x32xf32> to vector<2500x32xf32>
    %add3A_29 = arith.addf %dot_general3A_24, %add3A_28 : vector<2500x32xf32>
    %reduce_max3A = arith.constant dense<0xFF800000> : vector<2500xf32>
    %reduce_max3A_30 = vector.multi_reduction <maximumf>, %add3A_29, %reduce_max3A [1] : vector<2500x32xf32> to vector<2500xf32>
    %broadcast_in_dim3A = vector.shape_cast %reduce_max3A_30 : vector<2500xf32> to vector<2500x1xf32>
    %sub3A = vector.broadcast %broadcast_in_dim3A : vector<2500x1xf32> to vector<2500x32xf32>
    %sub3A_31 = arith.subf %add3A_29, %sub3A : vector<2500x32xf32>
    %exp3A = math.exp %sub3A_31 : vector<2500x32xf32>
    %iota3A = tpu.iota {dimensions = array<i32: 0>} : vector<32x32xi32>
    %jit3A = arith.constant 4 : i32
    %div3A = vector.broadcast %jit3A : i32 to vector<32x32xi32>
    %div3A_32 = arith.divsi %iota3A, %div3A : vector<32x32xi32>
    %sign3A = arith.constant 0 : i32
    %sign3A_33 = vector.broadcast %sign3A : i32 to vector<32x32xi32>
    %sign3A_34 = arith.cmpi sgt, %iota3A, %sign3A_33 : vector<32x32xi32>
    %sign3A_35 = arith.extui %sign3A_34 : vector<32x32xi1> to vector<32x32xi32>
    %sign3A_36 = arith.constant 0 : i32
    %sign3A_37 = vector.broadcast %sign3A_36 : i32 to vector<32x32xi32>
    %sign3A_38 = arith.cmpi slt, %iota3A, %sign3A_37 : vector<32x32xi32>
    %sign3A_39 = arith.extui %sign3A_38 : vector<32x32xi1> to vector<32x32xi32>
    %sign3A_40 = arith.subi %sign3A_35, %sign3A_39 : vector<32x32xi32>
    %sign3A_41 = arith.constant 0 : i32
    %sign3A_42 = arith.cmpi sgt, %jit3A, %sign3A_41 : i32
    %sign3A_43 = arith.extui %sign3A_42 : i1 to i32
    %sign3A_44 = arith.constant 0 : i32
    %sign3A_45 = arith.cmpi slt, %jit3A, %sign3A_44 : i32
    %sign3A_46 = arith.extui %sign3A_45 : i1 to i32
    %sign3A_47 = arith.subi %sign3A_43, %sign3A_46 : i32
    %ne3A = vector.broadcast %sign3A_47 : i32 to vector<32x32xi32>
    %ne3A_48 = arith.cmpi ne, %sign3A_40, %ne3A : vector<32x32xi32>
    %rem3A = vector.broadcast %jit3A : i32 to vector<32x32xi32>
    %rem3A_49 = arith.remsi %iota3A, %rem3A : vector<32x32xi32>
    %ne3A_50 = arith.constant 0 : i32
    %ne3A_51 = vector.broadcast %ne3A_50 : i32 to vector<32x32xi32>
    %ne3A_52 = arith.cmpi ne, %rem3A_49, %ne3A_51 : vector<32x32xi32>
    %and3A = arith.andi %ne3A_48, %ne3A_52 : vector<32x32xi1>
    %sub3A_53 = arith.constant 1 : i32
    %sub3A_54 = vector.broadcast %sub3A_53 : i32 to vector<32x32xi32>
    %sub3A_55 = arith.subi %div3A_32, %sub3A_54 : vector<32x32xi32>
    %select_n3A = arith.select %and3A, %sub3A_55, %div3A_32 : vector<32x32xi1>, vector<32x32xi32>
    %iota3A_56 = tpu.iota {dimensions = array<i32: 1>} : vector<32x32xi32>
    %jit3A_57 = arith.constant 4 : i32
    %div3A_58 = vector.broadcast %jit3A_57 : i32 to vector<32x32xi32>
    %div3A_59 = arith.divsi %iota3A_56, %div3A_58 : vector<32x32xi32>
    %sign3A_60 = arith.constant 0 : i32
    %sign3A_61 = vector.broadcast %sign3A_60 : i32 to vector<32x32xi32>
    %sign3A_62 = arith.cmpi sgt, %iota3A_56, %sign3A_61 : vector<32x32xi32>
    %sign3A_63 = arith.extui %sign3A_62 : vector<32x32xi1> to vector<32x32xi32>
    %sign3A_64 = arith.constant 0 : i32
    %sign3A_65 = vector.broadcast %sign3A_64 : i32 to vector<32x32xi32>
    %sign3A_66 = arith.cmpi slt, %iota3A_56, %sign3A_65 : vector<32x32xi32>
    %sign3A_67 = arith.extui %sign3A_66 : vector<32x32xi1> to vector<32x32xi32>
    %sign3A_68 = arith.subi %sign3A_63, %sign3A_67 : vector<32x32xi32>
    %sign3A_69 = arith.constant 0 : i32
    %sign3A_70 = arith.cmpi sgt, %jit3A_57, %sign3A_69 : i32
    %sign3A_71 = arith.extui %sign3A_70 : i1 to i32
    %sign3A_72 = arith.constant 0 : i32
    %sign3A_73 = arith.cmpi slt, %jit3A_57, %sign3A_72 : i32
    %sign3A_74 = arith.extui %sign3A_73 : i1 to i32
    %sign3A_75 = arith.subi %sign3A_71, %sign3A_74 : i32
    %ne3A_76 = vector.broadcast %sign3A_75 : i32 to vector<32x32xi32>
    %ne3A_77 = arith.cmpi ne, %sign3A_68, %ne3A_76 : vector<32x32xi32>
    %rem3A_78 = vector.broadcast %jit3A_57 : i32 to vector<32x32xi32>
    %rem3A_79 = arith.remsi %iota3A_56, %rem3A_78 : vector<32x32xi32>
    %ne3A_80 = arith.constant 0 : i32
    %ne3A_81 = vector.broadcast %ne3A_80 : i32 to vector<32x32xi32>
    %ne3A_82 = arith.cmpi ne, %rem3A_79, %ne3A_81 : vector<32x32xi32>
    %and3A_83 = arith.andi %ne3A_77, %ne3A_82 : vector<32x32xi1>
    %sub3A_84 = arith.constant 1 : i32
    %sub3A_85 = vector.broadcast %sub3A_84 : i32 to vector<32x32xi32>
    %sub3A_86 = arith.subi %div3A_59, %sub3A_85 : vector<32x32xi32>
    %select_n3A_87 = arith.select %and3A_83, %sub3A_86, %div3A_59 : vector<32x32xi1>, vector<32x32xi32>
    %eq3A = arith.cmpi eq, %select_n3A, %select_n3A_87 : vector<32x32xi32>
    %convert_element_type3A = arith.extui %eq3A : vector<32x32xi1> to vector<32x32xi32>
    %convert_element_type3A_88 = arith.sitofp %convert_element_type3A : vector<32x32xi32> to vector<32x32xf32>
    %dot_general3A_89 = arith.constant dense<0.000000e+00> : vector<2500x32xf32>
    %dot_general3A_90 = tpu.matmul %exp3A, %convert_element_type3A_88, %dot_general3A_89 {dimension_numbers = #tpu.dot_dimension_numbers<[1], [0], [0], [1], [0, 0, 1, 1], [], []>, precision = #tpu.contract_precision<fp32>, transpose_lhs_hint = false} : vector<2500x32xf32>, vector<32x32xf32>, vector<2500x32xf32> -> vector<2500x32xf32>
    %div3A_91 = arith.divf %exp3A, %dot_general3A_90 : vector<2500x32xf32>
    %get3A_92 = arith.constant 0 : index
    %get3A_93 = arith.constant 0 : index
    %get3A_94 = arith.constant 0 : index
    %get3A_95 = vector.load %arg8[%get3A_92, %get3A_93, %get3A_94] : memref<1x2500x32xf32, #tpu.memory_space<vmem>>, vector<1x2500x32xf32>
    %get3A_96 = vector.shape_cast %get3A_95 : vector<1x2500x32xf32> to vector<2500x32xf32>
    %get3A_97 = arith.constant 0 : index
    %get3A_98 = arith.constant 0 : index
    %get3A_99 = arith.constant 0 : index
    %get3A_100 = vector.load %arg9[%get3A_97, %get3A_98, %get3A_99] : memref<1x2500x32xf32, #tpu.memory_space<vmem>>, vector<1x2500x32xf32>
    %get3A_101 = vector.shape_cast %get3A_100 : vector<1x2500x32xf32> to vector<2500x32xf32>
    %mul3A = arith.constant 3.125000e-02 : f32
    %mul3A_102 = vector.broadcast %mul3A : f32 to vector<2500x32xf32>
    %mul3A_103 = arith.mulf %add3A_9, %mul3A_102 : vector<2500x32xf32>
    %add3A_104 = arith.addf %get3A_96, %mul3A_103 : vector<2500x32xf32>
    %mul3A_105 = arith.constant 3.200000e+01 : f32
    %mul3A_106 = vector.broadcast %mul3A_105 : f32 to vector<2500x32xf32>
    %mul3A_107 = arith.mulf %add3A_104, %mul3A_106 : vector<2500x32xf32>
    %sub3A_108 = arith.constant 5.000000e-01 : f32
    %sub3A_109 = vector.broadcast %sub3A_108 : f32 to vector<2500x32xf32>
    %sub3A_110 = arith.subf %mul3A_107, %sub3A_109 : vector<2500x32xf32>
    %mul3A_111 = arith.constant 3.125000e-02 : f32
    %mul3A_112 = vector.broadcast %mul3A_111 : f32 to vector<2500x32xf32>
    %mul3A_113 = arith.mulf %add3A_19, %mul3A_112 : vector<2500x32xf32>
    %add3A_114 = arith.addf %get3A_101, %mul3A_113 : vector<2500x32xf32>
    %mul3A_115 = arith.constant 3.200000e+01 : f32
    %mul3A_116 = vector.broadcast %mul3A_115 : f32 to vector<2500x32xf32>
    %mul3A_117 = arith.mulf %add3A_114, %mul3A_116 : vector<2500x32xf32>
    %sub3A_118 = arith.constant 5.000000e-01 : f32
    %sub3A_119 = vector.broadcast %sub3A_118 : f32 to vector<2500x32xf32>
    %sub3A_120 = arith.subf %mul3A_117, %sub3A_119 : vector<2500x32xf32>
    %floor3A = math.floor %sub3A_110 : vector<2500x32xf32>
    %floor3A_121 = math.floor %sub3A_120 : vector<2500x32xf32>
    %sub3A_122 = arith.subf %sub3A_110, %floor3A : vector<2500x32xf32>
    %sub3A_123 = arith.subf %sub3A_120, %floor3A_121 : vector<2500x32xf32>
    %add3A_124 = arith.constant 0.000000e+00 : f32
    %add3A_125 = vector.broadcast %add3A_124 : f32 to vector<2500x32xf32>
    %add3A_126 = arith.addf %floor3A, %add3A_125 : vector<2500x32xf32>
    %add3A_127 = arith.constant 0.000000e+00 : f32
    %add3A_128 = vector.broadcast %add3A_127 : f32 to vector<2500x32xf32>
    %add3A_129 = arith.addf %floor3A_121, %add3A_128 : vector<2500x32xf32>
    %ge3A = arith.constant 0.000000e+00 : f32
    %ge3A_130 = vector.broadcast %ge3A : f32 to vector<2500x32xf32>
    %ge3A_131 = arith.cmpf oge, %add3A_126, %ge3A_130 : vector<2500x32xf32>
    %le3A = arith.constant 3.100000e+01 : f32
    %le3A_132 = vector.broadcast %le3A : f32 to vector<2500x32xf32>
    %le3A_133 = arith.cmpf ole, %add3A_126, %le3A_132 : vector<2500x32xf32>
    %and3A_134 = arith.andi %ge3A_131, %le3A_133 : vector<2500x32xi1>
    %ge3A_135 = arith.constant 0.000000e+00 : f32
    %ge3A_136 = vector.broadcast %ge3A_135 : f32 to vector<2500x32xf32>
    %ge3A_137 = arith.cmpf oge, %add3A_129, %ge3A_136 : vector<2500x32xf32>
    %and3A_138 = arith.andi %and3A_134, %ge3A_137 : vector<2500x32xi1>
    %le3A_139 = arith.constant 3.100000e+01 : f32
    %le3A_140 = vector.broadcast %le3A_139 : f32 to vector<2500x32xf32>
    %le3A_141 = arith.cmpf ole, %add3A_129, %le3A_140 : vector<2500x32xf32>
    %and3A_142 = arith.andi %and3A_138, %le3A_141 : vector<2500x32xi1>
    %jit3A_143 = arith.constant 0.000000e+00 : f32
    %jit3A_144 = arith.constant 3.100000e+01 : f32
    %max3A = vector.broadcast %jit3A_143 : f32 to vector<2500x32xf32>
    %max3A_145 = arith.maximumf %max3A, %add3A_126 : vector<2500x32xf32>
    %min3A = vector.broadcast %jit3A_144 : f32 to vector<2500x32xf32>
    %min3A_146 = arith.minimumf %min3A, %max3A_145 : vector<2500x32xf32>
    %convert_element_type3A_147 = arith.fptosi %min3A_146 : vector<2500x32xf32> to vector<2500x32xi32>
    %jit3A_148 = arith.constant 0.000000e+00 : f32
    %jit3A_149 = arith.constant 3.100000e+01 : f32
    %max3A_150 = vector.broadcast %jit3A_148 : f32 to vector<2500x32xf32>
    %max3A_151 = arith.maximumf %max3A_150, %add3A_129 : vector<2500x32xf32>
    %min3A_152 = vector.broadcast %jit3A_149 : f32 to vector<2500x32xf32>
    %min3A_153 = arith.minimumf %min3A_152, %max3A_151 : vector<2500x32xf32>
    %convert_element_type3A_154 = arith.fptosi %min3A_153 : vector<2500x32xf32> to vector<2500x32xi32>
    %mul3A_155 = arith.constant 32 : i32
    %mul3A_156 = vector.broadcast %mul3A_155 : i32 to vector<2500x32xi32>
    %mul3A_157 = arith.muli %convert_element_type3A_154, %mul3A_156 : vector<2500x32xi32>
    %add3A_158 = arith.addi %mul3A_157, %convert_element_type3A_147 : vector<2500x32xi32>
    %sub3A_159 = arith.constant 1.000000e+00 : f32
    %sub3A_160 = vector.broadcast %sub3A_159 : f32 to vector<2500x32xf32>
    %sub3A_161 = arith.subf %sub3A_160, %sub3A_122 : vector<2500x32xf32>
    %sub3A_162 = arith.constant 1.000000e+00 : f32
    %sub3A_163 = vector.broadcast %sub3A_162 : f32 to vector<2500x32xf32>
    %sub3A_164 = arith.subf %sub3A_163, %sub3A_123 : vector<2500x32xf32>
    %mul3A_165 = arith.mulf %div3A_91, %sub3A_161 : vector<2500x32xf32>
    %mul3A_166 = arith.mulf %mul3A_165, %sub3A_164 : vector<2500x32xf32>
    %convert_element_type3A_167 = arith.extui %and3A_142 : vector<2500x32xi1> to vector<2500x32xi32>
    %convert_element_type3A_168 = arith.sitofp %convert_element_type3A_167 : vector<2500x32xi32> to vector<2500x32xf32>
    %mul3A_169 = arith.mulf %mul3A_166, %convert_element_type3A_168 : vector<2500x32xf32>
    %add3A_170 = arith.constant 1.000000e+00 : f32
    %add3A_171 = vector.broadcast %add3A_170 : f32 to vector<2500x32xf32>
    %add3A_172 = arith.addf %floor3A, %add3A_171 : vector<2500x32xf32>
    %add3A_173 = arith.constant 0.000000e+00 : f32
    %add3A_174 = vector.broadcast %add3A_173 : f32 to vector<2500x32xf32>
    %add3A_175 = arith.addf %floor3A_121, %add3A_174 : vector<2500x32xf32>
    %ge3A_176 = arith.constant 0.000000e+00 : f32
    %ge3A_177 = vector.broadcast %ge3A_176 : f32 to vector<2500x32xf32>
    %ge3A_178 = arith.cmpf oge, %add3A_172, %ge3A_177 : vector<2500x32xf32>
    %le3A_179 = arith.constant 3.100000e+01 : f32
    %le3A_180 = vector.broadcast %le3A_179 : f32 to vector<2500x32xf32>
    %le3A_181 = arith.cmpf ole, %add3A_172, %le3A_180 : vector<2500x32xf32>
    %and3A_182 = arith.andi %ge3A_178, %le3A_181 : vector<2500x32xi1>
    %ge3A_183 = arith.constant 0.000000e+00 : f32
    %ge3A_184 = vector.broadcast %ge3A_183 : f32 to vector<2500x32xf32>
    %ge3A_185 = arith.cmpf oge, %add3A_175, %ge3A_184 : vector<2500x32xf32>
    %and3A_186 = arith.andi %and3A_182, %ge3A_185 : vector<2500x32xi1>
    %le3A_187 = arith.constant 3.100000e+01 : f32
    %le3A_188 = vector.broadcast %le3A_187 : f32 to vector<2500x32xf32>
    %le3A_189 = arith.cmpf ole, %add3A_175, %le3A_188 : vector<2500x32xf32>
    %and3A_190 = arith.andi %and3A_186, %le3A_189 : vector<2500x32xi1>
    %jit3A_191 = arith.constant 0.000000e+00 : f32
    %jit3A_192 = arith.constant 3.100000e+01 : f32
    %max3A_193 = vector.broadcast %jit3A_191 : f32 to vector<2500x32xf32>
    %max3A_194 = arith.maximumf %max3A_193, %add3A_172 : vector<2500x32xf32>
    %min3A_195 = vector.broadcast %jit3A_192 : f32 to vector<2500x32xf32>
    %min3A_196 = arith.minimumf %min3A_195, %max3A_194 : vector<2500x32xf32>
    %convert_element_type3A_197 = arith.fptosi %min3A_196 : vector<2500x32xf32> to vector<2500x32xi32>
    %jit3A_198 = arith.constant 0.000000e+00 : f32
    %jit3A_199 = arith.constant 3.100000e+01 : f32
    %max3A_200 = vector.broadcast %jit3A_198 : f32 to vector<2500x32xf32>
    %max3A_201 = arith.maximumf %max3A_200, %add3A_175 : vector<2500x32xf32>
    %min3A_202 = vector.broadcast %jit3A_199 : f32 to vector<2500x32xf32>
    %min3A_203 = arith.minimumf %min3A_202, %max3A_201 : vector<2500x32xf32>
    %convert_element_type3A_204 = arith.fptosi %min3A_203 : vector<2500x32xf32> to vector<2500x32xi32>
    %mul3A_205 = arith.constant 32 : i32
    %mul3A_206 = vector.broadcast %mul3A_205 : i32 to vector<2500x32xi32>
    %mul3A_207 = arith.muli %convert_element_type3A_204, %mul3A_206 : vector<2500x32xi32>
    %add3A_208 = arith.addi %mul3A_207, %convert_element_type3A_197 : vector<2500x32xi32>
    %sub3A_209 = arith.constant 1.000000e+00 : f32
    %sub3A_210 = vector.broadcast %sub3A_209 : f32 to vector<2500x32xf32>
    %sub3A_211 = arith.subf %sub3A_210, %sub3A_123 : vector<2500x32xf32>
    %mul3A_212 = arith.mulf %div3A_91, %sub3A_122 : vector<2500x32xf32>
    %mul3A_213 = arith.mulf %mul3A_212, %sub3A_211 : vector<2500x32xf32>
    %convert_element_type3A_214 = arith.extui %and3A_190 : vector<2500x32xi1> to vector<2500x32xi32>
    %convert_element_type3A_215 = arith.sitofp %convert_element_type3A_214 : vector<2500x32xi32> to vector<2500x32xf32>
    %mul3A_216 = arith.mulf %mul3A_213, %convert_element_type3A_215 : vector<2500x32xf32>
    %add3A_217 = arith.constant 0.000000e+00 : f32
    %add3A_218 = vector.broadcast %add3A_217 : f32 to vector<2500x32xf32>
    %add3A_219 = arith.addf %floor3A, %add3A_218 : vector<2500x32xf32>
    %add3A_220 = arith.constant 1.000000e+00 : f32
    %add3A_221 = vector.broadcast %add3A_220 : f32 to vector<2500x32xf32>
    %add3A_222 = arith.addf %floor3A_121, %add3A_221 : vector<2500x32xf32>
    %ge3A_223 = arith.constant 0.000000e+00 : f32
    %ge3A_224 = vector.broadcast %ge3A_223 : f32 to vector<2500x32xf32>
    %ge3A_225 = arith.cmpf oge, %add3A_219, %ge3A_224 : vector<2500x32xf32>
    %le3A_226 = arith.constant 3.100000e+01 : f32
    %le3A_227 = vector.broadcast %le3A_226 : f32 to vector<2500x32xf32>
    %le3A_228 = arith.cmpf ole, %add3A_219, %le3A_227 : vector<2500x32xf32>
    %and3A_229 = arith.andi %ge3A_225, %le3A_228 : vector<2500x32xi1>
    %ge3A_230 = arith.constant 0.000000e+00 : f32
    %ge3A_231 = vector.broadcast %ge3A_230 : f32 to vector<2500x32xf32>
    %ge3A_232 = arith.cmpf oge, %add3A_222, %ge3A_231 : vector<2500x32xf32>
    %and3A_233 = arith.andi %and3A_229, %ge3A_232 : vector<2500x32xi1>
    %le3A_234 = arith.constant 3.100000e+01 : f32
    %le3A_235 = vector.broadcast %le3A_234 : f32 to vector<2500x32xf32>
    %le3A_236 = arith.cmpf ole, %add3A_222, %le3A_235 : vector<2500x32xf32>
    %and3A_237 = arith.andi %and3A_233, %le3A_236 : vector<2500x32xi1>
    %jit3A_238 = arith.constant 0.000000e+00 : f32
    %jit3A_239 = arith.constant 3.100000e+01 : f32
    %max3A_240 = vector.broadcast %jit3A_238 : f32 to vector<2500x32xf32>
    %max3A_241 = arith.maximumf %max3A_240, %add3A_219 : vector<2500x32xf32>
    %min3A_242 = vector.broadcast %jit3A_239 : f32 to vector<2500x32xf32>
    %min3A_243 = arith.minimumf %min3A_242, %max3A_241 : vector<2500x32xf32>
    %convert_element_type3A_244 = arith.fptosi %min3A_243 : vector<2500x32xf32> to vector<2500x32xi32>
    %jit3A_245 = arith.constant 0.000000e+00 : f32
    %jit3A_246 = arith.constant 3.100000e+01 : f32
    %max3A_247 = vector.broadcast %jit3A_245 : f32 to vector<2500x32xf32>
    %max3A_248 = arith.maximumf %max3A_247, %add3A_222 : vector<2500x32xf32>
    %min3A_249 = vector.broadcast %jit3A_246 : f32 to vector<2500x32xf32>
    %min3A_250 = arith.minimumf %min3A_249, %max3A_248 : vector<2500x32xf32>
    %convert_element_type3A_251 = arith.fptosi %min3A_250 : vector<2500x32xf32> to vector<2500x32xi32>
    %mul3A_252 = arith.constant 32 : i32
    %mul3A_253 = vector.broadcast %mul3A_252 : i32 to vector<2500x32xi32>
    %mul3A_254 = arith.muli %convert_element_type3A_251, %mul3A_253 : vector<2500x32xi32>
    %add3A_255 = arith.addi %mul3A_254, %convert_element_type3A_244 : vector<2500x32xi32>
    %sub3A_256 = arith.constant 1.000000e+00 : f32
    %sub3A_257 = vector.broadcast %sub3A_256 : f32 to vector<2500x32xf32>
    %sub3A_258 = arith.subf %sub3A_257, %sub3A_122 : vector<2500x32xf32>
    %mul3A_259 = arith.mulf %div3A_91, %sub3A_258 : vector<2500x32xf32>
    %mul3A_260 = arith.mulf %mul3A_259, %sub3A_123 : vector<2500x32xf32>
    %convert_element_type3A_261 = arith.extui %and3A_237 : vector<2500x32xi1> to vector<2500x32xi32>
    %convert_element_type3A_262 = arith.sitofp %convert_element_type3A_261 : vector<2500x32xi32> to vector<2500x32xf32>
    %mul3A_263 = arith.mulf %mul3A_260, %convert_element_type3A_262 : vector<2500x32xf32>
    %add3A_264 = arith.constant 1.000000e+00 : f32
    %add3A_265 = vector.broadcast %add3A_264 : f32 to vector<2500x32xf32>
    %add3A_266 = arith.addf %floor3A, %add3A_265 : vector<2500x32xf32>
    %add3A_267 = arith.constant 1.000000e+00 : f32
    %add3A_268 = vector.broadcast %add3A_267 : f32 to vector<2500x32xf32>
    %add3A_269 = arith.addf %floor3A_121, %add3A_268 : vector<2500x32xf32>
    %ge3A_270 = arith.constant 0.000000e+00 : f32
    %ge3A_271 = vector.broadcast %ge3A_270 : f32 to vector<2500x32xf32>
    %ge3A_272 = arith.cmpf oge, %add3A_266, %ge3A_271 : vector<2500x32xf32>
    %le3A_273 = arith.constant 3.100000e+01 : f32
    %le3A_274 = vector.broadcast %le3A_273 : f32 to vector<2500x32xf32>
    %le3A_275 = arith.cmpf ole, %add3A_266, %le3A_274 : vector<2500x32xf32>
    %and3A_276 = arith.andi %ge3A_272, %le3A_275 : vector<2500x32xi1>
    %ge3A_277 = arith.constant 0.000000e+00 : f32
    %ge3A_278 = vector.broadcast %ge3A_277 : f32 to vector<2500x32xf32>
    %ge3A_279 = arith.cmpf oge, %add3A_269, %ge3A_278 : vector<2500x32xf32>
    %and3A_280 = arith.andi %and3A_276, %ge3A_279 : vector<2500x32xi1>
    %le3A_281 = arith.constant 3.100000e+01 : f32
    %le3A_282 = vector.broadcast %le3A_281 : f32 to vector<2500x32xf32>
    %le3A_283 = arith.cmpf ole, %add3A_269, %le3A_282 : vector<2500x32xf32>
    %and3A_284 = arith.andi %and3A_280, %le3A_283 : vector<2500x32xi1>
    %jit3A_285 = arith.constant 0.000000e+00 : f32
    %jit3A_286 = arith.constant 3.100000e+01 : f32
    %max3A_287 = vector.broadcast %jit3A_285 : f32 to vector<2500x32xf32>
    %max3A_288 = arith.maximumf %max3A_287, %add3A_266 : vector<2500x32xf32>
    %min3A_289 = vector.broadcast %jit3A_286 : f32 to vector<2500x32xf32>
    %min3A_290 = arith.minimumf %min3A_289, %max3A_288 : vector<2500x32xf32>
    %convert_element_type3A_291 = arith.fptosi %min3A_290 : vector<2500x32xf32> to vector<2500x32xi32>
    %jit3A_292 = arith.constant 0.000000e+00 : f32
    %jit3A_293 = arith.constant 3.100000e+01 : f32
    %max3A_294 = vector.broadcast %jit3A_292 : f32 to vector<2500x32xf32>
    %max3A_295 = arith.maximumf %max3A_294, %add3A_269 : vector<2500x32xf32>
    %min3A_296 = vector.broadcast %jit3A_293 : f32 to vector<2500x32xf32>
    %min3A_297 = arith.minimumf %min3A_296, %max3A_295 : vector<2500x32xf32>
    %convert_element_type3A_298 = arith.fptosi %min3A_297 : vector<2500x32xf32> to vector<2500x32xi32>
    %mul3A_299 = arith.constant 32 : i32
    %mul3A_300 = vector.broadcast %mul3A_299 : i32 to vector<2500x32xi32>
    %mul3A_301 = arith.muli %convert_element_type3A_298, %mul3A_300 : vector<2500x32xi32>
    %add3A_302 = arith.addi %mul3A_301, %convert_element_type3A_291 : vector<2500x32xi32>
    %mul3A_303 = arith.mulf %div3A_91, %sub3A_122 : vector<2500x32xf32>
    %mul3A_304 = arith.mulf %mul3A_303, %sub3A_123 : vector<2500x32xf32>
    %convert_element_type3A_305 = arith.extui %and3A_284 : vector<2500x32xi1> to vector<2500x32xi32>
    %convert_element_type3A_306 = arith.sitofp %convert_element_type3A_305 : vector<2500x32xi32> to vector<2500x32xf32>
    %mul3A_307 = arith.mulf %mul3A_304, %convert_element_type3A_306 : vector<2500x32xf32>
    %concatenate3A = tpu.concatenate %add3A_158, %add3A_208, %add3A_255, %add3A_302 in 1 : vector<2500x32xi32>, vector<2500x32xi32>, vector<2500x32xi32>, vector<2500x32xi32> -> vector<2500x128xi32>
    %swap3A = arith.constant 0 : index
    %swap3A_308 = arith.constant 0 : index
    %swap3A_309 = arith.constant 0 : index
    %swap3A_310 = vector.load %arg10[%swap3A, %swap3A_308, %swap3A_309] : memref<1x2500x128xi32, #tpu.memory_space<vmem>>, vector<1x2500x128xi32>
    %swap3A_311 = vector.shape_cast %swap3A_310 : vector<1x2500x128xi32> to vector<2500x128xi32>
    %swap3A_312 = vector.shape_cast %concatenate3A : vector<2500x128xi32> to vector<1x2500x128xi32>
    tpu.vector_store %arg10[%swap3A, %swap3A_308, %swap3A_309], %swap3A_312 {strides = array<i32>} : memref<1x2500x128xi32, #tpu.memory_space<vmem>>, vector<1x2500x128xi32>,
    %concatenate3A_313 = tpu.concatenate %mul3A_169, %mul3A_216, %mul3A_263, %mul3A_307 in 1 : vector<2500x32xf32>, vector<2500x32xf32>, vector<2500x32xf32>, vector<2500x32xf32> -> vector<2500x128xf32>
    %swap3A_314 = arith.constant 0 : index
    %swap3A_315 = arith.constant 0 : index
    %swap3A_316 = arith.constant 0 : index
    %swap3A_317 = vector.load %arg11[%swap3A_314, %swap3A_315, %swap3A_316] : memref<1x2500x128xf32, #tpu.memory_space<vmem>>, vector<1x2500x128xf32>
    %swap3A_318 = vector.shape_cast %swap3A_317 : vector<1x2500x128xf32> to vector<2500x128xf32>
    %swap3A_319 = vector.shape_cast %concatenate3A_313 : vector<2500x128xf32> to vector<1x2500x128xf32>
    tpu.vector_store %arg11[%swap3A_314, %swap3A_315, %swap3A_316], %swap3A_319 {strides = array<i32>} : memref<1x2500x128xf32, #tpu.memory_space<vmem>>, vector<1x2500x128xf32>,
    return
  }
  func.func @transform_0(%arg0: i32) -> (i32, i32) {
    %c0_i32 = arith.constant 0 : i32
    %c0_i32_0 = arith.constant 0 : i32
    %c0_i32_1 = arith.constant 0 : i32
    return %c0_i32, %c0_i32_0 : i32, i32
  }
  func.func @transform_1(%arg0: i32) -> (i32, i32) {
    %c0_i32 = arith.constant 0 : i32
    %c0_i32_0 = arith.constant 0 : i32
    %c0_i32_1 = arith.constant 0 : i32
    return %c0_i32, %c0_i32_0 : i32, i32
  }
  func.func @transform_2(%arg0: i32) -> (i32, i32) {
    %c0_i32 = arith.constant 0 : i32
    %c0_i32_0 = arith.constant 0 : i32
    %c0_i32_1 = arith.constant 0 : i32
    return %c0_i32, %c0_i32_0 : i32, i32
  }
  func.func @transform_3(%arg0: i32) -> (i32, i32) {
    %c0_i32 = arith.constant 0 : i32
    %c0_i32_0 = arith.constant 0 : i32
    %c0_i32_1 = arith.constant 0 : i32
    return %c0_i32, %c0_i32_0 : i32, i32
  }
  func.func @transform_4(%arg0: i32) -> (i32, i32) {
    %c0_i32 = arith.constant 0 : i32
    %c0_i32_0 = arith.constant 0 : i32
    %c0_i32_1 = arith.constant 0 : i32
    return %c0_i32, %c0_i32_0 : i32, i32
  }
  func.func @transform_5(%arg0: i32) -> (i32, i32) {
    %c0_i32 = arith.constant 0 : i32
    %c0_i32_0 = arith.constant 0 : i32
    %c0_i32_1 = arith.constant 0 : i32
    return %c0_i32, %c0_i32_0 : i32, i32
  }
  func.func @transform_6(%arg0: i32) -> (i32, i32) {
    %c0_i32 = arith.constant 0 : i32
    %c0_i32_0 = arith.constant 0 : i32
    %c0_i32_1 = arith.constant 0 : i32
    return %c0_i32, %c0_i32_0 : i32, i32
  }
  func.func @transform_7(%arg0: i32) -> (i32, i32, i32) {
    %c0_i32 = arith.constant 0 : i32
    %c0_i32_0 = arith.constant 0 : i32
    %c0_i32_1 = arith.constant 0 : i32
    return %arg0, %c0_i32, %c0_i32_0 : i32, i32, i32
  }
  func.func @transform_8(%arg0: i32) -> (i32, i32, i32) {
    %c0_i32 = arith.constant 0 : i32
    %c0_i32_0 = arith.constant 0 : i32
    %c0_i32_1 = arith.constant 0 : i32
    return %arg0, %c0_i32, %c0_i32_0 : i32, i32, i32
  }
  func.func @transform_9(%arg0: i32) -> (i32, i32, i32) {
    %c0_i32 = arith.constant 0 : i32
    %c0_i32_0 = arith.constant 0 : i32
    %c0_i32_1 = arith.constant 0 : i32
    return %arg0, %c0_i32, %c0_i32_0 : i32, i32, i32
  }
  func.func @transform_10(%arg0: i32) -> (i32, i32, i32) {
    %c0_i32 = arith.constant 0 : i32
    %c0_i32_0 = arith.constant 0 : i32
    %c0_i32_1 = arith.constant 0 : i32
    return %arg0, %c0_i32, %c0_i32_0 : i32, i32, i32
  }
}

module attributes {stable_mosaic.version = 14 : i64} {
  func.func @_val_body(%arg0: i32, %arg1: memref<1x1024x768xf32, #tpu.memory_space<vmem>>, %arg2: memref<256x768xf32, #tpu.memory_space<vmem>>, %arg3: memref<256x256xf32, #tpu.memory_space<vmem>>, %arg4: memref<1x256xf32, #tpu.memory_space<vmem>>, %arg5: memref<8x1024x32xf32, #tpu.memory_space<vmem>>) attributes {dimension_semantics = [#tpu.dimension_semantics<arbitrary>], iteration_bounds = array<i64: 6>, scalar_prefetch = 0 : i64, scratch_operands = 0 : i64, tpu.core_type = #tpu.core_type<tc>, window_params = [{transform_indices = @transform_0, window_bounds = array<i64: 1, 1024, 768>}, {pipeline_mode = #tpu.pipeline_mode<synchronous>, transform_indices = @transform_1, window_bounds = array<i64: 256, 768>}, {pipeline_mode = #tpu.pipeline_mode<synchronous>, transform_indices = @transform_2, window_bounds = array<i64: 256, 256>}, {pipeline_mode = #tpu.pipeline_mode<synchronous>, transform_indices = @transform_3, window_bounds = array<i64: 1, 256>}, {transform_indices = @transform_4, window_bounds = array<i64: 8, 1024, 32>}]} {
    %get3A = arith.constant 0 : index
    %get3A_0 = arith.constant 0 : index
    %get3A_1 = arith.constant 0 : index
    %get3A_2 = vector.load %arg1[%get3A, %get3A_0, %get3A_1] : memref<1x1024x768xf32, #tpu.memory_space<vmem>>, vector<1x1024x768xf32>
    %get3A_3 = vector.shape_cast %get3A_2 : vector<1x1024x768xf32> to vector<1024x768xf32>
    %get3A_4 = arith.constant 0 : index
    %get3A_5 = arith.constant 0 : index
    %get3A_6 = vector.load %arg2[%get3A_4, %get3A_5] : memref<256x768xf32, #tpu.memory_space<vmem>>, vector<256x768xf32>
    %dot_general3A = arith.constant dense<0.000000e+00> : vector<1024x256xf32>
    %dot_general3A_7 = tpu.matmul %get3A_3, %get3A_6, %dot_general3A {dimension_numbers = #tpu.dot_dimension_numbers<[1], [1], [0], [0], [0, 0, 1, 0], [], []>, precision = #tpu.contract_precision<fp32>, transpose_lhs_hint = false} : vector<1024x768xf32>, vector<256x768xf32>, vector<1024x256xf32> -> vector<1024x256xf32>
    %get3A_8 = arith.constant 0 : index
    %get3A_9 = arith.constant 0 : index
    %get3A_10 = vector.load %arg3[%get3A_8, %get3A_9] : memref<256x256xf32, #tpu.memory_space<vmem>>, vector<256x256xf32>
    %dot_general3A_11 = arith.constant dense<0.000000e+00> : vector<1024x256xf32>
    %dot_general3A_12 = tpu.matmul %dot_general3A_7, %get3A_10, %dot_general3A_11 {dimension_numbers = #tpu.dot_dimension_numbers<[1], [1], [0], [0], [0, 0, 1, 0], [], []>, precision = #tpu.contract_precision<fp32>, transpose_lhs_hint = false} : vector<1024x256xf32>, vector<256x256xf32>, vector<1024x256xf32> -> vector<1024x256xf32>
    %get3A_13 = arith.constant 0 : index
    %get3A_14 = arith.constant 0 : index
    %get3A_15 = vector.load %arg4[%get3A_13, %get3A_14] : memref<1x256xf32, #tpu.memory_space<vmem>>, vector<1x256xf32>
    %add3A = vector.broadcast %get3A_15 : vector<1x256xf32> to vector<1024x256xf32>
    %add3A_16 = arith.addf %dot_general3A_12, %add3A : vector<1024x256xf32>
    %slice3A = vector.extract_strided_slice %add3A_16 {offsets = [0, 0], sizes = [1024, 32], strides = [1, 1]} : vector<1024x256xf32> to vector<1024x32xf32>
    %swap3A = arith.constant 0 : index
    %swap3A_17 = arith.constant 0 : index
    %swap3A_18 = arith.constant 0 : index
    %swap3A_19 = vector.load %arg5[%swap3A, %swap3A_17, %swap3A_18] : memref<8x1024x32xf32, #tpu.memory_space<vmem>>, vector<1x1024x32xf32>
    %swap3A_20 = vector.shape_cast %swap3A_19 : vector<1x1024x32xf32> to vector<1024x32xf32>
    %swap3A_21 = vector.shape_cast %slice3A : vector<1024x32xf32> to vector<1x1024x32xf32>
    tpu.vector_store %arg5[%swap3A, %swap3A_17, %swap3A_18], %swap3A_21 {strides = array<i32>} : memref<8x1024x32xf32, #tpu.memory_space<vmem>>, vector<1x1024x32xf32>,
    %slice3A_22 = vector.extract_strided_slice %add3A_16 {offsets = [0, 32], sizes = [1024, 32], strides = [1, 1]} : vector<1024x256xf32> to vector<1024x32xf32>
    %swap3A_23 = arith.constant 1 : index
    %swap3A_24 = arith.constant 0 : index
    %swap3A_25 = arith.constant 0 : index
    %swap3A_26 = vector.load %arg5[%swap3A_23, %swap3A_24, %swap3A_25] : memref<8x1024x32xf32, #tpu.memory_space<vmem>>, vector<1x1024x32xf32>
    %swap3A_27 = vector.shape_cast %swap3A_26 : vector<1x1024x32xf32> to vector<1024x32xf32>
    %swap3A_28 = vector.shape_cast %slice3A_22 : vector<1024x32xf32> to vector<1x1024x32xf32>
    tpu.vector_store %arg5[%swap3A_23, %swap3A_24, %swap3A_25], %swap3A_28 {strides = array<i32>} : memref<8x1024x32xf32, #tpu.memory_space<vmem>>, vector<1x1024x32xf32>,
    %slice3A_29 = vector.extract_strided_slice %add3A_16 {offsets = [0, 64], sizes = [1024, 32], strides = [1, 1]} : vector<1024x256xf32> to vector<1024x32xf32>
    %swap3A_30 = arith.constant 2 : index
    %swap3A_31 = arith.constant 0 : index
    %swap3A_32 = arith.constant 0 : index
    %swap3A_33 = vector.load %arg5[%swap3A_30, %swap3A_31, %swap3A_32] : memref<8x1024x32xf32, #tpu.memory_space<vmem>>, vector<1x1024x32xf32>
    %swap3A_34 = vector.shape_cast %swap3A_33 : vector<1x1024x32xf32> to vector<1024x32xf32>
    %swap3A_35 = vector.shape_cast %slice3A_29 : vector<1024x32xf32> to vector<1x1024x32xf32>
    tpu.vector_store %arg5[%swap3A_30, %swap3A_31, %swap3A_32], %swap3A_35 {strides = array<i32>} : memref<8x1024x32xf32, #tpu.memory_space<vmem>>, vector<1x1024x32xf32>,
    %slice3A_36 = vector.extract_strided_slice %add3A_16 {offsets = [0, 96], sizes = [1024, 32], strides = [1, 1]} : vector<1024x256xf32> to vector<1024x32xf32>
    %swap3A_37 = arith.constant 3 : index
    %swap3A_38 = arith.constant 0 : index
    %swap3A_39 = arith.constant 0 : index
    %swap3A_40 = vector.load %arg5[%swap3A_37, %swap3A_38, %swap3A_39] : memref<8x1024x32xf32, #tpu.memory_space<vmem>>, vector<1x1024x32xf32>
    %swap3A_41 = vector.shape_cast %swap3A_40 : vector<1x1024x32xf32> to vector<1024x32xf32>
    %swap3A_42 = vector.shape_cast %slice3A_36 : vector<1024x32xf32> to vector<1x1024x32xf32>
    tpu.vector_store %arg5[%swap3A_37, %swap3A_38, %swap3A_39], %swap3A_42 {strides = array<i32>} : memref<8x1024x32xf32, #tpu.memory_space<vmem>>, vector<1x1024x32xf32>,
    %slice3A_43 = vector.extract_strided_slice %add3A_16 {offsets = [0, 128], sizes = [1024, 32], strides = [1, 1]} : vector<1024x256xf32> to vector<1024x32xf32>
    %swap3A_44 = arith.constant 4 : index
    %swap3A_45 = arith.constant 0 : index
    %swap3A_46 = arith.constant 0 : index
    %swap3A_47 = vector.load %arg5[%swap3A_44, %swap3A_45, %swap3A_46] : memref<8x1024x32xf32, #tpu.memory_space<vmem>>, vector<1x1024x32xf32>
    %swap3A_48 = vector.shape_cast %swap3A_47 : vector<1x1024x32xf32> to vector<1024x32xf32>
    %swap3A_49 = vector.shape_cast %slice3A_43 : vector<1024x32xf32> to vector<1x1024x32xf32>
    tpu.vector_store %arg5[%swap3A_44, %swap3A_45, %swap3A_46], %swap3A_49 {strides = array<i32>} : memref<8x1024x32xf32, #tpu.memory_space<vmem>>, vector<1x1024x32xf32>,
    %slice3A_50 = vector.extract_strided_slice %add3A_16 {offsets = [0, 160], sizes = [1024, 32], strides = [1, 1]} : vector<1024x256xf32> to vector<1024x32xf32>
    %swap3A_51 = arith.constant 5 : index
    %swap3A_52 = arith.constant 0 : index
    %swap3A_53 = arith.constant 0 : index
    %swap3A_54 = vector.load %arg5[%swap3A_51, %swap3A_52, %swap3A_53] : memref<8x1024x32xf32, #tpu.memory_space<vmem>>, vector<1x1024x32xf32>
    %swap3A_55 = vector.shape_cast %swap3A_54 : vector<1x1024x32xf32> to vector<1024x32xf32>
    %swap3A_56 = vector.shape_cast %slice3A_50 : vector<1024x32xf32> to vector<1x1024x32xf32>
    tpu.vector_store %arg5[%swap3A_51, %swap3A_52, %swap3A_53], %swap3A_56 {strides = array<i32>} : memref<8x1024x32xf32, #tpu.memory_space<vmem>>, vector<1x1024x32xf32>,
    %slice3A_57 = vector.extract_strided_slice %add3A_16 {offsets = [0, 192], sizes = [1024, 32], strides = [1, 1]} : vector<1024x256xf32> to vector<1024x32xf32>
    %swap3A_58 = arith.constant 6 : index
    %swap3A_59 = arith.constant 0 : index
    %swap3A_60 = arith.constant 0 : index
    %swap3A_61 = vector.load %arg5[%swap3A_58, %swap3A_59, %swap3A_60] : memref<8x1024x32xf32, #tpu.memory_space<vmem>>, vector<1x1024x32xf32>
    %swap3A_62 = vector.shape_cast %swap3A_61 : vector<1x1024x32xf32> to vector<1024x32xf32>
    %swap3A_63 = vector.shape_cast %slice3A_57 : vector<1024x32xf32> to vector<1x1024x32xf32>
    tpu.vector_store %arg5[%swap3A_58, %swap3A_59, %swap3A_60], %swap3A_63 {strides = array<i32>} : memref<8x1024x32xf32, #tpu.memory_space<vmem>>, vector<1x1024x32xf32>,
    %slice3A_64 = vector.extract_strided_slice %add3A_16 {offsets = [0, 224], sizes = [1024, 32], strides = [1, 1]} : vector<1024x256xf32> to vector<1024x32xf32>
    %swap3A_65 = arith.constant 7 : index
    %swap3A_66 = arith.constant 0 : index
    %swap3A_67 = arith.constant 0 : index
    %swap3A_68 = vector.load %arg5[%swap3A_65, %swap3A_66, %swap3A_67] : memref<8x1024x32xf32, #tpu.memory_space<vmem>>, vector<1x1024x32xf32>
    %swap3A_69 = vector.shape_cast %swap3A_68 : vector<1x1024x32xf32> to vector<1024x32xf32>
    %swap3A_70 = vector.shape_cast %slice3A_64 : vector<1024x32xf32> to vector<1x1024x32xf32>
    tpu.vector_store %arg5[%swap3A_65, %swap3A_66, %swap3A_67], %swap3A_70 {strides = array<i32>} : memref<8x1024x32xf32, #tpu.memory_space<vmem>>, vector<1x1024x32xf32>,
    return
  }
  func.func @transform_0(%arg0: i32) -> (i32, i32, i32) {
    %c0_i32 = arith.constant 0 : i32
    %c0_i32_0 = arith.constant 0 : i32
    %c0_i32_1 = arith.constant 0 : i32
    return %arg0, %c0_i32, %c0_i32_0 : i32, i32, i32
  }
  func.func @transform_1(%arg0: i32) -> (i32, i32) {
    %c0_i32 = arith.constant 0 : i32
    %c0_i32_0 = arith.constant 0 : i32
    %c0_i32_1 = arith.constant 0 : i32
    return %c0_i32, %c0_i32_0 : i32, i32
  }
  func.func @transform_2(%arg0: i32) -> (i32, i32) {
    %c0_i32 = arith.constant 0 : i32
    %c0_i32_0 = arith.constant 0 : i32
    %c0_i32_1 = arith.constant 0 : i32
    return %c0_i32, %c0_i32_0 : i32, i32
  }
  func.func @transform_3(%arg0: i32) -> (i32, i32) {
    %c0_i32 = arith.constant 0 : i32
    %c0_i32_0 = arith.constant 0 : i32
    %c0_i32_1 = arith.constant 0 : i32
    return %c0_i32, %c0_i32_0 : i32, i32
  }
  func.func @transform_4(%arg0: i32) -> (i32, i32, i32) {
    %c0_i32 = arith.constant 0 : i32
    %c0_i32_0 = arith.constant 0 : i32
    %c0_i32_1 = arith.constant 0 : i32
    return %arg0, %c0_i32, %c0_i32_0 : i32, i32, i32
  }
}

module attributes {stable_mosaic.version = 14 : i64} {
  func.func @_out_body(%arg0: i32, %arg1: memref<1x8x2560x32xf32, #tpu.memory_space<vmem>>, %arg2: memref<6xf32, #tpu.memory_space<smem>>, %arg3: memref<256x256xf32, #tpu.memory_space<vmem>>, %arg4: memref<256x1xf32, #tpu.memory_space<vmem>>, %arg5: memref<256x2500xf32, #tpu.memory_space<vmem>>, %arg6: memref<256x2500xf32, #tpu.memory_space<vmem>>, %arg7: memref<2500x256xf32, #tpu.memory_space<vmem>>, %arg8: memref<1xf32, #tpu.memory_space<smem>>) attributes {dimension_semantics = [#tpu.dimension_semantics<arbitrary>], iteration_bounds = array<i64: 6>, scalar_prefetch = 0 : i64, scratch_operands = 2 : i64, tpu.core_type = #tpu.core_type<tc>, window_params = [{transform_indices = @transform_0, window_bounds = array<i64: 1, 8, 2560, 32>}, {transform_indices = @transform_1, window_bounds = array<i64: 6>}, {pipeline_mode = #tpu.pipeline_mode<synchronous>, transform_indices = @transform_2, window_bounds = array<i64: 256, 256>}, {pipeline_mode = #tpu.pipeline_mode<synchronous>, transform_indices = @transform_3, window_bounds = array<i64: 256, 1>}, {pipeline_mode = #tpu.pipeline_mode<synchronous>, transform_indices = @transform_4, window_bounds = array<i64: 256, 2500>}, {pipeline_mode = #tpu.pipeline_mode<synchronous>, transform_indices = @transform_5, window_bounds = array<i64: 256, 2500>}]} {
    %get3A = arith.index_cast %arg0 : i32 to index
    %get3A_0 = memref.load %arg2[%get3A] : memref<6xf32, #tpu.memory_space<smem>>
    %max3A = arith.constant 0.000000e+00 : f32
    %max3A_1 = arith.maximumf %get3A_0, %max3A : f32
    %abs3A = math.absf %get3A_0 : f32
    %neg3A = arith.constant 0.000000e+00 : f32
    %neg3A_2 = arith.subf %neg3A, %abs3A : f32
    %exp3A = math.exp %neg3A_2 : f32
    %log1p3A = math.log1p %exp3A : f32
    %add3A = arith.addf %max3A_1, %log1p3A : f32
    %eq3A = arith.constant 0 : i32
    %eq3A_3 = arith.cmpi eq, %arg0, %eq3A : i32
    %convert_element_type3A = arith.extui %eq3A_3 : i1 to i32
    %cond3A = arith.constant 0 : i32
    %cond3A_4 = arith.cmpi ne, %convert_element_type3A, %cond3A : i32
    scf.if %cond3A_4 {
      %broadcast_in_dim3A = arith.constant 0.000000e+00 : f32
      %broadcast_in_dim3A_70 = vector.broadcast %broadcast_in_dim3A : f32 to vector<2500x256xf32>
      %swap3A_71 = arith.constant 0 : index
      %swap3A_72 = arith.constant 0 : index
      %swap3A_73 = vector.load %arg7[%swap3A_71, %swap3A_72] : memref<2500x256xf32, #tpu.memory_space<vmem>>, vector<2500x256xf32>
      tpu.vector_store %arg7[%swap3A_71, %swap3A_72], %broadcast_in_dim3A_70 {strides = array<i32>} : memref<2500x256xf32, #tpu.memory_space<vmem>>, vector<2500x256xf32>,
      %swap3A_74 = arith.constant 0.000000e+00 : f32
      %swap3A_75 = arith.constant 0 : index
      %swap3A_76 = memref.load %arg8[%swap3A_75] : memref<1xf32, #tpu.memory_space<smem>>
      memref.store %swap3A_74, %arg8[%swap3A_75] : memref<1xf32, #tpu.memory_space<smem>>
    } else {
    }
    %get3A_5 = arith.constant 0 : index
    %get3A_6 = arith.constant 0 : index
    %get3A_7 = arith.constant 0 : index
    %get3A_8 = arith.constant 0 : index
    %get3A_9 = vector.load %arg1[%get3A_5, %get3A_6, %get3A_7, %get3A_8] : memref<1x8x2560x32xf32, #tpu.memory_space<vmem>>, vector<1x1x2500x32xf32>
    %get3A_10 = vector.shape_cast %get3A_9 : vector<1x1x2500x32xf32> to vector<2500x32xf32>
    %get3A_11 = arith.constant 0 : index
    %get3A_12 = arith.constant 1 : index
    %get3A_13 = arith.constant 0 : index
    %get3A_14 = arith.constant 0 : index
    %get3A_15 = vector.load %arg1[%get3A_11, %get3A_12, %get3A_13, %get3A_14] : memref<1x8x2560x32xf32, #tpu.memory_space<vmem>>, vector<1x1x2500x32xf32>
    %get3A_16 = vector.shape_cast %get3A_15 : vector<1x1x2500x32xf32> to vector<2500x32xf32>
    %get3A_17 = arith.constant 0 : index
    %get3A_18 = arith.constant 2 : index
    %get3A_19 = arith.constant 0 : index
    %get3A_20 = arith.constant 0 : index
    %get3A_21 = vector.load %arg1[%get3A_17, %get3A_18, %get3A_19, %get3A_20] : memref<1x8x2560x32xf32, #tpu.memory_space<vmem>>, vector<1x1x2500x32xf32>
    %get3A_22 = vector.shape_cast %get3A_21 : vector<1x1x2500x32xf32> to vector<2500x32xf32>
    %get3A_23 = arith.constant 0 : index
    %get3A_24 = arith.constant 3 : index
    %get3A_25 = arith.constant 0 : index
    %get3A_26 = arith.constant 0 : index
    %get3A_27 = vector.load %arg1[%get3A_23, %get3A_24, %get3A_25, %get3A_26] : memref<1x8x2560x32xf32, #tpu.memory_space<vmem>>, vector<1x1x2500x32xf32>
    %get3A_28 = vector.shape_cast %get3A_27 : vector<1x1x2500x32xf32> to vector<2500x32xf32>
    %get3A_29 = arith.constant 0 : index
    %get3A_30 = arith.constant 4 : index
    %get3A_31 = arith.constant 0 : index
    %get3A_32 = arith.constant 0 : index
    %get3A_33 = vector.load %arg1[%get3A_29, %get3A_30, %get3A_31, %get3A_32] : memref<1x8x2560x32xf32, #tpu.memory_space<vmem>>, vector<1x1x2500x32xf32>
    %get3A_34 = vector.shape_cast %get3A_33 : vector<1x1x2500x32xf32> to vector<2500x32xf32>
    %get3A_35 = arith.constant 0 : index
    %get3A_36 = arith.constant 5 : index
    %get3A_37 = arith.constant 0 : index
    %get3A_38 = arith.constant 0 : index
    %get3A_39 = vector.load %arg1[%get3A_35, %get3A_36, %get3A_37, %get3A_38] : memref<1x8x2560x32xf32, #tpu.memory_space<vmem>>, vector<1x1x2500x32xf32>
    %get3A_40 = vector.shape_cast %get3A_39 : vector<1x1x2500x32xf32> to vector<2500x32xf32>
    %get3A_41 = arith.constant 0 : index
    %get3A_42 = arith.constant 6 : index
    %get3A_43 = arith.constant 0 : index
    %get3A_44 = arith.constant 0 : index
    %get3A_45 = vector.load %arg1[%get3A_41, %get3A_42, %get3A_43, %get3A_44] : memref<1x8x2560x32xf32, #tpu.memory_space<vmem>>, vector<1x1x2500x32xf32>
    %get3A_46 = vector.shape_cast %get3A_45 : vector<1x1x2500x32xf32> to vector<2500x32xf32>
    %get3A_47 = arith.constant 0 : index
    %get3A_48 = arith.constant 7 : index
    %get3A_49 = arith.constant 0 : index
    %get3A_50 = arith.constant 0 : index
    %get3A_51 = vector.load %arg1[%get3A_47, %get3A_48, %get3A_49, %get3A_50] : memref<1x8x2560x32xf32, #tpu.memory_space<vmem>>, vector<1x1x2500x32xf32>
    %get3A_52 = vector.shape_cast %get3A_51 : vector<1x1x2500x32xf32> to vector<2500x32xf32>
    %concatenate3A = tpu.concatenate %get3A_10, %get3A_16, %get3A_22, %get3A_28, %get3A_34, %get3A_40, %get3A_46, %get3A_52 in 1 : vector<2500x32xf32>, vector<2500x32xf32>, vector<2500x32xf32>, vector<2500x32xf32>, vector<2500x32xf32>, vector<2500x32xf32>, vector<2500x32xf32>, vector<2500x32xf32> -> vector<2500x256xf32>
    %get3A_53 = arith.constant 0 : index
    %get3A_54 = arith.constant 0 : index
    %get3A_55 = vector.load %arg7[%get3A_53, %get3A_54] : memref<2500x256xf32, #tpu.memory_space<vmem>>, vector<2500x256xf32>
    %mul3A = vector.broadcast %add3A : f32 to vector<2500x256xf32>
    %mul3A_56 = arith.mulf %mul3A, %concatenate3A : vector<2500x256xf32>
    %add3A_57 = arith.addf %get3A_55, %mul3A_56 : vector<2500x256xf32>
    %swap3A = arith.constant 0 : index
    %swap3A_58 = arith.constant 0 : index
    %swap3A_59 = vector.load %arg7[%swap3A, %swap3A_58] : memref<2500x256xf32, #tpu.memory_space<vmem>>, vector<2500x256xf32>
    tpu.vector_store %arg7[%swap3A, %swap3A_58], %add3A_57 {strides = array<i32>} : memref<2500x256xf32, #tpu.memory_space<vmem>>, vector<2500x256xf32>,
    %get3A_60 = arith.constant 0 : index
    %get3A_61 = memref.load %arg8[%get3A_60] : memref<1xf32, #tpu.memory_space<smem>>
    %add3A_62 = arith.addf %get3A_61, %add3A : f32
    %swap3A_63 = arith.constant 0 : index
    %swap3A_64 = memref.load %arg8[%swap3A_63] : memref<1xf32, #tpu.memory_space<smem>>
    memref.store %add3A_62, %arg8[%swap3A_63] : memref<1xf32, #tpu.memory_space<smem>>
    %eq3A_65 = arith.constant 5 : i32
    %eq3A_66 = arith.cmpi eq, %arg0, %eq3A_65 : i32
    %convert_element_type3A_67 = arith.extui %eq3A_66 : i1 to i32
    %cond3A_68 = arith.constant 0 : i32
    %cond3A_69 = arith.cmpi ne, %convert_element_type3A_67, %cond3A_68 : i32
    scf.if %cond3A_69 {
      %get3A_70 = arith.constant 0 : index
      %get3A_71 = memref.load %arg8[%get3A_70] : memref<1xf32, #tpu.memory_space<smem>>
      %max3A_72 = arith.constant 9.99999997E-7 : f32
      %max3A_73 = arith.maximumf %get3A_71, %max3A_72 : f32
      %div3A = arith.constant 1.000000e+00 : f32
      %div3A_74 = arith.divf %div3A, %max3A_73 : f32
      %get3A_75 = arith.constant 0 : index
      %get3A_76 = arith.constant 0 : index
      %get3A_77 = vector.load %arg7[%get3A_75, %get3A_76] : memref<2500x256xf32, #tpu.memory_space<vmem>>, vector<2500x256xf32>
      %mul3A_78 = vector.broadcast %div3A_74 : f32 to vector<2500x256xf32>
      %mul3A_79 = arith.mulf %get3A_77, %mul3A_78 : vector<2500x256xf32>
      %get3A_80 = arith.constant 0 : index
      %get3A_81 = arith.constant 0 : index
      %get3A_82 = vector.load %arg3[%get3A_80, %get3A_81] : memref<256x256xf32, #tpu.memory_space<vmem>>, vector<256x256xf32>
      %dot_general3A = arith.constant dense<0.000000e+00> : vector<256x2500xf32>
      %dot_general3A_83 = tpu.matmul %get3A_82, %mul3A_79, %dot_general3A {dimension_numbers = #tpu.dot_dimension_numbers<[1], [1], [0], [0], [0, 0, 1, 0], [], []>, precision = #tpu.contract_precision<fp32>, transpose_lhs_hint = false} : vector<256x256xf32>, vector<2500x256xf32>, vector<256x2500xf32> -> vector<256x2500xf32>
      %get3A_84 = arith.constant 0 : index
      %get3A_85 = arith.constant 0 : index
      %get3A_86 = vector.load %arg4[%get3A_84, %get3A_85] : memref<256x1xf32, #tpu.memory_space<vmem>>, vector<256x1xf32>
      %add3A_87 = vector.broadcast %get3A_86 : vector<256x1xf32> to vector<256x2500xf32>
      %add3A_88 = arith.addf %dot_general3A_83, %add3A_87 : vector<256x2500xf32>
      %get3A_89 = arith.constant 0 : index
      %get3A_90 = arith.constant 0 : index
      %get3A_91 = vector.load %arg5[%get3A_89, %get3A_90] : memref<256x2500xf32, #tpu.memory_space<vmem>>, vector<256x2500xf32>
      %add3A_92 = arith.addf %add3A_88, %get3A_91 : vector<256x2500xf32>
      %swap3A_93 = arith.constant 0 : index
      %swap3A_94 = arith.constant 0 : index
      %swap3A_95 = vector.load %arg6[%swap3A_93, %swap3A_94] : memref<256x2500xf32, #tpu.memory_space<vmem>>, vector<256x2500xf32>
      tpu.vector_store %arg6[%swap3A_93, %swap3A_94], %add3A_92 {strides = array<i32>} : memref<256x2500xf32, #tpu.memory_space<vmem>>, vector<256x2500xf32>,
    } else {
    }
    return
  }
  func.func @transform_0(%arg0: i32) -> (i32, i32, i32, i32) {
    %c0_i32 = arith.constant 0 : i32
    %c0_i32_0 = arith.constant 0 : i32
    %c0_i32_1 = arith.constant 0 : i32
    %c0_i32_2 = arith.constant 0 : i32
    return %arg0, %c0_i32, %c0_i32_0, %c0_i32_1 : i32, i32, i32, i32
  }
  func.func @transform_1(%arg0: i32) -> i32 {
    %c0_i32 = arith.constant 0 : i32
    %c0_i32_0 = arith.constant 0 : i32
    return %c0_i32 : i32
  }
  func.func @transform_2(%arg0: i32) -> (i32, i32) {
    %c0_i32 = arith.constant 0 : i32
    %c0_i32_0 = arith.constant 0 : i32
    %c0_i32_1 = arith.constant 0 : i32
    return %c0_i32, %c0_i32_0 : i32, i32
  }
  func.func @transform_3(%arg0: i32) -> (i32, i32) {
    %c0_i32 = arith.constant 0 : i32
    %c0_i32_0 = arith.constant 0 : i32
    %c0_i32_1 = arith.constant 0 : i32
    return %c0_i32, %c0_i32_0 : i32, i32
  }
  func.func @transform_4(%arg0: i32) -> (i32, i32) {
    %c0_i32 = arith.constant 0 : i32
    %c0_i32_0 = arith.constant 0 : i32
    %c0_i32_1 = arith.constant 0 : i32
    return %c0_i32, %c0_i32_0 : i32, i32
  }
  func.func @transform_5(%arg0: i32) -> (i32, i32) {
    %c0_i32 = arith.constant 0 : i32
    %c0_i32_0 = arith.constant 0 : i32
    %c0_i32_1 = arith.constant 0 : i32
    return %c0_i32, %c0_i32_0 : i32, i32
  }
}

</mosaic_0001>

<sc_bundles>
// kernel: kernel.6.cloned.1.call-start
scs
__scs_entry_jumppad:
0x0: {  	(pc) =	sbr.rel $0x88, $3  }
0x1: {  	(tag) =	ssettag $0x0;
	lr =	simm.s32 $0x1  }
0x2: {  	[smem:$0x3F94] =	sst lr;
	_ =	strace $0xD0000000  }
0x3: {  	_ = 	snop  }
0x4: {  	_ = 	snop  }
0x5: {  	_ = 	snop  }
0x6: {  	_ = 	snop  }
0x7: {  	_ = 	snop  }
__scs_overlays_trampoline_lowered:
0x8: {  	[smem:$0x3FA3] =	sst s0  }
0x9: {  	[smem:$0x3FA4] =	sst s1  }
0xa: {  	[smem:$0x3FA5] =	sst s2  }
0xb: {  	[smem:$0x3FA6] =	sst s3  }
0xc: {  	[smem:$0x3FA7] =	sst s4  }
0xd: {  	[smem:$0x3FA8] =	sst s5  }
0xe: {  	[smem:$0x3FA9] =	sst s6  }
0xf: {  	[smem:$0x3FAA] =	sst s7  }
0x10: {  	[smem:$0x3FAB] =	sst s8  }
0x11: {  	[smem:$0x3FAC] =	sst s9;
	s0 =	simm.s32 @!p0 $0x0  }
0x12: {  	s1 =	sld [smem:$0x3F92];
	s0 =	simm.s32 @p0 $0x1  }
0x13: {  	[smem:$0x3FAD] =	sst s0;
	s0 =	simm.s32 @!p1 $0x0  }
0x14: {  	s2 =	sld [smem:$0x3F91];
	s0 =	simm.s32 @p1 $0x1  }
0x15: {  	[smem:$0x3FAE] =	sst s0;
	s0 =	simm.s32 @!p2 $0x0  }
0x16: {  	s3 =	sld [smem:$0x3FDB];
	s0 =	simm.s32 @p2 $0x1  }
0x17: {  	s4 =	simm.s32 $0x1BF5;
	[smem:$0x3FB0] =	sst s0  }
0x18: {  	s0 =	sld [smem:$0x3F93];
	_ =	swait.ge [sflag:s4], $0x0  }
0x19: {  	s7 =	sld [smem:$0x3F94]  }
0x1a: {  	s8 =	sadd.s32 $0xFFFFE003, lr  }
0x1b: {  	s9 =	sadd.s32 $0xFFFFFEF7, lr;
	s5 =	simm.s32 $0xFFFFFFFF;
	p2 =	slt.u32 s8, $0xFFFFF086  }
0x1c: {  	p1 =	slt.u32 s9, $0xF7A;
	s5 =	simm.s32 @!p2 $0x0  }
0x1d: {  	s5 =	simm.s32 @p1 $0x1;
	p0 =	seq.s32 s7, s2  }
0x1e: {  	s7 =	smul.u32 @!p0 $0xF7A, s2;
	p2 =	seq.s32 @!p0 s5, $0x0  }
0x1f: {  	s9 =	smul.u32 $0xF7A, s1;
	s8 =	simm.s32 @!p0 $0x1BF5;
	p2 =	por !p2, p0  }
0x20: {  	[sflag:s8] =	ssyncset.s32 @!p0 $0xFFFFF086;
	s6 =	sadd.s32 @!p0 s3, s7;
	s7 =	simm.s32 @!p0 $0x108  }
0x21: {  	s3 =	sadd.s32 s3, s9;
	s6 =	sadd.s32 @!p0 $0x88, s6;
	s7 =	simm.s32 @p2 $0x1082  }
0x22: {  	[simem:s7], [sflag:s8] =	dma.local @!p0 [hbm:s6], $0xF7A  }
0x23: {  	s9 =	sor.u32 $0xD0000000, s2;
	s6 =	simm.s32 $0x108;
	_ =	swait.ge @!p0 [sflag:s8], $0x0  }
0x24: {  	s3 =	sadd.s32 $0x88, s3;
	s6 =	simm.s32 @!p1 $0x1082;
	[sflag:s4] =	ssyncset.s32 $0xFFFFF086  }
0x25: {  	[simem:s6], [sflag:s4] =	dma.local [hbm:s3], $0xF7A  }
0x26: {  	[smem:$0x3F94] =	sst s1;
	(tag) =	ssettag s2;
	_ =	strace s9  }
0x27: {  	s1 =	sld [smem:$0x3FA4]  }
0x28: {  	s2 =	sld [smem:$0x3FA5]  }
0x29: {  	s4 =	sld [smem:$0x3FA7]  }
0x2a: {  	p0 =	seq.s32 s5, $0x0;
	s5 =	sld [smem:$0x3FA8]  }
0x2b: {  	s6 =	sld [smem:$0x3FA9]  }
0x2c: {  	s7 =	sld [smem:$0x3FAA]  }
0x2d: {  	s3 =	simm.s32 $0x108;
	s8 =	sld [smem:$0x3FAB]  }
0x2e: {  	s3 =	simm.s32 @!p0 $0x1082;
	s9 =	sld [smem:$0x3FAC]  }
0x2f: {  	lr =	sadd.s32 s0, s3;
	s0 =	sld [smem:$0x3FA3]  }
0x30: {  	s3 =	sld [smem:$0x3FA6]  }
0x31: {  	[smem:$0x3FAF] =	sst s10  }
0x32: {  	s10 =	sld [smem:$0x3FAD];
	_ =	sdelay $0x3  }
0x33: {  	p0 =	seq.s32 s10, $0x1;
	s10 =	sld [smem:$0x3FAF];
	_ =	sdelay $0x3  }
0x34: {  	[smem:$0x3FAF] =	sst s10  }
0x35: {  	s10 =	sld [smem:$0x3FAE];
	_ =	sdelay $0x3  }
0x36: {  	p1 =	seq.s32 s10, $0x1;
	s10 =	sld [smem:$0x3FAF];
	_ =	sdelay $0x3  }
0x37: {  	[smem:$0x3FAF] =	sst s10  }
0x38: {  	s10 =	sld [smem:$0x3FB0]  }
0x39: {  	_ = 	snop;
	(pc) =	sbr.ind lr, $3  }
0x3a: {  	_ = 	snop  }
0x3b: {  	_ = 	snop  }
0x3c: {  	p2 =	seq.s32 s10, $0x1;
	s10 =	sld [smem:$0x3FAF]  }
0x3d: {  	_ =	shalt  }
0x3e: {  	_ =	shalt  }
0x3f: {  	_ =	shalt  }
0x40: {  	_ =	shalt  }
0x41: {  	_ =	shalt  }
0x42: {  	_ =	shalt  }
0x43: {  	_ =	shalt  }
0x44: {  	_ =	shalt  }
0x45: {  	_ =	shalt  }
0x46: {  	_ =	shalt  }
0x47: {  	_ =	shalt  }
0x48: {  	_ =	shalt  }
0x49: {  	_ =	shalt  }
0x4a: {  	_ =	shalt  }
0x4b: {  	_ =	shalt  }
0x4c: {  	_ =	shalt  }
0x4d: {  	_ =	shalt  }
0x4e: {  	_ =	shalt  }
0x4f: {  	_ =	shalt  }
0x50: {  	_ =	shalt  }
0x51: {  	_ =	shalt  }
0x52: {  	_ =	shalt  }
0x53: {  	_ =	shalt  }
0x54: {  	_ =	shalt  }
0x55: {  	_ =	shalt  }
0x56: {  	_ =	shalt  }
0x57: {  	_ =	shalt  }
0x58: {  	_ =	shalt  }
0x59: {  	_ =	shalt  }
0x5a: {  	_ =	shalt  }
0x5b: {  	_ =	shalt  }
0x5c: {  	_ =	shalt  }
0x5d: {  	_ =	shalt  }
0x5e: {  	_ =	shalt  }
0x5f: {  	_ =	shalt  }
0x60: {  	_ =	shalt  }
0x61: {  	_ =	shalt  }
0x62: {  	_ =	shalt  }
0x63: {  	_ =	shalt  }
0x64: {  	_ =	shalt  }
0x65: {  	_ =	shalt  }
0x66: {  	_ =	shalt  }
0x67: {  	_ =	shalt  }
0x68: {  	_ =	shalt  }
0x69: {  	_ =	shalt  }
0x6a: {  	_ =	shalt  }
0x6b: {  	_ =	shalt  }
0x6c: {  	_ =	shalt  }
0x6d: {  	_ =	shalt  }
0x6e: {  	_ =	shalt  }
0x6f: {  	_ =	shalt  }
0x70: {  	_ =	shalt  }
0x71: {  	_ =	shalt  }
0x72: {  	_ =	shalt  }
0x73: {  	_ =	shalt  }
0x74: {  	_ =	shalt  }
0x75: {  	_ =	shalt  }
0x76: {  	_ =	shalt  }
0x77: {  	_ =	shalt  }
0x78: {  	_ =	shalt  }
0x79: {  	_ =	shalt  }
0x7a: {  	_ =	shalt  }
0x7b: {  	_ =	shalt  }
0x7c: {  	_ =	shalt  }
0x7d: {  	_ =	shalt  }
0x7e: {  	_ =	shalt  }
0x7f: {  	_ =	shalt  }
0x80: {  	_ =	shalt  }
0x81: {  	_ =	shalt  }
0x82: {  	_ =	shalt  }
0x83: {  	_ =	shalt  }
0x84: {  	_ =	shalt  }
0x85: {  	_ =	shalt  }
0x86: {  	_ =	shalt  }
0x87: {  	_ =	shalt  }
.Lfunc_end0:
.L_simem_size_0:
called_computation_lowered:
.L_overlay_start_0:
0x88: {  	s2 =	sld [smem:$0x3FD9]  }
0x89: {  	s3 =	sld [smem:$0x3FFE];
	_ =	sdelay $0x1  }
0x8a: {  	s1 =	srdreg.scid  }
0x8b: {  	s0 =	sand.u32 $0x1, s1  }
0x8c: {  	s16 =	sshll.u32 s0, $0xA;
	s2 =	sadd.s32 s3, s2  }
0x8d: {  	s2 =	sadd.s32 s2, s16  }
0x8e: {  	[smem:$0x3FBB] =	sst s2  }
0x8f: {  	_ = 	snop  }
0x90: {  	(tm) =	ssettm $0x1  }
0x91: {  	s17 =	sld [smem:$0x3FFB];
	_ =	sdelay $0x3  }
0x92: {  	_ =	strace s17  }
0x93: {  	s2 =	sld [smem:$0x3FFC];
	_ =	sdelay $0x3  }
0x94: {  	_ =	strace s2  }
0x95: {  	s2 =	sld [smem:$0x3FFD];
	_ =	sdelay $0x3  }
0x96: {  	_ =	strace s2  }
0x97: {  	_ =	strace $0x8FFFFFFF  }
0x98: {  	s18 =	sld [smem:$0x3FDB];
	_ =	sdelay $0x1  }
0x99: {  	s19 =	simm.s32 $_scs_section_size  }
0x9a: {  	s4 =	simm.s32 $_size__tile_overlayer_lowered;
	s5 =	simm.s32 $_tile_overlayer_lowered  }
0x9b: {  	s22 =	simm.s32 $0x1BFF;
	s21 =	sshll.u32 s5, $0x1;
	s2 =	sadd.s32 s19, s18  }
0x9c: {  	s6 =	simm.s32 $0x0;
	s20 =	sshll.u32 s4, $0x1;
	s4 =	sadd.s32 s21, s2  }
0x9d: {  	[timem:s6], [sflag:s22] =	dma.local [hbm:s4], s20  }
0x9e: {  	_ =	swait.ge [sflag:s22], s20  }
0x9f: {  	s3 =	ssub.s32 $0x0, s20;
	[sflag:s22] =	ssyncset.done $0x0  }
0xa0: {  	[sflag:s22] =	ssyncadd.s32 s3;
	_ =	sdelay $0x1  }
0xa1: {  	s23 =	simm.s32 $0x1B8B  }
0xa2: {  	_ =	swait.ge [sflag:s23], $0x1  }
0xa3: {  	[sflag:s23] =	ssyncset.done $0x0  }
0xa4: {  	s25 =	simm.s32 $0x1B8E;
	s24 =	sld [smem:$0x3FFE];
	[sflag:s23] =	ssyncadd.s32 $0xFFFFFFFF  }
0xa5: {  	s26 =	simm.s32 $execute0_lowered;
	[smem:$0x3FD2] =	sst s25  }
0xa6: {  	s4 =	sshll.u32 s26, $0x1;
	_ =	strace $0x80000046;
	[dreg:$0x1] =	wrdreg $0xFFFFFFFF  }
0xa7: {  	s28 =	simm.s32 $_size_execute0_lowered;
	s2 =	sadd.s32 s2, s4;
	[dreg:$0x0] =	wrdreg $0x0  }
0xa8: {  	s4 =	sshll.u32 s28, $0x1;
	[dreg:$0x2] =	wrdreg s2  }
0xa9: {  	[dreg:$0x3] =	wrdreg s4  }
0xaa: {  	[dreg:$0x4] =	wrdreg $0xC0  }
0xab: {  	_ =	task [dreg:s6], $0x5FFFF  }
0xac: {  	[dreg:$0x1] =	wrdreg $0xFFFFFFFF  }
0xad: {  	[dreg:$0x0] =	wrdreg $0x60  }
0xae: {  	[dreg:$0x2] =	wrdreg s24  }
0xaf: {  	[dreg:$0x3] =	wrdreg $0x9  }
0xb0: {  	_ =	task.clear_ibuf [dreg:s6], $0x4FFFF;
	_ =	strace $0x90000046  }
0xb1: {  	s29 =	simm.s32 $0x9;
	_ =	strace $0x80000048  }
0xb2: {  	_ =	swait.ge [sflag:s29], $0x1  }
0xb3: {  	[sflag:s29] =	ssyncadd.s32 $0xFFFFFFFF  }
0xb4: {  	_ =	strace $0x90000048  }
0xb5: {  	_ =	sfence  }
0xb6: {  	s30 =	sld [smem:$0x0];
	_ =	sdelay $0x2  }
0xb7: {  	s31 =	sshll.u32 s1, $0xD;
	s1 =	sshrl.u32 s1, $0x2  }
0xb8: {  	s3 =	sand.u32 $0x4000, s31;
	s1 =	sadd.s32 s1, s30  }
0xb9: {  	s0 =	sor.u32 s3, s0;
	s1 =	sshll.u32 s1, $0x11  }
0xba: {  	s0 =	sor.u32 s1, s0  }
0xbb: {  	s0 =	sadd.s32 $0x8F2B, s0  }
0xbc: {  	[sflag:s0] =	ssyncadd.remote.s32 $0x1  }
0xbd: {  	_ =	sfence.sel $0xFFFF  }
0xbe: {  	[dreg:$0x0] =	wrdreg $0xFFFFFFFF;
	(pc) =	sbr.abs _section_cstart, $3  }
0xbf: {  	[dreg:$0x1] =	wrdreg $0xFFFFFFFF  }
0xc0: {  	_ =	task.clear_ibuf [dreg:s6], $0x2FFFF;
	_ =	strace $0x9FFFFFFF  }
0xc1: {  	(tm) =	ssettm $0x7FFFFFFF  }
tec
execute0_lowered:
.L_overlay_start_1:
0x0: {  	(tag) =	ssettag $0x1  }
0x1: {  	s3 =	rddreg [dreg:$0x0]  }
0x2: {  	s4 =	srdreg.scid;
	s0 =	stileid.u32  }
0x3: {  	s1 =	simm.s32 $0x0;
	s4 =	sand.u32 $0x1, s4;
	s5 =	sshll.u32 s0, $0x1  }
0x4: {  	[smem:$0x7FF] =	sst s1;
	s11 =	sadd.s32 $0x13A800, s3;
	s5 =	sor.u32 s4, s5  }
0x5: {  	s12 =	sadd.s32 $0x2800, s3;
	s13 =	sadd.s32 $0x3E800, s3;
	s9 =	smul.u32 $0x3, s5  }
0x6: {  	s16 =	sadd.s32 $0x7A800, s3;
	_ =	strace $0x80000047;
	s4 =	ssub.s32 $0x2, s4  }
0x7: {  	s5 =	smul.u32 $0xC0, s5;
	s29 =	sshrl.u32 s4, $0x1;
	s6 =	sshrl.u32 s9, $0x4  }
0x8: {  	s17 =	ssub.s32 s4, s29;
	s7 =	sand.u32 $0x1, s9;
	s8 =	smul.u32 $0x50000, s6  }
0x9: {  	s14 =	sand.u32 $0x380, s5;
	s3 =	sadd.s32 $0x1, s9;
	s15 =	smul.u32 $0x28000, s7  }
0xa: {  	s26 =	sadd.s32 $0x2, s9;
	s10 =	sshll.u32 s6, $0x12;
	s6 =	smul.u32 $0xA0000, s6  }
0xb: {  	s18 =	smul.u32 $0x50000, s7;
	s22 =	sand.u32 $0x1, s3;
	s7 =	sshll.u32 s3, $0x6  }
0xc: {  	s28 =	sshrl.u32 s26, $0x4;
	s5 =	sor.u32 s14, s10;
	s23 =	smul.u32 $0x28000, s22  }
0xd: {  	s10 =	sshrl.u32 s3, $0x4;
	s21 =	sand.u32 $0x380, s7;
	s29 =	smul.u32 $0x50000, s28  }
0xe: {  	s30 =	sshrl.u32 s5, $0x3;
	s31 =	sadd.s32 s15, s8;
	s19 =	smul.u32 $0x50000, s10  }
0xf: {  	s6 =	sadd.s32 s18, s6;
	s20 =	sshll.u32 s10, $0x12;
	s24 =	smul.u32 $0xA0000, s10  }
0x10: {  	s10 =	smul.u32 $0x50000, s22;
	s22 =	simm.s32 $0x0;
	s1 =	sadd.s32 s11, s30  }
0x11: {  	s4 =	sor.u32 s14, s31;
	s6 =	sor.u32 s14, s6;
	s7 =	sor.u32 s21, s20  }
0x12: {  	s30 =	sshll.u32 s28, $0x12;
	s15 =	sadd.s32 s15, s29;
	s20 =	simm.s32 $0xD000  }
0x13: {  	[dreg:$0x2] =	wrdreg s1;
	s2 =	sshrl.u32 s4, $0x3;
	s6 =	sshrl.u32 s6, $0x3  }
0x14: {  	s14 =	sadd.s32 s23, s19;
	s7 =	sshrl.u32 s7, $0x3;
	s10 =	sadd.s32 s10, s24  }
0x15: {  	s19 =	sshll.u32 s26, $0x6;
	s4 =	sadd.s32 s12, s2;
	s8 =	sadd.s32 s13, s2  }
0x16: {  	s25 =	sor.u32 s21, s14;
	s6 =	sadd.s32 s16, s6;
	s7 =	sadd.s32 s11, s7  }
0x17: {  	s10 =	sor.u32 s21, s10;
	s19 =	sand.u32 $0x380, s19;
	[dreg:$0x3] =	wrdreg s4  }
0x18: {  	[dreg:$0x4] =	wrdreg s8;
	s14 =	sshrl.u32 s25, $0x3;
	s10 =	sshrl.u32 s10, $0x3  }
0x19: {  	s21 =	sor.u32 s19, s30;
	s15 =	sor.u32 s19, s15;
	s8 =	sadd.s32 s12, s14  }
0x1a: {  	s9 =	sadd.s32 s13, s14;
	s14 =	smul.u32 $0xA0000, s28;
	s10 =	sadd.s32 s16, s10  }
0x1b: {  	s31 =	sshrl.u32 s21, $0x3;
	s15 =	sshrl.u32 s15, $0x3;
	s21 =	simm.s32 $0x12000  }
0x1c: {  	s11 =	sadd.s32 s11, s31;
	s12 =	sadd.s32 s12, s15;
	s14 =	sadd.s32 s18, s14  }
0x1d: {  	s13 =	sadd.s32 s13, s15;
	s15 =	smax.u32 s17, $0x1;
	s14 =	sor.u32 s19, s14  }
0x1e: {  	s17 =	simm.s32 $0x400;
	s18 =	simm.s32 $0x1;
	s14 =	sshrl.u32 s14, $0x3  }
0x1f: {  	s19 =	simm.s32 $0x8000;
	s14 =	sadd.s32 s16, s14;
	s16 =	simm.s32 $0x80  }
.LBB2_1:
0x20: {  	s0 =	simm.s32 $0x0;
	s1 =	rddreg [dreg:$0x2]  }
0x21: {  	[tilespmem:s0], [sflag:$0x1] =	stream.strided.gather [hbm4b:s1+s16], $0x8000, s17, s16, $0x38;
	[tilespmem:$0x1C000] =	vst v63  }
0x22: {  	_ =	swait.ge [sflag:s18], $0x8000  }
0x23: {  	[sflag:s18] =	ssyncset.done $0x0  }
0x24: {  	s26 =	rddreg [dreg:$0x3];
	[sflag:s18] =	ssyncadd.s32 $0xFFFF8000  }
0x25: {  	[tilespmem:s19], [sflag:$0x1] =	stream.strided.gather [hbm4b:s26+s16], $0x5000, s17, s16, $0x38;
	[tilespmem:$0x1C000] =	vst v63  }
0x26: {  	_ =	swait.ge [sflag:s18], $0x5000  }
0x27: {  	[sflag:s18] =	ssyncset.done $0x0  }
0x28: {  	s28 =	rddreg [dreg:$0x4];
	[sflag:s18] =	ssyncadd.s32 $0xFFFFB000  }
0x29: {  	[tilespmem:s20], [sflag:$0x1] =	stream.strided.gather [hbm4b:s28+s16], $0x5000, s17, s16, $0x38;
	[tilespmem:$0x1C000] =	vst v63  }
0x2a: {  	_ =	swait.ge [sflag:s18], $0x5000  }
0x2b: {  	[sflag:s18] =	ssyncset.done $0x0  }
0x2c: {  	s23 =	simm.s32 $0x0;
	[sflag:s18] =	ssyncadd.s32 $0xFFFFB000  }
0x2d: {  	v0 =	vld [tilespmem:s23+$0x8000];
	_ =	sdelay $0x4  }
0x2e: {  	v0 =	vshll.u32 v0, $0x7  }
0x2f: {  	v0 =	vshra.s32 v0, $0x2  }
0x30: {  	(v2sf) =	vpush v0, $0x0;
	_ =	sdelay $0x1  }
0x31: {  	(v2sf) =	vpush v0, $0x1;
	_ =	sdelay $0x1  }
0x32: {  	(v2sf) =	vpush v0, $0x2;
	_ =	sdelay $0x1  }
0x33: {  	(v2sf) =	vpush v0, $0x3;
	_ =	sdelay $0x1  }
0x34: {  	(v2sf) =	vpush v0, $0x4;
	_ =	sdelay $0x1  }
0x35: {  	(v2sf) =	vpush v0, $0x5;
	_ =	sdelay $0x1  }
0x36: {  	(v2sf) =	vpush v0, $0x6;
	_ =	sdelay $0x1  }
0x37: {  	v1 =	vld [tilespmem:s23+$0xD000];
	(v2sf) =	vpush v0, $0x7  }
0x38: {  	s29 =	spop (v2sf)  }
0x39: {  	(v2sf) =	vpush v0, $0x8;
	v2 =	vld [tilespmem:s29+$0x0]  }
0x3a: {  	s24 =	spop (v2sf);
	v3 =	vld [tilespmem:s29+$0x10]  }
0x3b: {  	(v2sf) =	vpush v0, $0x9;
	v4 =	vld [tilespmem:s24+$0x0]  }
0x3c: {  	v5 =	vbroadcast v1, $0x0;
	s30 =	spop (v2sf);
	v6 =	vld [tilespmem:s24+$0x10]  }
0x3d: {  	(v2sf) =	vpush v0, $0xA;
	v7 =	vld [tilespmem:s30+$0x0]  }
0x3e: {  	v8 =	vbroadcast v1, $0x1;
	s31 =	spop (v2sf);
	v9 =	vld [tilespmem:s30+$0x10];
	v2 =	vmul.f32 v2, v5  }
0x3f: {  	v21 =	vbroadcast v1, $0x2;
	(v2sf) =	vpush v0, $0xB;
	v10 =	vld [tilespmem:s31+$0x0]  }
0x40: {  	s0 =	spop (v2sf);
	v11 =	vld [tilespmem:s31+$0x10];
	v3 =	vmul.f32 v3, v5;
	v4 =	vmul.f32 v4, v8;
	v2 =	vadd.f32 $0.0e+00, v2  }
0x41: {  	v12 =	vbroadcast v1, $0x3;
	(v2sf) =	vpush v0, $0xC;
	v22 =	vld [tilespmem:s0+$0x0];
	v6 =	vmul.f32 v6, v8  }
0x42: {  	s1 =	spop (v2sf);
	v24 =	vld [tilespmem:s0+$0x10];
	v3 =	vadd.f32 $0.0e+00, v3;
	v23 =	vmul.f32 v7, v21;
	v2 =	vadd.f32 v4, v2  }
0x43: {  	v26 =	vbroadcast v1, $0x4;
	(v2sf) =	vpush v0, $0xD;
	v25 =	vld [tilespmem:s1+$0x0];
	v5 =	vmul.f32 v9, v21  }
0x44: {  	s2 =	spop (v2sf);
	v28 =	vld [tilespmem:s1+$0x10];
	v27 =	vmul.f32 v10, v12;
	v3 =	vadd.f32 v6, v3;
	v2 =	vadd.f32 v23, v2  }
0x45: {  	v30 =	vbroadcast v1, $0x5;
	(v2sf) =	vpush v0, $0xE;
	v29 =	vld [tilespmem:s2+$0x0];
	v11 =	vmul.f32 v11, v12  }
0x46: {  	s3 =	spop (v2sf);
	v32 =	vld [tilespmem:s2+$0x10];
	v31 =	vmul.f32 v22, v26;
	v3 =	vadd.f32 v5, v3;
	v2 =	vadd.f32 v27, v2  }
0x47: {  	v33 =	vbroadcast v1, $0x6;
	(v2sf) =	vpush v0, $0xF;
	v34 =	vld [tilespmem:s3+$0x0];
	v0 =	vmul.f32 v24, v26  }
0x48: {  	v36 =	vld [tilespmem:s3+$0x10];
	v35 =	vmul.f32 v25, v30;
	v3 =	vadd.f32 v11, v3;
	s4 =	spop (v2sf);
	v2 =	vadd.f32 v31, v2  }
0x49: {  	v37 =	vbroadcast v1, $0x7;
	v5 =	vmul.f32 v28, v30;
	v38 =	vld [tilespmem:s4+$0x0]  }
0x4a: {  	s5 =	spop (v2sf);
	v0 =	vadd.f32 v0, v3;
	v3 =	vmul.f32 v29, v33;
	v39 =	vld [tilespmem:s4+$0x10];
	v2 =	vadd.f32 v35, v2  }
0x4b: {  	v40 =	vbroadcast v1, $0x8;
	v6 =	vmul.f32 v32, v33;
	v41 =	vld [tilespmem:s5+$0x0]  }
0x4c: {  	s25 =	spop (v2sf);
	v42 =	vld [tilespmem:s5+$0x10];
	v0 =	vadd.f32 v5, v0;
	v2 =	vadd.f32 v3, v2;
	v3 =	vmul.f32 v34, v37  }
0x4d: {  	v44 =	vbroadcast v1, $0x9;
	v43 =	vmul.f32 v36, v37;
	v45 =	vld [tilespmem:s25+$0x0]  }
0x4e: {  	s26 =	spop (v2sf);
	v46 =	vld [tilespmem:s25+$0x10];
	v0 =	vadd.f32 v6, v0;
	v2 =	vadd.f32 v3, v2;
	v3 =	vmul.f32 v38, v40  }
0x4f: {  	v47 =	vbroadcast v1, $0xA;
	v48 =	vld [tilespmem:s26+$0x0];
	v4 =	vmul.f32 v39, v40  }
0x50: {  	s28 =	spop (v2sf);
	v49 =	vld [tilespmem:s26+$0x10];
	v0 =	vadd.f32 v43, v0;
	v2 =	vadd.f32 v3, v2;
	v3 =	vmul.f32 v41, v44  }
0x51: {  	v50 =	vbroadcast v1, $0xB;
	v51 =	vld [tilespmem:s28+$0x0];
	v5 =	vmul.f32 v42, v44  }
0x52: {  	s29 =	spop (v2sf);
	v52 =	vld [tilespmem:s28+$0x10];
	v0 =	vadd.f32 v4, v0;
	v2 =	vadd.f32 v3, v2;
	v3 =	vmul.f32 v45, v47  }
0x53: {  	v53 =	vbroadcast v1, $0xC;
	v54 =	vld [tilespmem:s29+$0x0];
	v6 =	vmul.f32 v46, v47  }
0x54: {  	s30 =	spop (v2sf);
	v55 =	vld [tilespmem:s29+$0x10];
	v0 =	vadd.f32 v5, v0;
	v2 =	vadd.f32 v3, v2;
	v3 =	vmul.f32 v48, v50  }
0x55: {  	v56 =	vbroadcast v1, $0xD;
	v57 =	vld [tilespmem:s30+$0x0];
	v7 =	vmul.f32 v49, v50  }
0x56: {  	s31 =	spop (v2sf);
	v58 =	vld [tilespmem:s30+$0x10];
	v0 =	vadd.f32 v6, v0;
	v2 =	vadd.f32 v3, v2;
	v3 =	vmul.f32 v51, v53  }
0x57: {  	v59 =	vbroadcast v1, $0xE;
	v60 =	vld [tilespmem:s31+$0x0];
	v4 =	vmul.f32 v52, v53  }
0x58: {  	v0 =	vadd.f32 v7, v0;
	v2 =	vadd.f32 v3, v2;
	v3 =	vmul.f32 v54, v56  }
0x59: {  	v1 =	vbroadcast v1, $0xF;
	v61 =	vld [tilespmem:s31+$0x10];
	v5 =	vmul.f32 v55, v56  }
0x5a: {  	v0 =	vadd.f32 v4, v0;
	v2 =	vadd.f32 v3, v2;
	v3 =	vmul.f32 v57, v59  }
0x5b: {  	v62 =	vmul.f32 v58, v59  }
0x5c: {  	v63 =	vmul.f32 v60, v1;
	v0 =	vadd.f32 v5, v0;
	v3 =	vadd.f32 v3, v2;
	_ =	sdelay $0x1  }
0x5d: {  	s23 =	simm.s32 $0x12010;
	s24 =	simm.s32 $0x40;
	s25 =	simm.s32 $0x12010;
	v1 =	vmul.f32 v61, v1;
	v2 =	vadd.f32 v62, v0;
	v0 =	vadd.f32 v63, v3  }
.LBB2_2:
0x5e: {  	p0 =	sne.s32 s24, $0x13FC0  }
0x5f: {  	s23 =	sadd.s32 $0x20, s23;
	s26 =	smov.u32 s24;
	s24 =	sadd.s32 $0x40, s24;
	v1 =	vadd.f32 v1, v2  }
0x60: {  	[tilespmem:s25+$0xFFFFFFF0] =	vst v0  }
0x61: {  	s26 =	sshra.s32 s26, $0x2;
	[tilespmem:s25+$0x0] =	vst v1;
	s25 =	smov.u32 s23  }
0x62: {  	v0 =	vld [tilespmem:s26+$0x8000];
	_ =	sdelay $0x4  }
0x63: {  	v0 =	vshll.u32 v0, $0x7  }
0x64: {  	v1 =	vshra.s32 v0, $0x2  }
0x65: {  	(v2sf) =	vpush v1, $0x0  }
0x66: {  	(v2sf) =	vpush v1, $0x1  }
0x67: {  	(v2sf) =	vpush v1, $0x2  }
0x68: {  	(v2sf) =	vpush v1, $0x3  }
0x69: {  	(v2sf) =	vpush v1, $0x4  }
0x6a: {  	(v2sf) =	vpush v1, $0x5  }
0x6b: {  	(v2sf) =	vpush v1, $0x6  }
0x6c: {  	(v2sf) =	vpush v1, $0x7  }
0x6d: {  	(v2sf) =	vpush v1, $0x8  }
0x6e: {  	(v2sf) =	vpush v1, $0x9  }
0x6f: {  	(v2sf) =	vpush v1, $0xA  }
0x70: {  	(v2sf) =	vpush v1, $0xB  }
0x71: {  	(v2sf) =	vpush v1, $0xC  }
0x72: {  	(v2sf) =	vpush v1, $0xD  }
0x73: {  	v0 =	vld [tilespmem:s26+$0xD000];
	(v2sf) =	vpush v1, $0xE  }
0x74: {  	s26 =	spop (v2sf);
	(v2sf) =	vpush v1, $0xF  }
0x75: {  	v1 =	vld [tilespmem:s26+$0x0];
	s28 =	spop (v2sf)  }
0x76: {  	v2 =	vld [tilespmem:s28+$0x0];
	s29 =	spop (v2sf)  }
0x77: {  	v3 =	vld [tilespmem:s26+$0x10];
	s26 =	spop (v2sf)  }
0x78: {  	v4 =	vbroadcast v0, $0x0;
	v5 =	vld [tilespmem:s28+$0x10];
	s28 =	spop (v2sf)  }
0x79: {  	v6 =	vld [tilespmem:s29+$0x0];
	s30 =	spop (v2sf)  }
0x7a: {  	v7 =	vbroadcast v0, $0x1;
	v1 =	vmul.f32 v1, v4;
	v8 =	vld [tilespmem:s29+$0x10];
	s0 =	spop (v2sf)  }
0x7b: {  	v9 =	vbroadcast v0, $0x2;
	v10 =	vld [tilespmem:s26+$0x0];
	s1 =	spop (v2sf)  }
0x7c: {  	v2 =	vmul.f32 v2, v7;
	v1 =	vadd.f32 $0.0e+00, v1;
	v3 =	vmul.f32 v3, v4;
	v4 =	vld [tilespmem:s26+$0x10];
	s2 =	spop (v2sf)  }
0x7d: {  	v5 =	vmul.f32 v5, v7;
	v7 =	vbroadcast v0, $0x3;
	v11 =	vld [tilespmem:s28+$0x0];
	s3 =	spop (v2sf)  }
0x7e: {  	v3 =	vadd.f32 $0.0e+00, v3;
	v1 =	vadd.f32 v2, v1;
	v2 =	vmul.f32 v6, v9;
	v6 =	vld [tilespmem:s28+$0x10];
	s4 =	spop (v2sf)  }
0x7f: {  	v8 =	vmul.f32 v8, v9;
	v9 =	vbroadcast v0, $0x4;
	v12 =	vld [tilespmem:s30+$0x0];
	s31 =	spop (v2sf)  }
0x80: {  	v3 =	vadd.f32 v5, v3;
	v1 =	vadd.f32 v2, v1;
	v2 =	vmul.f32 v10, v7;
	v5 =	vld [tilespmem:s30+$0x10];
	s30 =	spop (v2sf)  }
0x81: {  	v4 =	vmul.f32 v4, v7;
	v7 =	vbroadcast v0, $0x5;
	v10 =	vld [tilespmem:s0+$0x0];
	s29 =	spop (v2sf)  }
0x82: {  	v3 =	vadd.f32 v8, v3;
	v1 =	vadd.f32 v2, v1;
	v2 =	vmul.f32 v11, v9;
	v8 =	vld [tilespmem:s0+$0x10];
	s28 =	spop (v2sf)  }
0x83: {  	v6 =	vmul.f32 v6, v9;
	v9 =	vbroadcast v0, $0x6;
	v11 =	vld [tilespmem:s1+$0x0];
	s26 =	spop (v2sf)  }
0x84: {  	v3 =	vadd.f32 v4, v3;
	v1 =	vadd.f32 v2, v1;
	v2 =	vmul.f32 v12, v7;
	v4 =	vld [tilespmem:s1+$0x10]  }
0x85: {  	v5 =	vmul.f32 v5, v7;
	v7 =	vbroadcast v0, $0x7;
	v12 =	vld [tilespmem:s2+$0x0]  }
0x86: {  	v3 =	vadd.f32 v6, v3;
	v1 =	vadd.f32 v2, v1;
	v2 =	vmul.f32 v10, v9;
	v6 =	vld [tilespmem:s2+$0x10]  }
0x87: {  	v8 =	vmul.f32 v8, v9;
	v9 =	vbroadcast v0, $0x8;
	v10 =	vld [tilespmem:s3+$0x0]  }
0x88: {  	v3 =	vadd.f32 v5, v3;
	v1 =	vadd.f32 v2, v1;
	v2 =	vmul.f32 v11, v7;
	v5 =	vld [tilespmem:s3+$0x10]  }
0x89: {  	v4 =	vmul.f32 v4, v7;
	v7 =	vbroadcast v0, $0x9;
	v11 =	vld [tilespmem:s4+$0x0]  }
0x8a: {  	v3 =	vadd.f32 v8, v3;
	v1 =	vadd.f32 v2, v1;
	v2 =	vmul.f32 v12, v9;
	v8 =	vld [tilespmem:s4+$0x10]  }
0x8b: {  	v6 =	vmul.f32 v6, v9;
	v9 =	vbroadcast v0, $0xA;
	v12 =	vld [tilespmem:s31+$0x0]  }
0x8c: {  	v3 =	vadd.f32 v4, v3;
	v1 =	vadd.f32 v2, v1;
	v2 =	vmul.f32 v10, v7;
	v4 =	vld [tilespmem:s31+$0x10]  }
0x8d: {  	v5 =	vmul.f32 v5, v7;
	v7 =	vbroadcast v0, $0xB;
	v10 =	vld [tilespmem:s30+$0x0]  }
0x8e: {  	v3 =	vadd.f32 v6, v3;
	v1 =	vadd.f32 v2, v1;
	v2 =	vmul.f32 v11, v9;
	v6 =	vld [tilespmem:s30+$0x10]  }
0x8f: {  	v8 =	vmul.f32 v8, v9;
	v9 =	vbroadcast v0, $0xC;
	v11 =	vld [tilespmem:s29+$0x0]  }
0x90: {  	v3 =	vadd.f32 v5, v3;
	v1 =	vadd.f32 v2, v1;
	v2 =	vmul.f32 v12, v7;
	v5 =	vld [tilespmem:s29+$0x10]  }
0x91: {  	v4 =	vmul.f32 v4, v7;
	v7 =	vbroadcast v0, $0xD;
	v12 =	vld [tilespmem:s28+$0x0]  }
0x92: {  	v3 =	vadd.f32 v8, v3;
	v1 =	vadd.f32 v2, v1;
	v2 =	vmul.f32 v10, v9;
	v8 =	vld [tilespmem:s28+$0x10]  }
0x93: {  	v6 =	vmul.f32 v6, v9;
	v9 =	vbroadcast v0, $0xE;
	v10 =	vld [tilespmem:s26+$0x0]  }
0x94: {  	v3 =	vadd.f32 v4, v3;
	v1 =	vadd.f32 v2, v1;
	v2 =	vmul.f32 v11, v7;
	v4 =	vld [tilespmem:s26+$0x10]  }
0x95: {  	v0 =	vbroadcast v0, $0xF;
	v5 =	vmul.f32 v5, v7  }
.Ltmp0:
0x96: {  	v3 =	vadd.f32 v6, v3;
	v1 =	vadd.f32 v2, v1;
	v2 =	vmul.f32 v12, v9;
	(pc) =	sbr.rel @p0 .LBB2_2-.Ltmp0, $4  }
0x97: {  	v6 =	vmul.f32 v8, v9  }
0x98: {  	v3 =	vadd.f32 v5, v3;
	v5 =	vadd.f32 v2, v1;
	v7 =	vmul.f32 v10, v0  }
0x99: {  	v1 =	vmul.f32 v4, v0  }
0x9a: {  	v2 =	vadd.f32 v6, v3;
	v0 =	vadd.f32 v7, v5  }
0x9b: {  	_ = 	snop  }
0x9c: {  	v1 =	vadd.f32 v1, v2  }
0x9d: {  	[tilespmem:s25+$0xFFFFFFF0] =	vst v0  }
0x9e: {  	[tilespmem:s25+$0x0] =	vst v1  }
0x9f: {  	[hbm4b:s6+s16] =	stream.strided.scatter [tilespmem:s21], [sflag:$0x1], $0xA000, s17, s16, $0x38;
	[tilespmem:$0x1C000] =	vst v63  }
0xa0: {  	_ =	swait.ge [sflag:s18], $0xA000  }
0xa1: {  	[sflag:s18] =	ssyncset.done $0x0  }
0xa2: {  	s0 =	simm.s32 $0x0;
	[sflag:s18] =	ssyncadd.s32 $0xFFFF6000  }
0xa3: {  	[tilespmem:s0], [sflag:$0x1] =	stream.strided.gather [hbm4b:s7+s16], $0x8000, s17, s16, $0x38;
	[tilespmem:$0x1C000] =	vst v63  }
0xa4: {  	_ =	swait.ge [sflag:s18], $0x8000  }
0xa5: {  	[sflag:s18] =	ssyncset.done $0x0  }
0xa6: {  	[sflag:s18] =	ssyncadd.s32 $0xFFFF8000  }
0xa7: {  	[tilespmem:s19], [sflag:$0x1] =	stream.strided.gather [hbm4b:s8+s16], $0x5000, s17, s16, $0x38;
	[tilespmem:$0x1C000] =	vst v63  }
0xa8: {  	_ =	swait.ge [sflag:s18], $0x5000  }
0xa9: {  	[sflag:s18] =	ssyncset.done $0x0  }
0xaa: {  	[sflag:s18] =	ssyncadd.s32 $0xFFFFB000  }
0xab: {  	[tilespmem:s20], [sflag:$0x1] =	stream.strided.gather [hbm4b:s9+s16], $0x5000, s17, s16, $0x38;
	[tilespmem:$0x1C000] =	vst v63  }
0xac: {  	_ =	swait.ge [sflag:s18], $0x5000  }
0xad: {  	[sflag:s18] =	ssyncset.done $0x0  }
0xae: {  	s28 =	simm.s32 $0x0;
	[sflag:s18] =	ssyncadd.s32 $0xFFFFB000  }
0xaf: {  	v0 =	vld [tilespmem:s28+$0x8000];
	_ =	sdelay $0x4  }
0xb0: {  	v0 =	vshll.u32 v0, $0x7  }
0xb1: {  	v0 =	vshra.s32 v0, $0x2  }
0xb2: {  	(v2sf) =	vpush v0, $0x0;
	_ =	sdelay $0x1  }
0xb3: {  	(v2sf) =	vpush v0, $0x1;
	_ =	sdelay $0x1  }
0xb4: {  	(v2sf) =	vpush v0, $0x2;
	_ =	sdelay $0x1  }
0xb5: {  	(v2sf) =	vpush v0, $0x3;
	_ =	sdelay $0x1  }
0xb6: {  	(v2sf) =	vpush v0, $0x4;
	_ =	sdelay $0x1  }
0xb7: {  	(v2sf) =	vpush v0, $0x5;
	_ =	sdelay $0x1  }
0xb8: {  	(v2sf) =	vpush v0, $0x6;
	_ =	sdelay $0x1  }
0xb9: {  	v1 =	vld [tilespmem:s28+$0xD000];
	(v2sf) =	vpush v0, $0x7  }
0xba: {  	s29 =	spop (v2sf)  }
0xbb: {  	(v2sf) =	vpush v0, $0x8;
	v2 =	vld [tilespmem:s29+$0x0]  }
0xbc: {  	s1 =	spop (v2sf);
	v3 =	vld [tilespmem:s29+$0x10]  }
0xbd: {  	(v2sf) =	vpush v0, $0x9;
	v4 =	vld [tilespmem:s1+$0x0]  }
0xbe: {  	v5 =	vbroadcast v1, $0x0;
	s30 =	spop (v2sf);
	v6 =	vld [tilespmem:s1+$0x10]  }
0xbf: {  	(v2sf) =	vpush v0, $0xA;
	v7 =	vld [tilespmem:s30+$0x0]  }
0xc0: {  	v8 =	vbroadcast v1, $0x1;
	s31 =	spop (v2sf);
	v9 =	vld [tilespmem:s30+$0x10];
	v2 =	vmul.f32 v2, v5  }
0xc1: {  	v21 =	vbroadcast v1, $0x2;
	(v2sf) =	vpush v0, $0xB;
	v10 =	vld [tilespmem:s31+$0x0]  }
0xc2: {  	s2 =	spop (v2sf);
	v11 =	vld [tilespmem:s31+$0x10];
	v3 =	vmul.f32 v3, v5;
	v4 =	vmul.f32 v4, v8;
	v2 =	vadd.f32 $0.0e+00, v2  }
0xc3: {  	v12 =	vbroadcast v1, $0x3;
	(v2sf) =	vpush v0, $0xC;
	v22 =	vld [tilespmem:s2+$0x0];
	v6 =	vmul.f32 v6, v8  }
0xc4: {  	s3 =	spop (v2sf);
	v24 =	vld [tilespmem:s2+$0x10];
	v3 =	vadd.f32 $0.0e+00, v3;
	v23 =	vmul.f32 v7, v21;
	v2 =	vadd.f32 v4, v2  }
0xc5: {  	v26 =	vbroadcast v1, $0x4;
	(v2sf) =	vpush v0, $0xD;
	v25 =	vld [tilespmem:s3+$0x0];
	v5 =	vmul.f32 v9, v21  }
0xc6: {  	s4 =	spop (v2sf);
	v28 =	vld [tilespmem:s3+$0x10];
	v27 =	vmul.f32 v10, v12;
	v3 =	vadd.f32 v6, v3;
	v2 =	vadd.f32 v23, v2  }
0xc7: {  	v30 =	vbroadcast v1, $0x5;
	(v2sf) =	vpush v0, $0xE;
	v29 =	vld [tilespmem:s4+$0x0];
	v11 =	vmul.f32 v11, v12  }
0xc8: {  	s5 =	spop (v2sf);
	v32 =	vld [tilespmem:s4+$0x10];
	v31 =	vmul.f32 v22, v26;
	v3 =	vadd.f32 v5, v3;
	v2 =	vadd.f32 v27, v2  }
0xc9: {  	v33 =	vbroadcast v1, $0x6;
	(v2sf) =	vpush v0, $0xF;
	v34 =	vld [tilespmem:s5+$0x0];
	v0 =	vmul.f32 v24, v26  }
0xca: {  	v36 =	vld [tilespmem:s5+$0x10];
	v35 =	vmul.f32 v25, v30;
	v3 =	vadd.f32 v11, v3;
	s23 =	spop (v2sf);
	v2 =	vadd.f32 v31, v2  }
0xcb: {  	v37 =	vbroadcast v1, $0x7;
	v5 =	vmul.f32 v28, v30;
	v38 =	vld [tilespmem:s23+$0x0]  }
0xcc: {  	s24 =	spop (v2sf);
	v0 =	vadd.f32 v0, v3;
	v3 =	vmul.f32 v29, v33;
	v39 =	vld [tilespmem:s23+$0x10];
	v2 =	vadd.f32 v35, v2  }
0xcd: {  	v40 =	vbroadcast v1, $0x8;
	v6 =	vmul.f32 v32, v33;
	v41 =	vld [tilespmem:s24+$0x0]  }
0xce: {  	s25 =	spop (v2sf);
	v42 =	vld [tilespmem:s24+$0x10];
	v0 =	vadd.f32 v5, v0;
	v2 =	vadd.f32 v3, v2;
	v3 =	vmul.f32 v34, v37  }
0xcf: {  	v44 =	vbroadcast v1, $0x9;
	v43 =	vmul.f32 v36, v37;
	v45 =	vld [tilespmem:s25+$0x0]  }
0xd0: {  	s26 =	spop (v2sf);
	v46 =	vld [tilespmem:s25+$0x10];
	v0 =	vadd.f32 v6, v0;
	v2 =	vadd.f32 v3, v2;
	v3 =	vmul.f32 v38, v40  }
0xd1: {  	v47 =	vbroadcast v1, $0xA;
	v48 =	vld [tilespmem:s26+$0x0];
	v4 =	vmul.f32 v39, v40  }
0xd2: {  	s28 =	spop (v2sf);
	v49 =	vld [tilespmem:s26+$0x10];
	v0 =	vadd.f32 v43, v0;
	v2 =	vadd.f32 v3, v2;
	v3 =	vmul.f32 v41, v44  }
0xd3: {  	v50 =	vbroadcast v1, $0xB;
	v51 =	vld [tilespmem:s28+$0x0];
	v5 =	vmul.f32 v42, v44  }
0xd4: {  	s29 =	spop (v2sf);
	v52 =	vld [tilespmem:s28+$0x10];
	v0 =	vadd.f32 v4, v0;
	v2 =	vadd.f32 v3, v2;
	v3 =	vmul.f32 v45, v47  }
0xd5: {  	v53 =	vbroadcast v1, $0xC;
	v54 =	vld [tilespmem:s29+$0x0];
	v6 =	vmul.f32 v46, v47  }
0xd6: {  	s30 =	spop (v2sf);
	v55 =	vld [tilespmem:s29+$0x10];
	v0 =	vadd.f32 v5, v0;
	v2 =	vadd.f32 v3, v2;
	v3 =	vmul.f32 v48, v50  }
0xd7: {  	v56 =	vbroadcast v1, $0xD;
	v57 =	vld [tilespmem:s30+$0x0];
	v7 =	vmul.f32 v49, v50  }
0xd8: {  	s31 =	spop (v2sf);
	v58 =	vld [tilespmem:s30+$0x10];
	v0 =	vadd.f32 v6, v0;
	v2 =	vadd.f32 v3, v2;
	v3 =	vmul.f32 v51, v53  }
0xd9: {  	v59 =	vbroadcast v1, $0xE;
	v60 =	vld [tilespmem:s31+$0x0];
	v4 =	vmul.f32 v52, v53  }
0xda: {  	v0 =	vadd.f32 v7, v0;
	v2 =	vadd.f32 v3, v2;
	v3 =	vmul.f32 v54, v56  }
0xdb: {  	v1 =	vbroadcast v1, $0xF;
	v61 =	vld [tilespmem:s31+$0x10];
	v5 =	vmul.f32 v55, v56  }
0xdc: {  	v0 =	vadd.f32 v4, v0;
	v2 =	vadd.f32 v3, v2;
	v3 =	vmul.f32 v57, v59  }
0xdd: {  	v62 =	vmul.f32 v58, v59  }
0xde: {  	v63 =	vmul.f32 v60, v1;
	v0 =	vadd.f32 v5, v0;
	v3 =	vadd.f32 v3, v2;
	_ =	sdelay $0x1  }
0xdf: {  	s23 =	simm.s32 $0x12010;
	s24 =	simm.s32 $0x40;
	s25 =	simm.s32 $0x12010;
	v1 =	vmul.f32 v61, v1;
	v2 =	vadd.f32 v62, v0;
	v0 =	vadd.f32 v63, v3  }
.LBB2_4:
0xe0: {  	p0 =	sne.s32 s24, $0x13FC0  }
0xe1: {  	s23 =	sadd.s32 $0x20, s23;
	s0 =	smov.u32 s24;
	s24 =	sadd.s32 $0x40, s24;
	v1 =	vadd.f32 v1, v2  }
0xe2: {  	[tilespmem:s25+$0xFFFFFFF0] =	vst v0  }
0xe3: {  	s0 =	sshra.s32 s0, $0x2;
	[tilespmem:s25+$0x0] =	vst v1;
	s25 =	smov.u32 s23  }
0xe4: {  	v0 =	vld [tilespmem:s0+$0x8000];
	_ =	sdelay $0x4  }
0xe5: {  	v0 =	vshll.u32 v0, $0x7  }
0xe6: {  	v1 =	vshra.s32 v0, $0x2  }
0xe7: {  	(v2sf) =	vpush v1, $0x0  }
0xe8: {  	(v2sf) =	vpush v1, $0x1  }
0xe9: {  	(v2sf) =	vpush v1, $0x2  }
0xea: {  	(v2sf) =	vpush v1, $0x3  }
0xeb: {  	(v2sf) =	vpush v1, $0x4  }
0xec: {  	(v2sf) =	vpush v1, $0x5  }
0xed: {  	(v2sf) =	vpush v1, $0x6  }
0xee: {  	(v2sf) =	vpush v1, $0x7  }
0xef: {  	(v2sf) =	vpush v1, $0x8  }
0xf0: {  	(v2sf) =	vpush v1, $0x9  }
0xf1: {  	(v2sf) =	vpush v1, $0xA  }
0xf2: {  	(v2sf) =	vpush v1, $0xB  }
0xf3: {  	(v2sf) =	vpush v1, $0xC  }
0xf4: {  	(v2sf) =	vpush v1, $0xD  }
0xf5: {  	v0 =	vld [tilespmem:s0+$0xD000];
	(v2sf) =	vpush v1, $0xE  }
0xf6: {  	s0 =	spop (v2sf);
	(v2sf) =	vpush v1, $0xF  }
0xf7: {  	v1 =	vld [tilespmem:s0+$0x0];
	s1 =	spop (v2sf)  }
0xf8: {  	v2 =	vld [tilespmem:s1+$0x0];
	s2 =	spop (v2sf)  }
0xf9: {  	v3 =	vld [tilespmem:s0+$0x10];
	s0 =	spop (v2sf)  }
0xfa: {  	v4 =	vbroadcast v0, $0x0;
	v5 =	vld [tilespmem:s1+$0x10];
	s1 =	spop (v2sf)  }
0xfb: {  	v6 =	vld [tilespmem:s2+$0x0];
	s3 =	spop (v2sf)  }
0xfc: {  	v7 =	vbroadcast v0, $0x1;
	v1 =	vmul.f32 v1, v4;
	v8 =	vld [tilespmem:s2+$0x10];
	s2 =	spop (v2sf)  }
0xfd: {  	v9 =	vbroadcast v0, $0x2;
	v10 =	vld [tilespmem:s0+$0x0];
	s4 =	spop (v2sf)  }
0xfe: {  	v2 =	vmul.f32 v2, v7;
	v1 =	vadd.f32 $0.0e+00, v1;
	v3 =	vmul.f32 v3, v4;
	v4 =	vld [tilespmem:s0+$0x10];
	s0 =	spop (v2sf)  }
0xff: {  	v5 =	vmul.f32 v5, v7;
	v7 =	vbroadcast v0, $0x3;
	v11 =	vld [tilespmem:s1+$0x0];
	s5 =	spop (v2sf)  }
0x100: {  	v3 =	vadd.f32 $0.0e+00, v3;
	v1 =	vadd.f32 v2, v1;
	v2 =	vmul.f32 v6, v9;
	v6 =	vld [tilespmem:s1+$0x10];
	s1 =	spop (v2sf)  }
0x101: {  	v8 =	vmul.f32 v8, v9;
	v9 =	vbroadcast v0, $0x4;
	v12 =	vld [tilespmem:s3+$0x0];
	s31 =	spop (v2sf)  }
0x102: {  	v3 =	vadd.f32 v5, v3;
	v1 =	vadd.f32 v2, v1;
	v2 =	vmul.f32 v10, v7;
	v5 =	vld [tilespmem:s3+$0x10];
	s30 =	spop (v2sf)  }
0x103: {  	v4 =	vmul.f32 v4, v7;
	v7 =	vbroadcast v0, $0x5;
	v10 =	vld [tilespmem:s2+$0x0];
	s29 =	spop (v2sf)  }
0x104: {  	v3 =	vadd.f32 v8, v3;
	v1 =	vadd.f32 v2, v1;
	v2 =	vmul.f32 v11, v9;
	v8 =	vld [tilespmem:s2+$0x10];
	s28 =	spop (v2sf)  }
0x105: {  	v6 =	vmul.f32 v6, v9;
	v9 =	vbroadcast v0, $0x6;
	v11 =	vld [tilespmem:s4+$0x0];
	s26 =	spop (v2sf)  }
0x106: {  	v3 =	vadd.f32 v4, v3;
	v1 =	vadd.f32 v2, v1;
	v2 =	vmul.f32 v12, v7;
	v4 =	vld [tilespmem:s4+$0x10]  }
0x107: {  	v5 =	vmul.f32 v5, v7;
	v7 =	vbroadcast v0, $0x7;
	v12 =	vld [tilespmem:s0+$0x0]  }
0x108: {  	v3 =	vadd.f32 v6, v3;
	v1 =	vadd.f32 v2, v1;
	v2 =	vmul.f32 v10, v9;
	v6 =	vld [tilespmem:s0+$0x10]  }
0x109: {  	v8 =	vmul.f32 v8, v9;
	v9 =	vbroadcast v0, $0x8;
	v10 =	vld [tilespmem:s5+$0x0]  }
0x10a: {  	v3 =	vadd.f32 v5, v3;
	v1 =	vadd.f32 v2, v1;
	v2 =	vmul.f32 v11, v7;
	v5 =	vld [tilespmem:s5+$0x10]  }
0x10b: {  	v4 =	vmul.f32 v4, v7;
	v7 =	vbroadcast v0, $0x9;
	v11 =	vld [tilespmem:s1+$0x0]  }
0x10c: {  	v3 =	vadd.f32 v8, v3;
	v1 =	vadd.f32 v2, v1;
	v2 =	vmul.f32 v12, v9;
	v8 =	vld [tilespmem:s1+$0x10]  }
0x10d: {  	v6 =	vmul.f32 v6, v9;
	v9 =	vbroadcast v0, $0xA;
	v12 =	vld [tilespmem:s31+$0x0]  }
0x10e: {  	v3 =	vadd.f32 v4, v3;
	v1 =	vadd.f32 v2, v1;
	v2 =	vmul.f32 v10, v7;
	v4 =	vld [tilespmem:s31+$0x10]  }
0x10f: {  	v5 =	vmul.f32 v5, v7;
	v7 =	vbroadcast v0, $0xB;
	v10 =	vld [tilespmem:s30+$0x0]  }
0x110: {  	v3 =	vadd.f32 v6, v3;
	v1 =	vadd.f32 v2, v1;
	v2 =	vmul.f32 v11, v9;
	v6 =	vld [tilespmem:s30+$0x10]  }
0x111: {  	v8 =	vmul.f32 v8, v9;
	v9 =	vbroadcast v0, $0xC;
	v11 =	vld [tilespmem:s29+$0x0]  }
0x112: {  	v3 =	vadd.f32 v5, v3;
	v1 =	vadd.f32 v2, v1;
	v2 =	vmul.f32 v12, v7;
	v5 =	vld [tilespmem:s29+$0x10]  }
0x113: {  	v4 =	vmul.f32 v4, v7;
	v7 =	vbroadcast v0, $0xD;
	v12 =	vld [tilespmem:s28+$0x0]  }
0x114: {  	v3 =	vadd.f32 v8, v3;
	v1 =	vadd.f32 v2, v1;
	v2 =	vmul.f32 v10, v9;
	v8 =	vld [tilespmem:s28+$0x10]  }
0x115: {  	v6 =	vmul.f32 v6, v9;
	v9 =	vbroadcast v0, $0xE;
	v10 =	vld [tilespmem:s26+$0x0]  }
0x116: {  	v3 =	vadd.f32 v4, v3;
	v1 =	vadd.f32 v2, v1;
	v2 =	vmul.f32 v11, v7;
	v4 =	vld [tilespmem:s26+$0x10]  }
0x117: {  	v0 =	vbroadcast v0, $0xF;
	v5 =	vmul.f32 v5, v7  }
.Ltmp1:
0x118: {  	v3 =	vadd.f32 v6, v3;
	v1 =	vadd.f32 v2, v1;
	v2 =	vmul.f32 v12, v9;
	(pc) =	sbr.rel @p0 .LBB2_4-.Ltmp1, $4  }
0x119: {  	v6 =	vmul.f32 v8, v9  }
0x11a: {  	v3 =	vadd.f32 v5, v3;
	v5 =	vadd.f32 v2, v1;
	v7 =	vmul.f32 v10, v0  }
0x11b: {  	v1 =	vmul.f32 v4, v0  }
0x11c: {  	v2 =	vadd.f32 v6, v3;
	v0 =	vadd.f32 v7, v5  }
0x11d: {  	_ = 	snop  }
0x11e: {  	v1 =	vadd.f32 v1, v2  }
0x11f: {  	[tilespmem:s25+$0xFFFFFFF0] =	vst v0  }
0x120: {  	[tilespmem:s25+$0x0] =	vst v1  }
0x121: {  	[hbm4b:s10+s16] =	stream.strided.scatter [tilespmem:s21], [sflag:$0x1], $0xA000, s17, s16, $0x38;
	[tilespmem:$0x1C000] =	vst v63  }
0x122: {  	_ =	swait.ge [sflag:s18], $0xA000  }
0x123: {  	[sflag:s18] =	ssyncset.done $0x0  }
0x124: {  	s0 =	simm.s32 $0x0;
	[sflag:s18] =	ssyncadd.s32 $0xFFFF6000  }
0x125: {  	[tilespmem:s0], [sflag:$0x1] =	stream.strided.gather [hbm4b:s11+s16], $0x8000, s17, s16, $0x38;
	[tilespmem:$0x1C000] =	vst v63  }
0x126: {  	_ =	swait.ge [sflag:s18], $0x8000  }
0x127: {  	[sflag:s18] =	ssyncset.done $0x0  }
0x128: {  	[sflag:s18] =	ssyncadd.s32 $0xFFFF8000  }
0x129: {  	[tilespmem:s19], [sflag:$0x1] =	stream.strided.gather [hbm4b:s12+s16], $0x5000, s17, s16, $0x38;
	[tilespmem:$0x1C000] =	vst v63  }
0x12a: {  	_ =	swait.ge [sflag:s18], $0x5000  }
0x12b: {  	[sflag:s18] =	ssyncset.done $0x0  }
0x12c: {  	[sflag:s18] =	ssyncadd.s32 $0xFFFFB000  }
0x12d: {  	[tilespmem:s20], [sflag:$0x1] =	stream.strided.gather [hbm4b:s13+s16], $0x5000, s17, s16, $0x38;
	[tilespmem:$0x1C000] =	vst v63  }
0x12e: {  	_ =	swait.ge [sflag:s18], $0x5000  }
0x12f: {  	[sflag:s18] =	ssyncset.done $0x0  }
0x130: {  	s28 =	simm.s32 $0x0;
	[sflag:s18] =	ssyncadd.s32 $0xFFFFB000  }
0x131: {  	v0 =	vld [tilespmem:s28+$0x8000];
	_ =	sdelay $0x4  }
0x132: {  	v0 =	vshll.u32 v0, $0x7  }
0x133: {  	v0 =	vshra.s32 v0, $0x2  }
0x134: {  	(v2sf) =	vpush v0, $0x0;
	_ =	sdelay $0x1  }
0x135: {  	(v2sf) =	vpush v0, $0x1;
	_ =	sdelay $0x1  }
0x136: {  	(v2sf) =	vpush v0, $0x2;
	_ =	sdelay $0x1  }
0x137: {  	(v2sf) =	vpush v0, $0x3;
	_ =	sdelay $0x1  }
0x138: {  	(v2sf) =	vpush v0, $0x4;
	_ =	sdelay $0x1  }
0x139: {  	(v2sf) =	vpush v0, $0x5;
	_ =	sdelay $0x1  }
0x13a: {  	(v2sf) =	vpush v0, $0x6;
	_ =	sdelay $0x1  }
0x13b: {  	v1 =	vld [tilespmem:s28+$0xD000];
	(v2sf) =	vpush v0, $0x7  }
0x13c: {  	s29 =	spop (v2sf)  }
0x13d: {  	(v2sf) =	vpush v0, $0x8;
	v2 =	vld [tilespmem:s29+$0x0]  }
0x13e: {  	s1 =	spop (v2sf);
	v3 =	vld [tilespmem:s29+$0x10]  }
0x13f: {  	(v2sf) =	vpush v0, $0x9;
	v4 =	vld [tilespmem:s1+$0x0]  }
0x140: {  	v5 =	vbroadcast v1, $0x0;
	s30 =	spop (v2sf);
	v6 =	vld [tilespmem:s1+$0x10]  }
0x141: {  	(v2sf) =	vpush v0, $0xA;
	v7 =	vld [tilespmem:s30+$0x0]  }
0x142: {  	v8 =	vbroadcast v1, $0x1;
	s31 =	spop (v2sf);
	v9 =	vld [tilespmem:s30+$0x10];
	v2 =	vmul.f32 v2, v5  }
0x143: {  	v21 =	vbroadcast v1, $0x2;
	(v2sf) =	vpush v0, $0xB;
	v10 =	vld [tilespmem:s31+$0x0]  }
0x144: {  	s2 =	spop (v2sf);
	v11 =	vld [tilespmem:s31+$0x10];
	v3 =	vmul.f32 v3, v5;
	v4 =	vmul.f32 v4, v8;
	v2 =	vadd.f32 $0.0e+00, v2  }
0x145: {  	v12 =	vbroadcast v1, $0x3;
	(v2sf) =	vpush v0, $0xC;
	v22 =	vld [tilespmem:s2+$0x0];
	v6 =	vmul.f32 v6, v8  }
0x146: {  	s3 =	spop (v2sf);
	v24 =	vld [tilespmem:s2+$0x10];
	v3 =	vadd.f32 $0.0e+00, v3;
	v23 =	vmul.f32 v7, v21;
	v2 =	vadd.f32 v4, v2  }
0x147: {  	v26 =	vbroadcast v1, $0x4;
	(v2sf) =	vpush v0, $0xD;
	v25 =	vld [tilespmem:s3+$0x0];
	v5 =	vmul.f32 v9, v21  }
0x148: {  	s4 =	spop (v2sf);
	v28 =	vld [tilespmem:s3+$0x10];
	v27 =	vmul.f32 v10, v12;
	v3 =	vadd.f32 v6, v3;
	v2 =	vadd.f32 v23, v2  }
0x149: {  	v30 =	vbroadcast v1, $0x5;
	(v2sf) =	vpush v0, $0xE;
	v29 =	vld [tilespmem:s4+$0x0];
	v11 =	vmul.f32 v11, v12  }
0x14a: {  	s5 =	spop (v2sf);
	v32 =	vld [tilespmem:s4+$0x10];
	v31 =	vmul.f32 v22, v26;
	v3 =	vadd.f32 v5, v3;
	v2 =	vadd.f32 v27, v2  }
0x14b: {  	v33 =	vbroadcast v1, $0x6;
	(v2sf) =	vpush v0, $0xF;
	v34 =	vld [tilespmem:s5+$0x0];
	v0 =	vmul.f32 v24, v26  }
0x14c: {  	v36 =	vld [tilespmem:s5+$0x10];
	v35 =	vmul.f32 v25, v30;
	v3 =	vadd.f32 v11, v3;
	s23 =	spop (v2sf);
	v2 =	vadd.f32 v31, v2  }
0x14d: {  	v37 =	vbroadcast v1, $0x7;
	v5 =	vmul.f32 v28, v30;
	v38 =	vld [tilespmem:s23+$0x0]  }
0x14e: {  	s24 =	spop (v2sf);
	v0 =	vadd.f32 v0, v3;
	v3 =	vmul.f32 v29, v33;
	v39 =	vld [tilespmem:s23+$0x10];
	v2 =	vadd.f32 v35, v2  }
0x14f: {  	v40 =	vbroadcast v1, $0x8;
	v6 =	vmul.f32 v32, v33;
	v41 =	vld [tilespmem:s24+$0x0]  }
0x150: {  	s25 =	spop (v2sf);
	v42 =	vld [tilespmem:s24+$0x10];
	v0 =	vadd.f32 v5, v0;
	v2 =	vadd.f32 v3, v2;
	v3 =	vmul.f32 v34, v37  }
0x151: {  	v44 =	vbroadcast v1, $0x9;
	v43 =	vmul.f32 v36, v37;
	v45 =	vld [tilespmem:s25+$0x0]  }
0x152: {  	s26 =	spop (v2sf);
	v46 =	vld [tilespmem:s25+$0x10];
	v0 =	vadd.f32 v6, v0;
	v2 =	vadd.f32 v3, v2;
	v3 =	vmul.f32 v38, v40  }
0x153: {  	v47 =	vbroadcast v1, $0xA;
	v48 =	vld [tilespmem:s26+$0x0];
	v4 =	vmul.f32 v39, v40  }
0x154: {  	s28 =	spop (v2sf);
	v49 =	vld [tilespmem:s26+$0x10];
	v0 =	vadd.f32 v43, v0;
	v2 =	vadd.f32 v3, v2;
	v3 =	vmul.f32 v41, v44  }
0x155: {  	v50 =	vbroadcast v1, $0xB;
	v51 =	vld [tilespmem:s28+$0x0];
	v5 =	vmul.f32 v42, v44  }
0x156: {  	s29 =	spop (v2sf);
	v52 =	vld [tilespmem:s28+$0x10];
	v0 =	vadd.f32 v4, v0;
	v2 =	vadd.f32 v3, v2;
	v3 =	vmul.f32 v45, v47  }
0x157: {  	v53 =	vbroadcast v1, $0xC;
	v54 =	vld [tilespmem:s29+$0x0];
	v6 =	vmul.f32 v46, v47  }
0x158: {  	s30 =	spop (v2sf);
	v55 =	vld [tilespmem:s29+$0x10];
	v0 =	vadd.f32 v5, v0;
	v2 =	vadd.f32 v3, v2;
	v3 =	vmul.f32 v48, v50  }
0x159: {  	v56 =	vbroadcast v1, $0xD;
	v57 =	vld [tilespmem:s30+$0x0];
	v7 =	vmul.f32 v49, v50  }
0x15a: {  	s31 =	spop (v2sf);
	v58 =	vld [tilespmem:s30+$0x10];
	v0 =	vadd.f32 v6, v0;
	v2 =	vadd.f32 v3, v2;
	v3 =	vmul.f32 v51, v53  }
0x15b: {  	v59 =	vbroadcast v1, $0xE;
	v60 =	vld [tilespmem:s31+$0x0];
	v4 =	vmul.f32 v52, v53  }
0x15c: {  	v0 =	vadd.f32 v7, v0;
	v2 =	vadd.f32 v3, v2;
	v3 =	vmul.f32 v54, v56  }
0x15d: {  	v1 =	vbroadcast v1, $0xF;
	v61 =	vld [tilespmem:s31+$0x10];
	v5 =	vmul.f32 v55, v56  }
0x15e: {  	v0 =	vadd.f32 v4, v0;
	v2 =	vadd.f32 v3, v2;
	v3 =	vmul.f32 v57, v59  }
0x15f: {  	v62 =	vmul.f32 v58, v59  }
0x160: {  	v63 =	vmul.f32 v60, v1;
	v0 =	vadd.f32 v5, v0;
	v3 =	vadd.f32 v3, v2;
	_ =	sdelay $0x1  }
0x161: {  	s23 =	simm.s32 $0x12010;
	s24 =	simm.s32 $0x40;
	s25 =	simm.s32 $0x12010;
	v1 =	vmul.f32 v61, v1;
	v2 =	vadd.f32 v62, v0;
	v0 =	vadd.f32 v63, v3  }
.LBB2_6:
0x162: {  	p0 =	sne.s32 s24, $0x13FC0  }
0x163: {  	s23 =	sadd.s32 $0x20, s23;
	s0 =	smov.u32 s24;
	s24 =	sadd.s32 $0x40, s24;
	v1 =	vadd.f32 v1, v2  }
0x164: {  	[tilespmem:s25+$0xFFFFFFF0] =	vst v0  }
0x165: {  	s0 =	sshra.s32 s0, $0x2;
	[tilespmem:s25+$0x0] =	vst v1;
	s25 =	smov.u32 s23  }
0x166: {  	v0 =	vld [tilespmem:s0+$0x8000];
	_ =	sdelay $0x4  }
0x167: {  	v0 =	vshll.u32 v0, $0x7  }
0x168: {  	v1 =	vshra.s32 v0, $0x2  }
0x169: {  	(v2sf) =	vpush v1, $0x0  }
0x16a: {  	(v2sf) =	vpush v1, $0x1  }
0x16b: {  	(v2sf) =	vpush v1, $0x2  }
0x16c: {  	(v2sf) =	vpush v1, $0x3  }
0x16d: {  	(v2sf) =	vpush v1, $0x4  }
0x16e: {  	(v2sf) =	vpush v1, $0x5  }
0x16f: {  	(v2sf) =	vpush v1, $0x6  }
0x170: {  	(v2sf) =	vpush v1, $0x7  }
0x171: {  	(v2sf) =	vpush v1, $0x8  }
0x172: {  	(v2sf) =	vpush v1, $0x9  }
0x173: {  	(v2sf) =	vpush v1, $0xA  }
0x174: {  	(v2sf) =	vpush v1, $0xB  }
0x175: {  	(v2sf) =	vpush v1, $0xC  }
0x176: {  	(v2sf) =	vpush v1, $0xD  }
0x177: {  	v0 =	vld [tilespmem:s0+$0xD000];
	(v2sf) =	vpush v1, $0xE  }
0x178: {  	s0 =	spop (v2sf);
	(v2sf) =	vpush v1, $0xF  }
0x179: {  	v1 =	vld [tilespmem:s0+$0x0];
	s1 =	spop (v2sf)  }
0x17a: {  	v2 =	vld [tilespmem:s1+$0x0];
	s2 =	spop (v2sf)  }
0x17b: {  	v3 =	vld [tilespmem:s0+$0x10];
	s0 =	spop (v2sf)  }
0x17c: {  	v4 =	vbroadcast v0, $0x0;
	v5 =	vld [tilespmem:s1+$0x10];
	s1 =	spop (v2sf)  }
0x17d: {  	v6 =	vld [tilespmem:s2+$0x0];
	s3 =	spop (v2sf)  }
0x17e: {  	v7 =	vbroadcast v0, $0x1;
	v1 =	vmul.f32 v1, v4;
	v8 =	vld [tilespmem:s2+$0x10];
	s2 =	spop (v2sf)  }
0x17f: {  	v9 =	vbroadcast v0, $0x2;
	v10 =	vld [tilespmem:s0+$0x0];
	s4 =	spop (v2sf)  }
0x180: {  	v2 =	vmul.f32 v2, v7;
	v1 =	vadd.f32 $0.0e+00, v1;
	v3 =	vmul.f32 v3, v4;
	v4 =	vld [tilespmem:s0+$0x10];
	s0 =	spop (v2sf)  }
0x181: {  	v5 =	vmul.f32 v5, v7;
	v7 =	vbroadcast v0, $0x3;
	v11 =	vld [tilespmem:s1+$0x0];
	s5 =	spop (v2sf)  }
0x182: {  	v3 =	vadd.f32 $0.0e+00, v3;
	v1 =	vadd.f32 v2, v1;
	v2 =	vmul.f32 v6, v9;
	v6 =	vld [tilespmem:s1+$0x10];
	s1 =	spop (v2sf)  }
0x183: {  	v8 =	vmul.f32 v8, v9;
	v9 =	vbroadcast v0, $0x4;
	v12 =	vld [tilespmem:s3+$0x0];
	s31 =	spop (v2sf)  }
0x184: {  	v3 =	vadd.f32 v5, v3;
	v1 =	vadd.f32 v2, v1;
	v2 =	vmul.f32 v10, v7;
	v5 =	vld [tilespmem:s3+$0x10];
	s30 =	spop (v2sf)  }
0x185: {  	v4 =	vmul.f32 v4, v7;
	v7 =	vbroadcast v0, $0x5;
	v10 =	vld [tilespmem:s2+$0x0];
	s29 =	spop (v2sf)  }
0x186: {  	v3 =	vadd.f32 v8, v3;
	v1 =	vadd.f32 v2, v1;
	v2 =	vmul.f32 v11, v9;
	v8 =	vld [tilespmem:s2+$0x10];
	s28 =	spop (v2sf)  }
0x187: {  	v6 =	vmul.f32 v6, v9;
	v9 =	vbroadcast v0, $0x6;
	v11 =	vld [tilespmem:s4+$0x0];
	s26 =	spop (v2sf)  }
0x188: {  	v3 =	vadd.f32 v4, v3;
	v1 =	vadd.f32 v2, v1;
	v2 =	vmul.f32 v12, v7;
	v4 =	vld [tilespmem:s4+$0x10]  }
0x189: {  	v5 =	vmul.f32 v5, v7;
	v7 =	vbroadcast v0, $0x7;
	v12 =	vld [tilespmem:s0+$0x0]  }
0x18a: {  	v3 =	vadd.f32 v6, v3;
	v1 =	vadd.f32 v2, v1;
	v2 =	vmul.f32 v10, v9;
	v6 =	vld [tilespmem:s0+$0x10]  }
0x18b: {  	v8 =	vmul.f32 v8, v9;
	v9 =	vbroadcast v0, $0x8;
	v10 =	vld [tilespmem:s5+$0x0]  }
0x18c: {  	v3 =	vadd.f32 v5, v3;
	v1 =	vadd.f32 v2, v1;
	v2 =	vmul.f32 v11, v7;
	v5 =	vld [tilespmem:s5+$0x10]  }
0x18d: {  	v4 =	vmul.f32 v4, v7;
	v7 =	vbroadcast v0, $0x9;
	v11 =	vld [tilespmem:s1+$0x0]  }
0x18e: {  	v3 =	vadd.f32 v8, v3;
	v1 =	vadd.f32 v2, v1;
	v2 =	vmul.f32 v12, v9;
	v8 =	vld [tilespmem:s1+$0x10]  }
0x18f: {  	v6 =	vmul.f32 v6, v9;
	v9 =	vbroadcast v0, $0xA;
	v12 =	vld [tilespmem:s31+$0x0]  }
0x190: {  	v3 =	vadd.f32 v4, v3;
	v1 =	vadd.f32 v2, v1;
	v2 =	vmul.f32 v10, v7;
	v4 =	vld [tilespmem:s31+$0x10]  }
0x191: {  	v5 =	vmul.f32 v5, v7;
	v7 =	vbroadcast v0, $0xB;
	v10 =	vld [tilespmem:s30+$0x0]  }
0x192: {  	v3 =	vadd.f32 v6, v3;
	v1 =	vadd.f32 v2, v1;
	v2 =	vmul.f32 v11, v9;
	v6 =	vld [tilespmem:s30+$0x10]  }
0x193: {  	v8 =	vmul.f32 v8, v9;
	v9 =	vbroadcast v0, $0xC;
	v11 =	vld [tilespmem:s29+$0x0]  }
0x194: {  	v3 =	vadd.f32 v5, v3;
	v1 =	vadd.f32 v2, v1;
	v2 =	vmul.f32 v12, v7;
	v5 =	vld [tilespmem:s29+$0x10]  }
0x195: {  	v4 =	vmul.f32 v4, v7;
	v7 =	vbroadcast v0, $0xD;
	v12 =	vld [tilespmem:s28+$0x0]  }
0x196: {  	v3 =	vadd.f32 v8, v3;
	v1 =	vadd.f32 v2, v1;
	v2 =	vmul.f32 v10, v9;
	v8 =	vld [tilespmem:s28+$0x10]  }
0x197: {  	v6 =	vmul.f32 v6, v9;
	v9 =	vbroadcast v0, $0xE;
	v10 =	vld [tilespmem:s26+$0x0]  }
0x198: {  	v3 =	vadd.f32 v4, v3;
	v1 =	vadd.f32 v2, v1;
	v2 =	vmul.f32 v11, v7;
	v4 =	vld [tilespmem:s26+$0x10]  }
0x199: {  	v0 =	vbroadcast v0, $0xF;
	v5 =	vmul.f32 v5, v7  }
.Ltmp2:
0x19a: {  	v3 =	vadd.f32 v6, v3;
	v1 =	vadd.f32 v2, v1;
	v2 =	vmul.f32 v12, v9;
	(pc) =	sbr.rel @p0 .LBB2_6-.Ltmp2, $4  }
0x19b: {  	v6 =	vmul.f32 v8, v9  }
0x19c: {  	v3 =	vadd.f32 v5, v3;
	v5 =	vadd.f32 v2, v1;
	v7 =	vmul.f32 v10, v0  }
0x19d: {  	v1 =	vmul.f32 v4, v0  }
0x19e: {  	v2 =	vadd.f32 v6, v3;
	v0 =	vadd.f32 v7, v5  }
0x19f: {  	_ = 	snop  }
0x1a0: {  	s22 =	sadd.s32 $0x1, s22;
	v1 =	vadd.f32 v1, v2  }
0x1a1: {  	[tilespmem:s25+$0xFFFFFFF0] =	vst v0;
	p0 =	sne.s32 s22, s15  }
.Ltmp3:
0x1a2: {  	[tilespmem:s25+$0x0] =	vst v1;
	(pc) =	sbr.rel @p0 .LBB2_1-.Ltmp3, $4  }
0x1a3: {  	[hbm4b:s14+s16] =	stream.strided.scatter [tilespmem:s21], [sflag:$0x1], $0xA000, s17, s16, $0x38;
	[tilespmem:$0x1C000] =	vst v63  }
0x1a4: {  	_ =	swait.ge [sflag:s18], $0xA000  }
0x1a5: {  	[sflag:s18] =	ssyncset.done $0x0  }
0x1a6: {  	[sflag:s18] =	ssyncadd.s32 $0xFFFF6000  }
0x1a7: {  	_ =	sfence.sel $0x180000  }
0x1a8: {  	[bflag:$0x0] =	sbarrier.arrive $0xFFFF  }
0x1a9: {  	_ =	strace $0x90000047  }
0x1aa: {  	s0 =	stileid.u32;
	[bflag:$0x2] =	sbarrier.arrive $0xFFFF  }
0x1ab: {  	p0 =	sne.s32 s0, $0x0;
	s0 =	rddreg [dreg:$0x1]  }
0x1ac: {  	s0 =	sadd.s32 @!p0 $0x100000, s0  }
0x1ad: {  	[sflag:s0] =	ssyncadd.tile.s32 @!p0 $0x1;
	_ =	shalt  }
.Lfunc_end2:
_tile_overlayer_lowered:
.L_overlay_start_2:
0x1ae: {  	(tag) =	ssettag $0x2  }
0x1af: {  	s0 =	rddreg [dreg:$0x0];
	s2 =	stileid.u32  }
0x1b0: {  	s1 =	rddreg [dreg:$0x1];
	p0 =	sne.s32 s2, $0x0  }
0x1b1: {  	s3 =	rddreg [dreg:$0x2];
	[bflag:$0x3] =	sbarrier.arrive $0xFFFF;
	s2 =	simm.s32 @!p0 $0x1C01  }
0x1b2: {  	[timem:s3], [sflag:s2] =	dma.local @!p0 [hbm:s0], s1  }
0x1b3: {  	s0 =	simm.s32 @!p0 $0x1  }
0x1b4: {  	_ =	swait.ge @!p0 [sflag:s0], s1  }
0x1b5: {  	s1 =	ssub.s32 @!p0 $0x0, s1;
	[sflag:s0] =	ssyncset.done @!p0 $0x0  }
0x1b6: {  	[sflag:s0] =	ssyncadd.s32 @!p0 s1  }
0x1b7: {  	[bflag:$0x3] =	sbarrier.arrive $0xFFFF  }
0x1b8: {  	_ =	shalt  }

</sc_bundles>
